<compile_context>
chip_gen: v7x
topology: tpu7x:2x2x1
jax: 0.10.2.dev20260603
libtpu: 0.0.44.dev20260713+nightly
codegen_flags: <defaults>
</compile_context>

<pallas_src>
import functools

import jax
import jax.numpy as jnp
from jax import lax
from jax.experimental import pallas as pl
from jax.experimental.pallas import tpu as pltpu
from jax.experimental.pallas import tpu_sc as plsc

_N = 10000
_E = 320000
_D = 128
_G = 128
_NC = 2
_NS = 16
_NW = _NC * _NS
_K = 80
_NCHUNK = 125
_EPW = _NCHUNK * _K
_NBUF = 3
_NGRP = 41
_RPS = 624
_TAIL = _N - _NS * _RPS

_RB = 400
_NRB = _N // _RB


def _segsum_body(h_hbm, src_hbm, dst_hbm, zeros_hbm, out_hbm,
                 acc_sh, si0, si1, si2, di0, di1, di2, r0, r1, r2,
                 g0, g1, g2, s0, s1, s2, i0, i1, i2):
    sidx = (si0, si1, si2)
    didx = (di0, di1, di2)
    rows = (r0, r1, r2)
    gsem = (g0, g1, g2)
    ssem = (s0, s1, s2)
    isem = (i0, i1, i2)
    c = lax.axis_index("c")
    s = lax.axis_index("s")
    w = s * _NC + c
    base = w * _EPW

    pltpu.sync_copy(zeros_hbm.at[pl.ds(s * _RPS, _RPS)],
                    acc_sh.at[pl.ds(s * _RPS, _RPS)])

    @pl.when(s == _NS - 1)
    def _():
        pltpu.sync_copy(zeros_hbm.at[pl.ds(_NS * _RPS, _TAIL)],
                        acc_sh.at[pl.ds(_NS * _RPS, _TAIL)])

    plsc.subcore_barrier()

    def idxload(j, b):
        off = pl.multiple_of(base + j * _K, 8)
        pltpu.async_copy(src_hbm.at[pl.ds(off, _K)], sidx[b], isem[b])
        pltpu.async_copy(dst_hbm.at[pl.ds(off, _K)], didx[b], isem[b])

    def wait_idx(j, b):
        off = pl.multiple_of(base + j * _K, 8)
        pltpu.make_async_copy(src_hbm.at[pl.ds(off, _K)], sidx[b],
                              isem[b]).wait()
        pltpu.make_async_copy(dst_hbm.at[pl.ds(off, _K)], didx[b],
                              isem[b]).wait()

    def gather(b):
        pltpu.async_copy(h_hbm.at[sidx[b]], rows[b], gsem[b])

    def wait_gather(b):
        pltpu.make_async_copy(h_hbm.at[sidx[b]], rows[b], gsem[b]).wait()

    def scatter(b):
        pltpu.async_copy(rows[b], acc_sh.at[didx[b]], ssem[b], add=True)

    def wait_scatter(b):
        pltpu.make_async_copy(rows[b], acc_sh.at[didx[b]], ssem[b]).wait()

    for b in range(_NBUF):
        idxload(b, b)
    for b in range(_NBUF):
        wait_idx(b, b)
        gather(b)

    def group(gi, carry):
        j0 = gi * _NBUF
        for b in range(_NBUF):
            wait_gather(b)
            scatter(b)
        for b in range(_NBUF):
            wait_scatter(b)

            @pl.when(j0 + _NBUF + b < _NCHUNK)
            def _():
                idxload(j0 + _NBUF + b, b)

        for b in range(_NBUF):
            @pl.when(j0 + _NBUF + b < _NCHUNK)
            def _():
                wait_idx(j0 + _NBUF + b, b)
                gather(b)

        return carry

    lax.fori_loop(0, _NGRP, group, 0)
    for j in range(_NGRP * _NBUF, _NCHUNK):
        b = j % _NBUF
        wait_gather(b)
        scatter(b)
        wait_scatter(b)

    plsc.subcore_barrier()
    pltpu.sync_copy(acc_sh.at[pl.ds(s * _RPS, _RPS)],
                    out_hbm.at[pl.ds(c * _N + s * _RPS, _RPS)])

    @pl.when(s == _NS - 1)
    def _():
        pltpu.sync_copy(acc_sh.at[pl.ds(_NS * _RPS, _TAIL)],
                        out_hbm.at[pl.ds(c * _N + _NS * _RPS, _TAIL)])


_segsum = pl.kernel(
    _segsum_body,
    out_type=jax.ShapeDtypeStruct((_NC * _N, _D), jnp.float32),
    mesh=plsc.VectorSubcoreMesh(core_axis_name="c", subcore_axis_name="s",
                                num_cores=_NC, num_subcores=_NS),
    scratch_types=(
        [pltpu.VMEM_SHARED((_N, _D), jnp.float32)]
        + [pltpu.VMEM((_K,), jnp.int32) for _ in range(2 * _NBUF)]
        + [pltpu.VMEM((_K, _D), jnp.float32) for _ in range(_NBUF)]
        + [pltpu.SemaphoreType.DMA for _ in range(3 * _NBUF)]
    ),
)


def _mlp_body(hp, p0, p1, w1, b1, w2, b2, h2o, sums):
    t = pl.program_id(0)
    inp = hp[...] + p0[...] + p1[...]
    z = jnp.dot(inp, w1[...], preferred_element_type=jnp.float32) + b1[...]
    z = jnp.maximum(z, 0.0)
    h2 = jnp.dot(z, w2[...], preferred_element_type=jnp.float32) + b2[...]
    h2 = jnp.maximum(h2, 0.0)
    h2o[...] = h2

    @pl.when(t == 0)
    def _():
        sums[...] = jnp.zeros_like(sums)

    row = jnp.concatenate(
        [jnp.sum(h2, axis=0, keepdims=True),
         jnp.sum(h2 * h2, axis=0, keepdims=True),
         jnp.zeros((6, _D), jnp.float32)], axis=0)
    sums[...] += row


_mlp = pl.pallas_call(
    _mlp_body,
    grid=(_NRB,),
    in_specs=[
        pl.BlockSpec((_RB, _D), lambda t: (t, 0)),
        pl.BlockSpec((_RB, _D), lambda t: (t, 0)),
        pl.BlockSpec((_RB, _D), lambda t: (t, 0)),
        pl.BlockSpec((_D, _D), lambda t: (0, 0)),
        pl.BlockSpec((1, _D), lambda t: (0, 0)),
        pl.BlockSpec((_D, _D), lambda t: (0, 0)),
        pl.BlockSpec((1, _D), lambda t: (0, 0)),
    ],
    out_specs=[
        pl.BlockSpec((_RB, _D), lambda t: (t, 0)),
        pl.BlockSpec((8, _D), lambda t: (0, 0)),
    ],
    out_shape=[
        jax.ShapeDtypeStruct((_N, _D), jnp.float32),
        jax.ShapeDtypeStruct((8, _D), jnp.float32),
    ],
)


def _bn_body(h2, sums, gg, bb, out):
    mu = sums[0:1, :] * (1.0 / _N)
    ex2 = sums[1:2, :] * (1.0 / _N)
    var = ex2 - mu * mu
    inv = lax.rsqrt(var + 1e-5)
    out[...] = (h2[...] - mu) * (inv * gg[...]) + bb[...]


_bn = pl.pallas_call(
    _bn_body,
    grid=(_NRB,),
    in_specs=[
        pl.BlockSpec((_RB, _D), lambda t: (t, 0)),
        pl.BlockSpec((8, _D), lambda t: (0, 0)),
        pl.BlockSpec((1, _D), lambda t: (0, 0)),
        pl.BlockSpec((1, _D), lambda t: (0, 0)),
    ],
    out_specs=pl.BlockSpec((_RB, _D), lambda t: (t, 0)),
    out_shape=jax.ShapeDtypeStruct((_N, _D), jnp.float32),
)


def _head_body(b_ref, h0, h1, h2, p1w, pb1, p2w, pb2, yout, acc):
    t = pl.program_id(0)

    @pl.when(t == 0)
    def _():
        acc[...] = jnp.zeros_like(acc)

    bvec = b_ref[0, 0, :]
    iota = lax.broadcasted_iota(jnp.int32, (_G, _RB), 0)
    onehot = (bvec[None, :] == iota).astype(jnp.float32)
    for k, h in enumerate((h0, h1, h2)):
        acc[:, k * _D:(k + 1) * _D] += jnp.dot(
            onehot, h[...], preferred_element_type=jnp.float32)

    @pl.when(t == _NRB - 1)
    def _():
        pool = acc[...]
        z = jnp.dot(pool, p1w[...], preferred_element_type=jnp.float32) + pb1[...]
        z = jnp.maximum(z, 0.0)
        yout[...] = jnp.dot(z, p2w[...], preferred_element_type=jnp.float32) + pb2[...]


_head = pl.pallas_call(
    _head_body,
    grid=(_NRB,),
    in_specs=[
        pl.BlockSpec((1, 1, _RB), lambda t: (t, 0, 0)),
        pl.BlockSpec((_RB, _D), lambda t: (t, 0)),
        pl.BlockSpec((_RB, _D), lambda t: (t, 0)),
        pl.BlockSpec((_RB, _D), lambda t: (t, 0)),
        pl.BlockSpec((3 * _D, 3 * _D), lambda t: (0, 0)),
        pl.BlockSpec((1, 3 * _D), lambda t: (0, 0)),
        pl.BlockSpec((3 * _D, 3 * _D), lambda t: (0, 0)),
        pl.BlockSpec((1, 3 * _D), lambda t: (0, 0)),
    ],
    out_specs=pl.BlockSpec((_G, 3 * _D), lambda t: (0, 0)),
    out_shape=jax.ShapeDtypeStruct((_G, 3 * _D), jnp.float32),
    scratch_shapes=[pltpu.VMEM((_G, 3 * _D), jnp.float32)],
)


def kernel(x, edge_index, batch, num_graphs,
           W1_0, b1_0, W2_0, b2_0, g_0, be_0,
           W1_1, b1_1, W2_1, b2_1, g_1, be_1,
           W1_2, b1_2, W2_2, b2_2, g_2, be_2,
           P1, pb1, P2, pb2):
    src = edge_index[0].astype(jnp.int32)
    dst = edge_index[1].astype(jnp.int32)
    batch3 = batch.astype(jnp.int32).reshape(_NRB, 1, _RB)
    zeros = jnp.zeros((_N, _D), jnp.float32)

    layers = [
        (W1_0, b1_0.reshape(1, _D), W2_0, b2_0.reshape(1, _D),
         g_0.reshape(1, _D), be_0.reshape(1, _D)),
        (W1_1, b1_1.reshape(1, _D), W2_1, b2_1.reshape(1, _D),
         g_1.reshape(1, _D), be_1.reshape(1, _D)),
        (W1_2, b1_2.reshape(1, _D), W2_2, b2_2.reshape(1, _D),
         g_2.reshape(1, _D), be_2.reshape(1, _D)),
    ]

    h = x
    hs = []
    for (w1, b1, w2, b2, g, be) in layers:
        parts = _segsum(h, src, dst, zeros)
        h2, sums = _mlp(h, parts[:_N], parts[_N:], w1, b1, w2, b2)
        h = _bn(h2, sums, g, be)
        hs.append(h)

    y = _head(batch3, hs[0], hs[1], hs[2],
              P1, pb1.reshape(1, 3 * _D), P2, pb2.reshape(1, 3 * _D))
    return y

# --- scband reference (transcript-rebuilt; emitter-appended) ---
"""Pipeline reference for scband-simclr-17386027614471 (READ-ONLY COPY).

The authoritative reference and input builder live on the scoring server;
editing this copy changes nothing except your own understanding.
"""

import jax, jax.numpy as jnp
import numpy as np

N = 10000
E = 320000
D = 128
H = 128
L = 3
G = 128

def setup_inputs(seed: int = 0):
    key = jax.random.key(seed)
    inp = {}
    inp["x"] = jax.random.normal(jax.random.fold_in(key, 0), (N, D), dtype=jnp.float32)
    inp["edge_index"] = jax.random.randint(jax.random.fold_in(key, 1), (2, E), 0, N)
    inp["batch"] = jnp.sort(jax.random.randint(jax.random.fold_in(key, 2), (N,), 0, G))
    inp["num_graphs"] = G
    din = D
    for i in range(L):
        inp["W1_%d" % i] = jax.random.normal(jax.random.fold_in(key, 10 + i), (din, H), dtype=jnp.float32) / np.sqrt(din)
        inp["b1_%d" % i] = jnp.zeros((H,), dtype=jnp.float32)
        inp["W2_%d" % i] = jax.random.normal(jax.random.fold_in(key, 20 + i), (H, H), dtype=jnp.float32) / np.sqrt(H)
        inp["b2_%d" % i] = jnp.zeros((H,), dtype=jnp.float32)
        inp["g_%d" % i] = jnp.ones((H,), dtype=jnp.float32)
        inp["be_%d" % i] = jnp.zeros((H,), dtype=jnp.float32)
        din = H
    EMB = H * L
    inp["P1"] = jax.random.normal(jax.random.fold_in(key, 30), (EMB, EMB), dtype=jnp.float32) / np.sqrt(EMB)
    inp["pb1"] = jnp.zeros((EMB,), dtype=jnp.float32)
    inp["P2"] = jax.random.normal(jax.random.fold_in(key, 31), (EMB, EMB), dtype=jnp.float32) / np.sqrt(EMB)
    inp["pb2"] = jnp.zeros((EMB,), dtype=jnp.float32)
    return inp

def _forward(x, edge_index, batch, num_graphs, params):
    src = edge_index[0]
    dst = edge_index[1]
    n = x.shape[0]
    xs = []
    h = x
    for i in range(L):
        W1 = params["W1_%d" % i]
        b1 = params["b1_%d" % i]
        W2 = params["W2_%d" % i]
        b2 = params["b2_%d" % i]
        g = params["g_%d" % i]
        be = params["be_%d" % i]
        # GINConv with eps=0: nn((1+eps)*x + sum_{j in N(i)} x_j)
        agg = jax.ops.segment_sum(h[src], dst, num_segments=n)
        h2 = h + agg
        h2 = jnp.maximum(h2 @ W1 + b1, 0.0) @ W2 + b2
        # F.relu then BatchNorm1d (training-mode batch stats, biased var)
        h2 = jnp.maximum(h2, 0.0)
        mu = jnp.mean(h2, axis=0)
        var = jnp.var(h2, axis=0)
        h = (h2 - mu) / jnp.sqrt(var + 1e-5) * g + be
        xs.append(h)
    pools = [jax.ops.segment_sum(xi, batch, num_segments=G) for xi in xs]
    y = jnp.concatenate(pools, axis=1)
    y = jnp.maximum(y @ params["P1"] + params["pb1"], 0.0) @ params["P2"] + params["pb2"]
    y = y + jnp.zeros((), dtype=y.dtype) * jnp.asarray(num_graphs, dtype=y.dtype)
    return y

def reference(x, edge_index, batch, num_graphs,
              W1_0, b1_0, W2_0, b2_0, g_0, be_0,
              W1_1, b1_1, W2_1, b2_1, g_1, be_1,
              W1_2, b1_2, W2_2, b2_2, g_2, be_2,
              P1, pb1, P2, pb2):
    params = {
        "W1_0": W1_0, "b1_0": b1_0, "W2_0": W2_0, "b2_0": b2_0, "g_0": g_0, "be_0": be_0,
        "W1_1": W1_1, "b1_1": b1_1, "W2_1": W2_1, "b2_1": b2_1, "g_1": g_1, "be_1": be_1,
        "W1_2": W1_2, "b1_2": b1_2, "W2_2": W2_2, "b2_2": b2_2, "g_2": g_2, "be_2": be_2,
        "P1": P1, "pb1": pb1, "P2": P2, "pb2": pb2,
    }
    return _forward(x, edge_index, batch, num_graphs, params)

if __name__ == "__main__":
    import jax
    _d = setup_inputs()
    print(jax.jit(kernel)(*tuple(_d.values())))

</pallas_src>

<mosaic_0001>
#map = affine_map<(d0, d1) -> (0, 0)>
#map1 = affine_map<(d0, d1) -> (0)>
module attributes {stable_mosaic.version = 14 : i64} {
  func.func @_segsum_body(%arg0: i32, %arg1: i32, %arg2: memref<10000x128xf32, #tpu.memory_space<hbm>>, %arg3: memref<320000xi32, #tpu.memory_space<hbm>>, %arg4: memref<320000xi32, #tpu.memory_space<hbm>>, %arg5: memref<10000x128xf32, #tpu.memory_space<hbm>>, %arg6: memref<20000x128xf32, #tpu.memory_space<hbm>>, %arg7: memref<10000x128xf32, #tpu.memory_space<vmem_shared>>, %arg8: memref<80xi32, #tpu.memory_space<vmem>>, %arg9: memref<80xi32, #tpu.memory_space<vmem>>, %arg10: memref<80xi32, #tpu.memory_space<vmem>>, %arg11: memref<80xi32, #tpu.memory_space<vmem>>, %arg12: memref<80xi32, #tpu.memory_space<vmem>>, %arg13: memref<80xi32, #tpu.memory_space<vmem>>, %arg14: memref<80x128xf32, #tpu.memory_space<vmem>>, %arg15: memref<80x128xf32, #tpu.memory_space<vmem>>, %arg16: memref<80x128xf32, #tpu.memory_space<vmem>>, %arg17: memref<!tpu.dma_semaphore, #tpu.memory_space<semaphore_mem>>, %arg18: memref<!tpu.dma_semaphore, #tpu.memory_space<semaphore_mem>>, %arg19: memref<!tpu.dma_semaphore, #tpu.memory_space<semaphore_mem>>, %arg20: memref<!tpu.dma_semaphore, #tpu.memory_space<semaphore_mem>>, %arg21: memref<!tpu.dma_semaphore, #tpu.memory_space<semaphore_mem>>, %arg22: memref<!tpu.dma_semaphore, #tpu.memory_space<semaphore_mem>>, %arg23: memref<!tpu.dma_semaphore, #tpu.memory_space<semaphore_mem>>, %arg24: memref<!tpu.dma_semaphore, #tpu.memory_space<semaphore_mem>>, %arg25: memref<!tpu.dma_semaphore, #tpu.memory_space<semaphore_mem>>) attributes {dimension_semantics = [#tpu.dimension_semantics<core_parallel>, #tpu.dimension_semantics<subcore_parallel>], iteration_bounds = array<i64: 2, 16>, scalar_prefetch = 0 : i64, scratch_operands = 19 : i64, tpu.core_type = #tpu.core_type<sc_vector_subcore>, window_params = [{transform_indices = #map}, {transform_indices = #map1}, {transform_indices = #map1}, {transform_indices = #map}, {transform_indices = #map}]} {
    %mul3A = arith.constant 2 : i32
    %mul3A_0 = arith.muli %arg1, %mul3A : i32
    %add3A = arith.addi %mul3A_0, %arg0 : i32
    %mul3A_1 = arith.constant 10000 : i32
    %mul3A_2 = arith.muli %add3A, %mul3A_1 : i32
    %mul3A_3 = arith.constant 624 : i32
    %mul3A_4 = arith.muli %arg1, %mul3A_3 : i32
    %mul3A_5 = arith.constant 624 : i32
    %mul3A_6 = arith.muli %arg1, %mul3A_5 : i32
    "tpu.region"() ({
      %run_scoped3A = tpu.sem_alloc : memref<!tpu.dma_semaphore, #tpu.memory_space<semaphore_mem>>
      %dma_start3A_93 = arith.constant 0 : i32
      %dma_start3A_94 = tpu.memref_slice %arg7[%mul3A_6, %dma_start3A_93] : memref<10000x128xf32, #tpu.memory_space<vmem_shared>> -> memref<624x128xf32, #tpu.memory_space<vmem_shared>>
      %dma_start3A_95 = arith.constant 0 : i32
      %dma_start3A_96 = tpu.memref_slice %arg5[%mul3A_4, %dma_start3A_95] : memref<10000x128xf32, #tpu.memory_space<hbm>> -> memref<624x128xf32, #tpu.memory_space<hbm>>
      tpu.enqueue_dma source(%dma_start3A_96 : memref<624x128xf32, #tpu.memory_space<hbm>>) target(%dma_start3A_94 : memref<624x128xf32, #tpu.memory_space<vmem_shared>>) target_semaphore(%run_scoped3A : memref<!tpu.dma_semaphore, #tpu.memory_space<semaphore_mem>>)
      %dma_wait3A_97 = arith.constant 0 : i32
      %dma_wait3A_98 = tpu.memref_slice %arg7[%mul3A_6, %dma_wait3A_97] : memref<10000x128xf32, #tpu.memory_space<vmem_shared>> -> memref<624x128xf32, #tpu.memory_space<vmem_shared>>
      %dma_wait3A_99 = arith.constant 0 : i32
      %dma_wait3A_100 = tpu.memref_slice %arg5[%mul3A_4, %dma_wait3A_99] : memref<10000x128xf32, #tpu.memory_space<hbm>> -> memref<624x128xf32, #tpu.memory_space<hbm>>
      tpu.wait_dma2 semaphore(%run_scoped3A : memref<!tpu.dma_semaphore, #tpu.memory_space<semaphore_mem>>) src(%dma_wait3A_100 : memref<624x128xf32, #tpu.memory_space<hbm>>) dst(%dma_wait3A_98 : memref<624x128xf32, #tpu.memory_space<vmem_shared>>)
      tpu.yield
    }) : () -> ()
    %eq3A = arith.constant 15 : i32
    %eq3A_7 = arith.cmpi eq, %arg1, %eq3A : i32
    %convert_element_type3A = arith.extui %eq3A_7 : i1 to i32
    %cond3A = arith.constant 0 : i32
    %cond3A_8 = arith.cmpi ne, %convert_element_type3A, %cond3A : i32
    scf.if %cond3A_8 {
      "tpu.region"() ({
        %run_scoped3A = tpu.sem_alloc : memref<!tpu.dma_semaphore, #tpu.memory_space<semaphore_mem>>
        %dma_start3A_93 = arith.constant 9984 : i32
        %dma_start3A_94 = arith.constant 0 : i32
        %dma_start3A_95 = tpu.memref_slice %arg7[%dma_start3A_93, %dma_start3A_94] : memref<10000x128xf32, #tpu.memory_space<vmem_shared>> -> memref<16x128xf32, #tpu.memory_space<vmem_shared>>
        %dma_start3A_96 = arith.constant 9984 : i32
        %dma_start3A_97 = arith.constant 0 : i32
        %dma_start3A_98 = tpu.memref_slice %arg5[%dma_start3A_96, %dma_start3A_97] : memref<10000x128xf32, #tpu.memory_space<hbm>> -> memref<16x128xf32, #tpu.memory_space<hbm>>
        tpu.enqueue_dma source(%dma_start3A_98 : memref<16x128xf32, #tpu.memory_space<hbm>>) target(%dma_start3A_95 : memref<16x128xf32, #tpu.memory_space<vmem_shared>>) target_semaphore(%run_scoped3A : memref<!tpu.dma_semaphore, #tpu.memory_space<semaphore_mem>>)
        %dma_wait3A_99 = arith.constant 9984 : i32
        %dma_wait3A_100 = arith.constant 0 : i32
        %dma_wait3A_101 = tpu.memref_slice %arg7[%dma_wait3A_99, %dma_wait3A_100] : memref<10000x128xf32, #tpu.memory_space<vmem_shared>> -> memref<16x128xf32, #tpu.memory_space<vmem_shared>>
        %dma_wait3A_102 = arith.constant 9984 : i32
        %dma_wait3A_103 = arith.constant 0 : i32
        %dma_wait3A_104 = tpu.memref_slice %arg5[%dma_wait3A_102, %dma_wait3A_103] : memref<10000x128xf32, #tpu.memory_space<hbm>> -> memref<16x128xf32, #tpu.memory_space<hbm>>
        tpu.wait_dma2 semaphore(%run_scoped3A : memref<!tpu.dma_semaphore, #tpu.memory_space<semaphore_mem>>) src(%dma_wait3A_104 : memref<16x128xf32, #tpu.memory_space<hbm>>) dst(%dma_wait3A_101 : memref<16x128xf32, #tpu.memory_space<vmem_shared>>)
        tpu.yield
      }) : () -> ()
    } else {
    }
    %barrier3A = arith.constant 0 : index
    tpu.barrier barrier_id(%barrier3A)
    %add3A_9 = arith.constant 0 : i32
    %add3A_10 = arith.addi %mul3A_2, %add3A_9 : i32
    %multiple_of3A = tpu.assume_multiple %add3A_10, 8 : i32
    %dma_start3A = tpu.memref_slice %arg3[%multiple_of3A] : memref<320000xi32, #tpu.memory_space<hbm>> -> memref<80xi32, #tpu.memory_space<hbm>>
    %dma_start3A_11 = tpu.memref_slice %arg3[%multiple_of3A] : memref<320000xi32, #tpu.memory_space<hbm>> -> memref<80xi32, #tpu.memory_space<hbm>>
    tpu.enqueue_dma source(%dma_start3A_11 : memref<80xi32, #tpu.memory_space<hbm>>) target(%arg8 : memref<80xi32, #tpu.memory_space<vmem>>) target_semaphore(%arg23 : memref<!tpu.dma_semaphore, #tpu.memory_space<semaphore_mem>>)
    %dma_start3A_12 = tpu.memref_slice %arg4[%multiple_of3A] : memref<320000xi32, #tpu.memory_space<hbm>> -> memref<80xi32, #tpu.memory_space<hbm>>
    %dma_start3A_13 = tpu.memref_slice %arg4[%multiple_of3A] : memref<320000xi32, #tpu.memory_space<hbm>> -> memref<80xi32, #tpu.memory_space<hbm>>
    tpu.enqueue_dma source(%dma_start3A_13 : memref<80xi32, #tpu.memory_space<hbm>>) target(%arg11 : memref<80xi32, #tpu.memory_space<vmem>>) target_semaphore(%arg23 : memref<!tpu.dma_semaphore, #tpu.memory_space<semaphore_mem>>)
    %add3A_14 = arith.constant 80 : i32
    %add3A_15 = arith.addi %mul3A_2, %add3A_14 : i32
    %multiple_of3A_16 = tpu.assume_multiple %add3A_15, 8 : i32
    %dma_start3A_17 = tpu.memref_slice %arg3[%multiple_of3A_16] : memref<320000xi32, #tpu.memory_space<hbm>> -> memref<80xi32, #tpu.memory_space<hbm>>
    %dma_start3A_18 = tpu.memref_slice %arg3[%multiple_of3A_16] : memref<320000xi32, #tpu.memory_space<hbm>> -> memref<80xi32, #tpu.memory_space<hbm>>
    tpu.enqueue_dma source(%dma_start3A_18 : memref<80xi32, #tpu.memory_space<hbm>>) target(%arg9 : memref<80xi32, #tpu.memory_space<vmem>>) target_semaphore(%arg24 : memref<!tpu.dma_semaphore, #tpu.memory_space<semaphore_mem>>)
    %dma_start3A_19 = tpu.memref_slice %arg4[%multiple_of3A_16] : memref<320000xi32, #tpu.memory_space<hbm>> -> memref<80xi32, #tpu.memory_space<hbm>>
    %dma_start3A_20 = tpu.memref_slice %arg4[%multiple_of3A_16] : memref<320000xi32, #tpu.memory_space<hbm>> -> memref<80xi32, #tpu.memory_space<hbm>>
    tpu.enqueue_dma source(%dma_start3A_20 : memref<80xi32, #tpu.memory_space<hbm>>) target(%arg12 : memref<80xi32, #tpu.memory_space<vmem>>) target_semaphore(%arg24 : memref<!tpu.dma_semaphore, #tpu.memory_space<semaphore_mem>>)
    %add3A_21 = arith.constant 160 : i32
    %add3A_22 = arith.addi %mul3A_2, %add3A_21 : i32
    %multiple_of3A_23 = tpu.assume_multiple %add3A_22, 8 : i32
    %dma_start3A_24 = tpu.memref_slice %arg3[%multiple_of3A_23] : memref<320000xi32, #tpu.memory_space<hbm>> -> memref<80xi32, #tpu.memory_space<hbm>>
    %dma_start3A_25 = tpu.memref_slice %arg3[%multiple_of3A_23] : memref<320000xi32, #tpu.memory_space<hbm>> -> memref<80xi32, #tpu.memory_space<hbm>>
    tpu.enqueue_dma source(%dma_start3A_25 : memref<80xi32, #tpu.memory_space<hbm>>) target(%arg10 : memref<80xi32, #tpu.memory_space<vmem>>) target_semaphore(%arg25 : memref<!tpu.dma_semaphore, #tpu.memory_space<semaphore_mem>>)
    %dma_start3A_26 = tpu.memref_slice %arg4[%multiple_of3A_23] : memref<320000xi32, #tpu.memory_space<hbm>> -> memref<80xi32, #tpu.memory_space<hbm>>
    %dma_start3A_27 = tpu.memref_slice %arg4[%multiple_of3A_23] : memref<320000xi32, #tpu.memory_space<hbm>> -> memref<80xi32, #tpu.memory_space<hbm>>
    tpu.enqueue_dma source(%dma_start3A_27 : memref<80xi32, #tpu.memory_space<hbm>>) target(%arg13 : memref<80xi32, #tpu.memory_space<vmem>>) target_semaphore(%arg25 : memref<!tpu.dma_semaphore, #tpu.memory_space<semaphore_mem>>)
    %add3A_28 = arith.constant 0 : i32
    %add3A_29 = arith.addi %mul3A_2, %add3A_28 : i32
    %multiple_of3A_30 = tpu.assume_multiple %add3A_29, 8 : i32
    %dma_wait3A = tpu.memref_slice %arg3[%multiple_of3A_30] : memref<320000xi32, #tpu.memory_space<hbm>> -> memref<80xi32, #tpu.memory_space<hbm>>
    %dma_wait3A_31 = tpu.memref_slice %arg3[%multiple_of3A_30] : memref<320000xi32, #tpu.memory_space<hbm>> -> memref<80xi32, #tpu.memory_space<hbm>>
    tpu.wait_dma2 semaphore(%arg23 : memref<!tpu.dma_semaphore, #tpu.memory_space<semaphore_mem>>) src(%dma_wait3A_31 : memref<80xi32, #tpu.memory_space<hbm>>) dst(%arg8 : memref<80xi32, #tpu.memory_space<vmem>>)
    %dma_wait3A_32 = tpu.memref_slice %arg4[%multiple_of3A_30] : memref<320000xi32, #tpu.memory_space<hbm>> -> memref<80xi32, #tpu.memory_space<hbm>>
    %dma_wait3A_33 = tpu.memref_slice %arg4[%multiple_of3A_30] : memref<320000xi32, #tpu.memory_space<hbm>> -> memref<80xi32, #tpu.memory_space<hbm>>
    tpu.wait_dma2 semaphore(%arg23 : memref<!tpu.dma_semaphore, #tpu.memory_space<semaphore_mem>>) src(%dma_wait3A_33 : memref<80xi32, #tpu.memory_space<hbm>>) dst(%arg11 : memref<80xi32, #tpu.memory_space<vmem>>)
    %dma_start3A_34 = arith.constant 0 : i32
    %dma_start3A_35 = arith.constant 0 : i32
    %dma_start3A_36 = tpu.memref_slice %arg2[%dma_start3A_34, %dma_start3A_35] : memref<10000x128xf32, #tpu.memory_space<hbm>> -> memref<10000x128xf32, #tpu.memory_space<hbm>>
    tpu.enqueue_indirect_dma source(%dma_start3A_36 : memref<10000x128xf32, #tpu.memory_space<hbm>>) target(%arg14 : memref<80x128xf32, #tpu.memory_space<vmem>>) offsets(%arg8 : memref<80xi32, #tpu.memory_space<vmem>>) semaphore(%arg17 : memref<!tpu.dma_semaphore, #tpu.memory_space<semaphore_mem>>)
    %add3A_37 = arith.constant 80 : i32
    %add3A_38 = arith.addi %mul3A_2, %add3A_37 : i32
    %multiple_of3A_39 = tpu.assume_multiple %add3A_38, 8 : i32
    %dma_wait3A_40 = tpu.memref_slice %arg3[%multiple_of3A_39] : memref<320000xi32, #tpu.memory_space<hbm>> -> memref<80xi32, #tpu.memory_space<hbm>>
    %dma_wait3A_41 = tpu.memref_slice %arg3[%multiple_of3A_39] : memref<320000xi32, #tpu.memory_space<hbm>> -> memref<80xi32, #tpu.memory_space<hbm>>
    tpu.wait_dma2 semaphore(%arg24 : memref<!tpu.dma_semaphore, #tpu.memory_space<semaphore_mem>>) src(%dma_wait3A_41 : memref<80xi32, #tpu.memory_space<hbm>>) dst(%arg9 : memref<80xi32, #tpu.memory_space<vmem>>)
    %dma_wait3A_42 = tpu.memref_slice %arg4[%multiple_of3A_39] : memref<320000xi32, #tpu.memory_space<hbm>> -> memref<80xi32, #tpu.memory_space<hbm>>
    %dma_wait3A_43 = tpu.memref_slice %arg4[%multiple_of3A_39] : memref<320000xi32, #tpu.memory_space<hbm>> -> memref<80xi32, #tpu.memory_space<hbm>>
    tpu.wait_dma2 semaphore(%arg24 : memref<!tpu.dma_semaphore, #tpu.memory_space<semaphore_mem>>) src(%dma_wait3A_43 : memref<80xi32, #tpu.memory_space<hbm>>) dst(%arg12 : memref<80xi32, #tpu.memory_space<vmem>>)
    %dma_start3A_44 = arith.constant 0 : i32
    %dma_start3A_45 = arith.constant 0 : i32
    %dma_start3A_46 = tpu.memref_slice %arg2[%dma_start3A_44, %dma_start3A_45] : memref<10000x128xf32, #tpu.memory_space<hbm>> -> memref<10000x128xf32, #tpu.memory_space<hbm>>
    tpu.enqueue_indirect_dma source(%dma_start3A_46 : memref<10000x128xf32, #tpu.memory_space<hbm>>) target(%arg15 : memref<80x128xf32, #tpu.memory_space<vmem>>) offsets(%arg9 : memref<80xi32, #tpu.memory_space<vmem>>) semaphore(%arg18 : memref<!tpu.dma_semaphore, #tpu.memory_space<semaphore_mem>>)
    %add3A_47 = arith.constant 160 : i32
    %add3A_48 = arith.addi %mul3A_2, %add3A_47 : i32
    %multiple_of3A_49 = tpu.assume_multiple %add3A_48, 8 : i32
    %dma_wait3A_50 = tpu.memref_slice %arg3[%multiple_of3A_49] : memref<320000xi32, #tpu.memory_space<hbm>> -> memref<80xi32, #tpu.memory_space<hbm>>
    %dma_wait3A_51 = tpu.memref_slice %arg3[%multiple_of3A_49] : memref<320000xi32, #tpu.memory_space<hbm>> -> memref<80xi32, #tpu.memory_space<hbm>>
    tpu.wait_dma2 semaphore(%arg25 : memref<!tpu.dma_semaphore, #tpu.memory_space<semaphore_mem>>) src(%dma_wait3A_51 : memref<80xi32, #tpu.memory_space<hbm>>) dst(%arg10 : memref<80xi32, #tpu.memory_space<vmem>>)
    %dma_wait3A_52 = tpu.memref_slice %arg4[%multiple_of3A_49] : memref<320000xi32, #tpu.memory_space<hbm>> -> memref<80xi32, #tpu.memory_space<hbm>>
    %dma_wait3A_53 = tpu.memref_slice %arg4[%multiple_of3A_49] : memref<320000xi32, #tpu.memory_space<hbm>> -> memref<80xi32, #tpu.memory_space<hbm>>
    tpu.wait_dma2 semaphore(%arg25 : memref<!tpu.dma_semaphore, #tpu.memory_space<semaphore_mem>>) src(%dma_wait3A_53 : memref<80xi32, #tpu.memory_space<hbm>>) dst(%arg13 : memref<80xi32, #tpu.memory_space<vmem>>)
    %dma_start3A_54 = arith.constant 0 : i32
    %dma_start3A_55 = arith.constant 0 : i32
    %dma_start3A_56 = tpu.memref_slice %arg2[%dma_start3A_54, %dma_start3A_55] : memref<10000x128xf32, #tpu.memory_space<hbm>> -> memref<10000x128xf32, #tpu.memory_space<hbm>>
    tpu.enqueue_indirect_dma source(%dma_start3A_56 : memref<10000x128xf32, #tpu.memory_space<hbm>>) target(%arg16 : memref<80x128xf32, #tpu.memory_space<vmem>>) offsets(%arg10 : memref<80xi32, #tpu.memory_space<vmem>>) semaphore(%arg19 : memref<!tpu.dma_semaphore, #tpu.memory_space<semaphore_mem>>)
    %scan3A = arith.constant 0 : i32
    %scan3A_57 = arith.constant 0 : i32
    %scan3A_58 = arith.constant 41 : i32
    %scan3A_59 = arith.addi %scan3A_57, %scan3A_58 : i32
    %scan3A_60 = arith.constant 1 : i32
    scf.for %scan3A_93 = %scan3A_57 to %scan3A_59 step %scan3A_60  : i32 {
      %mul3A_94 = arith.constant 3 : i32
      %mul3A_95 = arith.muli %scan3A_93, %mul3A_94 : i32
      %dma_wait3A_96 = arith.constant 0 : i32
      %dma_wait3A_97 = arith.constant 0 : i32
      %dma_wait3A_98 = tpu.memref_slice %arg2[%dma_wait3A_96, %dma_wait3A_97] : memref<10000x128xf32, #tpu.memory_space<hbm>> -> memref<10000x128xf32, #tpu.memory_space<hbm>>
      tpu.wait_indirect_dma semaphore(%arg17 : memref<!tpu.dma_semaphore, #tpu.memory_space<semaphore_mem>>) src(%dma_wait3A_98 : memref<10000x128xf32, #tpu.memory_space<hbm>>) dst(%arg14 : memref<80x128xf32, #tpu.memory_space<vmem>>)
      %dma_start3A_99 = arith.constant 0 : i32
      %dma_start3A_100 = arith.constant 0 : i32
      %dma_start3A_101 = tpu.memref_slice %arg7[%dma_start3A_99, %dma_start3A_100] : memref<10000x128xf32, #tpu.memory_space<vmem_shared>> -> memref<10000x128xf32, #tpu.memory_space<vmem_shared>>
      tpu.enqueue_indirect_dma source(%arg14 : memref<80x128xf32, #tpu.memory_space<vmem>>) target(%dma_start3A_101 : memref<10000x128xf32, #tpu.memory_space<vmem_shared>>) offsets(%arg11 : memref<80xi32, #tpu.memory_space<vmem>>) semaphore(%arg20 : memref<!tpu.dma_semaphore, #tpu.memory_space<semaphore_mem>>) {add = true}
      %dma_wait3A_102 = arith.constant 0 : i32
      %dma_wait3A_103 = arith.constant 0 : i32
      %dma_wait3A_104 = tpu.memref_slice %arg2[%dma_wait3A_102, %dma_wait3A_103] : memref<10000x128xf32, #tpu.memory_space<hbm>> -> memref<10000x128xf32, #tpu.memory_space<hbm>>
      tpu.wait_indirect_dma semaphore(%arg18 : memref<!tpu.dma_semaphore, #tpu.memory_space<semaphore_mem>>) src(%dma_wait3A_104 : memref<10000x128xf32, #tpu.memory_space<hbm>>) dst(%arg15 : memref<80x128xf32, #tpu.memory_space<vmem>>)
      %dma_start3A_105 = arith.constant 0 : i32
      %dma_start3A_106 = arith.constant 0 : i32
      %dma_start3A_107 = tpu.memref_slice %arg7[%dma_start3A_105, %dma_start3A_106] : memref<10000x128xf32, #tpu.memory_space<vmem_shared>> -> memref<10000x128xf32, #tpu.memory_space<vmem_shared>>
      tpu.enqueue_indirect_dma source(%arg15 : memref<80x128xf32, #tpu.memory_space<vmem>>) target(%dma_start3A_107 : memref<10000x128xf32, #tpu.memory_space<vmem_shared>>) offsets(%arg12 : memref<80xi32, #tpu.memory_space<vmem>>) semaphore(%arg21 : memref<!tpu.dma_semaphore, #tpu.memory_space<semaphore_mem>>) {add = true}
      %dma_wait3A_108 = arith.constant 0 : i32
      %dma_wait3A_109 = arith.constant 0 : i32
      %dma_wait3A_110 = tpu.memref_slice %arg2[%dma_wait3A_108, %dma_wait3A_109] : memref<10000x128xf32, #tpu.memory_space<hbm>> -> memref<10000x128xf32, #tpu.memory_space<hbm>>
      tpu.wait_indirect_dma semaphore(%arg19 : memref<!tpu.dma_semaphore, #tpu.memory_space<semaphore_mem>>) src(%dma_wait3A_110 : memref<10000x128xf32, #tpu.memory_space<hbm>>) dst(%arg16 : memref<80x128xf32, #tpu.memory_space<vmem>>)
      %dma_start3A_111 = arith.constant 0 : i32
      %dma_start3A_112 = arith.constant 0 : i32
      %dma_start3A_113 = tpu.memref_slice %arg7[%dma_start3A_111, %dma_start3A_112] : memref<10000x128xf32, #tpu.memory_space<vmem_shared>> -> memref<10000x128xf32, #tpu.memory_space<vmem_shared>>
      tpu.enqueue_indirect_dma source(%arg16 : memref<80x128xf32, #tpu.memory_space<vmem>>) target(%dma_start3A_113 : memref<10000x128xf32, #tpu.memory_space<vmem_shared>>) offsets(%arg13 : memref<80xi32, #tpu.memory_space<vmem>>) semaphore(%arg22 : memref<!tpu.dma_semaphore, #tpu.memory_space<semaphore_mem>>) {add = true}
      %dma_wait3A_114 = arith.constant 0 : i32
      %dma_wait3A_115 = arith.constant 0 : i32
      %dma_wait3A_116 = tpu.memref_slice %arg7[%dma_wait3A_114, %dma_wait3A_115] : memref<10000x128xf32, #tpu.memory_space<vmem_shared>> -> memref<10000x128xf32, #tpu.memory_space<vmem_shared>>
      tpu.wait_indirect_dma semaphore(%arg20 : memref<!tpu.dma_semaphore, #tpu.memory_space<semaphore_mem>>) src(%arg14 : memref<80x128xf32, #tpu.memory_space<vmem>>) dst(%dma_wait3A_116 : memref<10000x128xf32, #tpu.memory_space<vmem_shared>>)
      %add3A_117 = arith.constant 3 : i32
      %add3A_118 = arith.addi %mul3A_95, %add3A_117 : i32
      %add3A_119 = arith.constant 0 : i32
      %add3A_120 = arith.addi %add3A_118, %add3A_119 : i32
      %lt3A = arith.constant 125 : i32
      %lt3A_121 = arith.cmpi slt, %add3A_120, %lt3A : i32
      %convert_element_type3A_122 = arith.extui %lt3A_121 : i1 to i32
      %cond3A_123 = arith.constant 0 : i32
      %cond3A_124 = arith.cmpi ne, %convert_element_type3A_122, %cond3A_123 : i32
      scf.if %cond3A_124 {
        %add3A_176 = arith.constant 3 : i32
        %add3A_177 = arith.addi %mul3A_95, %add3A_176 : i32
        %add3A_178 = arith.constant 0 : i32
        %add3A_179 = arith.addi %add3A_177, %add3A_178 : i32
        %mul3A_180 = arith.constant 80 : i32
        %mul3A_181 = arith.muli %add3A_179, %mul3A_180 : i32
        %add3A_182 = arith.addi %mul3A_2, %mul3A_181 : i32
        %multiple_of3A_183 = tpu.assume_multiple %add3A_182, 8 : i32
        %dma_start3A_184 = tpu.memref_slice %arg3[%multiple_of3A_183] : memref<320000xi32, #tpu.memory_space<hbm>> -> memref<80xi32, #tpu.memory_space<hbm>>
        %dma_start3A_185 = tpu.memref_slice %arg3[%multiple_of3A_183] : memref<320000xi32, #tpu.memory_space<hbm>> -> memref<80xi32, #tpu.memory_space<hbm>>
        tpu.enqueue_dma source(%dma_start3A_185 : memref<80xi32, #tpu.memory_space<hbm>>) target(%arg8 : memref<80xi32, #tpu.memory_space<vmem>>) target_semaphore(%arg23 : memref<!tpu.dma_semaphore, #tpu.memory_space<semaphore_mem>>)
        %dma_start3A_186 = tpu.memref_slice %arg4[%multiple_of3A_183] : memref<320000xi32, #tpu.memory_space<hbm>> -> memref<80xi32, #tpu.memory_space<hbm>>
        %dma_start3A_187 = tpu.memref_slice %arg4[%multiple_of3A_183] : memref<320000xi32, #tpu.memory_space<hbm>> -> memref<80xi32, #tpu.memory_space<hbm>>
        tpu.enqueue_dma source(%dma_start3A_187 : memref<80xi32, #tpu.memory_space<hbm>>) target(%arg11 : memref<80xi32, #tpu.memory_space<vmem>>) target_semaphore(%arg23 : memref<!tpu.dma_semaphore, #tpu.memory_space<semaphore_mem>>)
      } else {
      }
      %dma_wait3A_125 = arith.constant 0 : i32
      %dma_wait3A_126 = arith.constant 0 : i32
      %dma_wait3A_127 = tpu.memref_slice %arg7[%dma_wait3A_125, %dma_wait3A_126] : memref<10000x128xf32, #tpu.memory_space<vmem_shared>> -> memref<10000x128xf32, #tpu.memory_space<vmem_shared>>
      tpu.wait_indirect_dma semaphore(%arg21 : memref<!tpu.dma_semaphore, #tpu.memory_space<semaphore_mem>>) src(%arg15 : memref<80x128xf32, #tpu.memory_space<vmem>>) dst(%dma_wait3A_127 : memref<10000x128xf32, #tpu.memory_space<vmem_shared>>)
      %add3A_128 = arith.constant 3 : i32
      %add3A_129 = arith.addi %mul3A_95, %add3A_128 : i32
      %add3A_130 = arith.constant 1 : i32
      %add3A_131 = arith.addi %add3A_129, %add3A_130 : i32
      %lt3A_132 = arith.constant 125 : i32
      %lt3A_133 = arith.cmpi slt, %add3A_131, %lt3A_132 : i32
      %convert_element_type3A_134 = arith.extui %lt3A_133 : i1 to i32
      %cond3A_135 = arith.constant 0 : i32
      %cond3A_136 = arith.cmpi ne, %convert_element_type3A_134, %cond3A_135 : i32
      scf.if %cond3A_136 {
        %add3A_176 = arith.constant 3 : i32
        %add3A_177 = arith.addi %mul3A_95, %add3A_176 : i32
        %add3A_178 = arith.constant 1 : i32
        %add3A_179 = arith.addi %add3A_177, %add3A_178 : i32
        %mul3A_180 = arith.constant 80 : i32
        %mul3A_181 = arith.muli %add3A_179, %mul3A_180 : i32
        %add3A_182 = arith.addi %mul3A_2, %mul3A_181 : i32
        %multiple_of3A_183 = tpu.assume_multiple %add3A_182, 8 : i32
        %dma_start3A_184 = tpu.memref_slice %arg3[%multiple_of3A_183] : memref<320000xi32, #tpu.memory_space<hbm>> -> memref<80xi32, #tpu.memory_space<hbm>>
        %dma_start3A_185 = tpu.memref_slice %arg3[%multiple_of3A_183] : memref<320000xi32, #tpu.memory_space<hbm>> -> memref<80xi32, #tpu.memory_space<hbm>>
        tpu.enqueue_dma source(%dma_start3A_185 : memref<80xi32, #tpu.memory_space<hbm>>) target(%arg9 : memref<80xi32, #tpu.memory_space<vmem>>) target_semaphore(%arg24 : memref<!tpu.dma_semaphore, #tpu.memory_space<semaphore_mem>>)
        %dma_start3A_186 = tpu.memref_slice %arg4[%multiple_of3A_183] : memref<320000xi32, #tpu.memory_space<hbm>> -> memref<80xi32, #tpu.memory_space<hbm>>
        %dma_start3A_187 = tpu.memref_slice %arg4[%multiple_of3A_183] : memref<320000xi32, #tpu.memory_space<hbm>> -> memref<80xi32, #tpu.memory_space<hbm>>
        tpu.enqueue_dma source(%dma_start3A_187 : memref<80xi32, #tpu.memory_space<hbm>>) target(%arg12 : memref<80xi32, #tpu.memory_space<vmem>>) target_semaphore(%arg24 : memref<!tpu.dma_semaphore, #tpu.memory_space<semaphore_mem>>)
      } else {
      }
      %dma_wait3A_137 = arith.constant 0 : i32
      %dma_wait3A_138 = arith.constant 0 : i32
      %dma_wait3A_139 = tpu.memref_slice %arg7[%dma_wait3A_137, %dma_wait3A_138] : memref<10000x128xf32, #tpu.memory_space<vmem_shared>> -> memref<10000x128xf32, #tpu.memory_space<vmem_shared>>
      tpu.wait_indirect_dma semaphore(%arg22 : memref<!tpu.dma_semaphore, #tpu.memory_space<semaphore_mem>>) src(%arg16 : memref<80x128xf32, #tpu.memory_space<vmem>>) dst(%dma_wait3A_139 : memref<10000x128xf32, #tpu.memory_space<vmem_shared>>)
      %add3A_140 = arith.constant 3 : i32
      %add3A_141 = arith.addi %mul3A_95, %add3A_140 : i32
      %add3A_142 = arith.constant 2 : i32
      %add3A_143 = arith.addi %add3A_141, %add3A_142 : i32
      %lt3A_144 = arith.constant 125 : i32
      %lt3A_145 = arith.cmpi slt, %add3A_143, %lt3A_144 : i32
      %convert_element_type3A_146 = arith.extui %lt3A_145 : i1 to i32
      %cond3A_147 = arith.constant 0 : i32
      %cond3A_148 = arith.cmpi ne, %convert_element_type3A_146, %cond3A_147 : i32
      scf.if %cond3A_148 {
        %add3A_176 = arith.constant 3 : i32
        %add3A_177 = arith.addi %mul3A_95, %add3A_176 : i32
        %add3A_178 = arith.constant 2 : i32
        %add3A_179 = arith.addi %add3A_177, %add3A_178 : i32
        %mul3A_180 = arith.constant 80 : i32
        %mul3A_181 = arith.muli %add3A_179, %mul3A_180 : i32
        %add3A_182 = arith.addi %mul3A_2, %mul3A_181 : i32
        %multiple_of3A_183 = tpu.assume_multiple %add3A_182, 8 : i32
        %dma_start3A_184 = tpu.memref_slice %arg3[%multiple_of3A_183] : memref<320000xi32, #tpu.memory_space<hbm>> -> memref<80xi32, #tpu.memory_space<hbm>>
        %dma_start3A_185 = tpu.memref_slice %arg3[%multiple_of3A_183] : memref<320000xi32, #tpu.memory_space<hbm>> -> memref<80xi32, #tpu.memory_space<hbm>>
        tpu.enqueue_dma source(%dma_start3A_185 : memref<80xi32, #tpu.memory_space<hbm>>) target(%arg10 : memref<80xi32, #tpu.memory_space<vmem>>) target_semaphore(%arg25 : memref<!tpu.dma_semaphore, #tpu.memory_space<semaphore_mem>>)
        %dma_start3A_186 = tpu.memref_slice %arg4[%multiple_of3A_183] : memref<320000xi32, #tpu.memory_space<hbm>> -> memref<80xi32, #tpu.memory_space<hbm>>
        %dma_start3A_187 = tpu.memref_slice %arg4[%multiple_of3A_183] : memref<320000xi32, #tpu.memory_space<hbm>> -> memref<80xi32, #tpu.memory_space<hbm>>
        tpu.enqueue_dma source(%dma_start3A_187 : memref<80xi32, #tpu.memory_space<hbm>>) target(%arg13 : memref<80xi32, #tpu.memory_space<vmem>>) target_semaphore(%arg25 : memref<!tpu.dma_semaphore, #tpu.memory_space<semaphore_mem>>)
      } else {
      }
      %add3A_149 = arith.constant 3 : i32
      %add3A_150 = arith.addi %mul3A_95, %add3A_149 : i32
      %add3A_151 = arith.constant 0 : i32
      %add3A_152 = arith.addi %add3A_150, %add3A_151 : i32
      %lt3A_153 = arith.constant 125 : i32
      %lt3A_154 = arith.cmpi slt, %add3A_152, %lt3A_153 : i32
      %convert_element_type3A_155 = arith.extui %lt3A_154 : i1 to i32
      %cond3A_156 = arith.constant 0 : i32
      %cond3A_157 = arith.cmpi ne, %convert_element_type3A_155, %cond3A_156 : i32
      scf.if %cond3A_157 {
        %add3A_176 = arith.constant 3 : i32
        %add3A_177 = arith.addi %mul3A_95, %add3A_176 : i32
        %add3A_178 = arith.constant 0 : i32
        %add3A_179 = arith.addi %add3A_177, %add3A_178 : i32
        %mul3A_180 = arith.constant 80 : i32
        %mul3A_181 = arith.muli %add3A_179, %mul3A_180 : i32
        %add3A_182 = arith.addi %mul3A_2, %mul3A_181 : i32
        %multiple_of3A_183 = tpu.assume_multiple %add3A_182, 8 : i32
        %dma_wait3A_184 = tpu.memref_slice %arg3[%multiple_of3A_183] : memref<320000xi32, #tpu.memory_space<hbm>> -> memref<80xi32, #tpu.memory_space<hbm>>
        %dma_wait3A_185 = tpu.memref_slice %arg3[%multiple_of3A_183] : memref<320000xi32, #tpu.memory_space<hbm>> -> memref<80xi32, #tpu.memory_space<hbm>>
        tpu.wait_dma2 semaphore(%arg23 : memref<!tpu.dma_semaphore, #tpu.memory_space<semaphore_mem>>) src(%dma_wait3A_185 : memref<80xi32, #tpu.memory_space<hbm>>) dst(%arg8 : memref<80xi32, #tpu.memory_space<vmem>>)
        %dma_wait3A_186 = tpu.memref_slice %arg4[%multiple_of3A_183] : memref<320000xi32, #tpu.memory_space<hbm>> -> memref<80xi32, #tpu.memory_space<hbm>>
        %dma_wait3A_187 = tpu.memref_slice %arg4[%multiple_of3A_183] : memref<320000xi32, #tpu.memory_space<hbm>> -> memref<80xi32, #tpu.memory_space<hbm>>
        tpu.wait_dma2 semaphore(%arg23 : memref<!tpu.dma_semaphore, #tpu.memory_space<semaphore_mem>>) src(%dma_wait3A_187 : memref<80xi32, #tpu.memory_space<hbm>>) dst(%arg11 : memref<80xi32, #tpu.memory_space<vmem>>)
        %dma_start3A_188 = arith.constant 0 : i32
        %dma_start3A_189 = arith.constant 0 : i32
        %dma_start3A_190 = tpu.memref_slice %arg2[%dma_start3A_188, %dma_start3A_189] : memref<10000x128xf32, #tpu.memory_space<hbm>> -> memref<10000x128xf32, #tpu.memory_space<hbm>>
        tpu.enqueue_indirect_dma source(%dma_start3A_190 : memref<10000x128xf32, #tpu.memory_space<hbm>>) target(%arg14 : memref<80x128xf32, #tpu.memory_space<vmem>>) offsets(%arg8 : memref<80xi32, #tpu.memory_space<vmem>>) semaphore(%arg17 : memref<!tpu.dma_semaphore, #tpu.memory_space<semaphore_mem>>)
      } else {
      }
      %add3A_158 = arith.constant 3 : i32
      %add3A_159 = arith.addi %mul3A_95, %add3A_158 : i32
      %add3A_160 = arith.constant 1 : i32
      %add3A_161 = arith.addi %add3A_159, %add3A_160 : i32
      %lt3A_162 = arith.constant 125 : i32
      %lt3A_163 = arith.cmpi slt, %add3A_161, %lt3A_162 : i32
      %convert_element_type3A_164 = arith.extui %lt3A_163 : i1 to i32
      %cond3A_165 = arith.constant 0 : i32
      %cond3A_166 = arith.cmpi ne, %convert_element_type3A_164, %cond3A_165 : i32
      scf.if %cond3A_166 {
        %add3A_176 = arith.constant 3 : i32
        %add3A_177 = arith.addi %mul3A_95, %add3A_176 : i32
        %add3A_178 = arith.constant 1 : i32
        %add3A_179 = arith.addi %add3A_177, %add3A_178 : i32
        %mul3A_180 = arith.constant 80 : i32
        %mul3A_181 = arith.muli %add3A_179, %mul3A_180 : i32
        %add3A_182 = arith.addi %mul3A_2, %mul3A_181 : i32
        %multiple_of3A_183 = tpu.assume_multiple %add3A_182, 8 : i32
        %dma_wait3A_184 = tpu.memref_slice %arg3[%multiple_of3A_183] : memref<320000xi32, #tpu.memory_space<hbm>> -> memref<80xi32, #tpu.memory_space<hbm>>
        %dma_wait3A_185 = tpu.memref_slice %arg3[%multiple_of3A_183] : memref<320000xi32, #tpu.memory_space<hbm>> -> memref<80xi32, #tpu.memory_space<hbm>>
        tpu.wait_dma2 semaphore(%arg24 : memref<!tpu.dma_semaphore, #tpu.memory_space<semaphore_mem>>) src(%dma_wait3A_185 : memref<80xi32, #tpu.memory_space<hbm>>) dst(%arg9 : memref<80xi32, #tpu.memory_space<vmem>>)
        %dma_wait3A_186 = tpu.memref_slice %arg4[%multiple_of3A_183] : memref<320000xi32, #tpu.memory_space<hbm>> -> memref<80xi32, #tpu.memory_space<hbm>>
        %dma_wait3A_187 = tpu.memref_slice %arg4[%multiple_of3A_183] : memref<320000xi32, #tpu.memory_space<hbm>> -> memref<80xi32, #tpu.memory_space<hbm>>
        tpu.wait_dma2 semaphore(%arg24 : memref<!tpu.dma_semaphore, #tpu.memory_space<semaphore_mem>>) src(%dma_wait3A_187 : memref<80xi32, #tpu.memory_space<hbm>>) dst(%arg12 : memref<80xi32, #tpu.memory_space<vmem>>)
        %dma_start3A_188 = arith.constant 0 : i32
        %dma_start3A_189 = arith.constant 0 : i32
        %dma_start3A_190 = tpu.memref_slice %arg2[%dma_start3A_188, %dma_start3A_189] : memref<10000x128xf32, #tpu.memory_space<hbm>> -> memref<10000x128xf32, #tpu.memory_space<hbm>>
        tpu.enqueue_indirect_dma source(%dma_start3A_190 : memref<10000x128xf32, #tpu.memory_space<hbm>>) target(%arg15 : memref<80x128xf32, #tpu.memory_space<vmem>>) offsets(%arg9 : memref<80xi32, #tpu.memory_space<vmem>>) semaphore(%arg18 : memref<!tpu.dma_semaphore, #tpu.memory_space<semaphore_mem>>)
      } else {
      }
      %add3A_167 = arith.constant 3 : i32
      %add3A_168 = arith.addi %mul3A_95, %add3A_167 : i32
      %add3A_169 = arith.constant 2 : i32
      %add3A_170 = arith.addi %add3A_168, %add3A_169 : i32
      %lt3A_171 = arith.constant 125 : i32
      %lt3A_172 = arith.cmpi slt, %add3A_170, %lt3A_171 : i32
      %convert_element_type3A_173 = arith.extui %lt3A_172 : i1 to i32
      %cond3A_174 = arith.constant 0 : i32
      %cond3A_175 = arith.cmpi ne, %convert_element_type3A_173, %cond3A_174 : i32
      scf.if %cond3A_175 {
        %add3A_176 = arith.constant 3 : i32
        %add3A_177 = arith.addi %mul3A_95, %add3A_176 : i32
        %add3A_178 = arith.constant 2 : i32
        %add3A_179 = arith.addi %add3A_177, %add3A_178 : i32
        %mul3A_180 = arith.constant 80 : i32
        %mul3A_181 = arith.muli %add3A_179, %mul3A_180 : i32
        %add3A_182 = arith.addi %mul3A_2, %mul3A_181 : i32
        %multiple_of3A_183 = tpu.assume_multiple %add3A_182, 8 : i32
        %dma_wait3A_184 = tpu.memref_slice %arg3[%multiple_of3A_183] : memref<320000xi32, #tpu.memory_space<hbm>> -> memref<80xi32, #tpu.memory_space<hbm>>
        %dma_wait3A_185 = tpu.memref_slice %arg3[%multiple_of3A_183] : memref<320000xi32, #tpu.memory_space<hbm>> -> memref<80xi32, #tpu.memory_space<hbm>>
        tpu.wait_dma2 semaphore(%arg25 : memref<!tpu.dma_semaphore, #tpu.memory_space<semaphore_mem>>) src(%dma_wait3A_185 : memref<80xi32, #tpu.memory_space<hbm>>) dst(%arg10 : memref<80xi32, #tpu.memory_space<vmem>>)
        %dma_wait3A_186 = tpu.memref_slice %arg4[%multiple_of3A_183] : memref<320000xi32, #tpu.memory_space<hbm>> -> memref<80xi32, #tpu.memory_space<hbm>>
        %dma_wait3A_187 = tpu.memref_slice %arg4[%multiple_of3A_183] : memref<320000xi32, #tpu.memory_space<hbm>> -> memref<80xi32, #tpu.memory_space<hbm>>
        tpu.wait_dma2 semaphore(%arg25 : memref<!tpu.dma_semaphore, #tpu.memory_space<semaphore_mem>>) src(%dma_wait3A_187 : memref<80xi32, #tpu.memory_space<hbm>>) dst(%arg13 : memref<80xi32, #tpu.memory_space<vmem>>)
        %dma_start3A_188 = arith.constant 0 : i32
        %dma_start3A_189 = arith.constant 0 : i32
        %dma_start3A_190 = tpu.memref_slice %arg2[%dma_start3A_188, %dma_start3A_189] : memref<10000x128xf32, #tpu.memory_space<hbm>> -> memref<10000x128xf32, #tpu.memory_space<hbm>>
        tpu.enqueue_indirect_dma source(%dma_start3A_190 : memref<10000x128xf32, #tpu.memory_space<hbm>>) target(%arg16 : memref<80x128xf32, #tpu.memory_space<vmem>>) offsets(%arg10 : memref<80xi32, #tpu.memory_space<vmem>>) semaphore(%arg19 : memref<!tpu.dma_semaphore, #tpu.memory_space<semaphore_mem>>)
      } else {
      }
    }
    %scan3A_61 = arith.constant 41 : i32
    %dma_wait3A_62 = arith.constant 0 : i32
    %dma_wait3A_63 = arith.constant 0 : i32
    %dma_wait3A_64 = tpu.memref_slice %arg2[%dma_wait3A_62, %dma_wait3A_63] : memref<10000x128xf32, #tpu.memory_space<hbm>> -> memref<10000x128xf32, #tpu.memory_space<hbm>>
    tpu.wait_indirect_dma semaphore(%arg17 : memref<!tpu.dma_semaphore, #tpu.memory_space<semaphore_mem>>) src(%dma_wait3A_64 : memref<10000x128xf32, #tpu.memory_space<hbm>>) dst(%arg14 : memref<80x128xf32, #tpu.memory_space<vmem>>)
    %dma_start3A_65 = arith.constant 0 : i32
    %dma_start3A_66 = arith.constant 0 : i32
    %dma_start3A_67 = tpu.memref_slice %arg7[%dma_start3A_65, %dma_start3A_66] : memref<10000x128xf32, #tpu.memory_space<vmem_shared>> -> memref<10000x128xf32, #tpu.memory_space<vmem_shared>>
    tpu.enqueue_indirect_dma source(%arg14 : memref<80x128xf32, #tpu.memory_space<vmem>>) target(%dma_start3A_67 : memref<10000x128xf32, #tpu.memory_space<vmem_shared>>) offsets(%arg11 : memref<80xi32, #tpu.memory_space<vmem>>) semaphore(%arg20 : memref<!tpu.dma_semaphore, #tpu.memory_space<semaphore_mem>>) {add = true}
    %dma_wait3A_68 = arith.constant 0 : i32
    %dma_wait3A_69 = arith.constant 0 : i32
    %dma_wait3A_70 = tpu.memref_slice %arg7[%dma_wait3A_68, %dma_wait3A_69] : memref<10000x128xf32, #tpu.memory_space<vmem_shared>> -> memref<10000x128xf32, #tpu.memory_space<vmem_shared>>
    tpu.wait_indirect_dma semaphore(%arg20 : memref<!tpu.dma_semaphore, #tpu.memory_space<semaphore_mem>>) src(%arg14 : memref<80x128xf32, #tpu.memory_space<vmem>>) dst(%dma_wait3A_70 : memref<10000x128xf32, #tpu.memory_space<vmem_shared>>)
    %dma_wait3A_71 = arith.constant 0 : i32
    %dma_wait3A_72 = arith.constant 0 : i32
    %dma_wait3A_73 = tpu.memref_slice %arg2[%dma_wait3A_71, %dma_wait3A_72] : memref<10000x128xf32, #tpu.memory_space<hbm>> -> memref<10000x128xf32, #tpu.memory_space<hbm>>
    tpu.wait_indirect_dma semaphore(%arg18 : memref<!tpu.dma_semaphore, #tpu.memory_space<semaphore_mem>>) src(%dma_wait3A_73 : memref<10000x128xf32, #tpu.memory_space<hbm>>) dst(%arg15 : memref<80x128xf32, #tpu.memory_space<vmem>>)
    %dma_start3A_74 = arith.constant 0 : i32
    %dma_start3A_75 = arith.constant 0 : i32
    %dma_start3A_76 = tpu.memref_slice %arg7[%dma_start3A_74, %dma_start3A_75] : memref<10000x128xf32, #tpu.memory_space<vmem_shared>> -> memref<10000x128xf32, #tpu.memory_space<vmem_shared>>
    tpu.enqueue_indirect_dma source(%arg15 : memref<80x128xf32, #tpu.memory_space<vmem>>) target(%dma_start3A_76 : memref<10000x128xf32, #tpu.memory_space<vmem_shared>>) offsets(%arg12 : memref<80xi32, #tpu.memory_space<vmem>>) semaphore(%arg21 : memref<!tpu.dma_semaphore, #tpu.memory_space<semaphore_mem>>) {add = true}
    %dma_wait3A_77 = arith.constant 0 : i32
    %dma_wait3A_78 = arith.constant 0 : i32
    %dma_wait3A_79 = tpu.memref_slice %arg7[%dma_wait3A_77, %dma_wait3A_78] : memref<10000x128xf32, #tpu.memory_space<vmem_shared>> -> memref<10000x128xf32, #tpu.memory_space<vmem_shared>>
    tpu.wait_indirect_dma semaphore(%arg21 : memref<!tpu.dma_semaphore, #tpu.memory_space<semaphore_mem>>) src(%arg15 : memref<80x128xf32, #tpu.memory_space<vmem>>) dst(%dma_wait3A_79 : memref<10000x128xf32, #tpu.memory_space<vmem_shared>>)
    %barrier3A_80 = arith.constant 0 : index
    tpu.barrier barrier_id(%barrier3A_80)
    %mul3A_81 = arith.constant 624 : i32
    %mul3A_82 = arith.muli %arg1, %mul3A_81 : i32
    %mul3A_83 = arith.constant 10000 : i32
    %mul3A_84 = arith.muli %arg0, %mul3A_83 : i32
    %mul3A_85 = arith.constant 624 : i32
    %mul3A_86 = arith.muli %arg1, %mul3A_85 : i32
    %add3A_87 = arith.addi %mul3A_84, %mul3A_86 : i32
    "tpu.region"() ({
      %run_scoped3A = tpu.sem_alloc : memref<!tpu.dma_semaphore, #tpu.memory_space<semaphore_mem>>
      %dma_start3A_93 = arith.constant 0 : i32
      %dma_start3A_94 = tpu.memref_slice %arg6[%add3A_87, %dma_start3A_93] : memref<20000x128xf32, #tpu.memory_space<hbm>> -> memref<624x128xf32, #tpu.memory_space<hbm>>
      %dma_start3A_95 = arith.constant 0 : i32
      %dma_start3A_96 = tpu.memref_slice %arg7[%mul3A_82, %dma_start3A_95] : memref<10000x128xf32, #tpu.memory_space<vmem_shared>> -> memref<624x128xf32, #tpu.memory_space<vmem_shared>>
      tpu.enqueue_dma source(%dma_start3A_96 : memref<624x128xf32, #tpu.memory_space<vmem_shared>>) target(%dma_start3A_94 : memref<624x128xf32, #tpu.memory_space<hbm>>) target_semaphore(%run_scoped3A : memref<!tpu.dma_semaphore, #tpu.memory_space<semaphore_mem>>)
      %dma_wait3A_97 = arith.constant 0 : i32
      %dma_wait3A_98 = tpu.memref_slice %arg6[%add3A_87, %dma_wait3A_97] : memref<20000x128xf32, #tpu.memory_space<hbm>> -> memref<624x128xf32, #tpu.memory_space<hbm>>
      %dma_wait3A_99 = arith.constant 0 : i32
      %dma_wait3A_100 = tpu.memref_slice %arg7[%mul3A_82, %dma_wait3A_99] : memref<10000x128xf32, #tpu.memory_space<vmem_shared>> -> memref<624x128xf32, #tpu.memory_space<vmem_shared>>
      tpu.wait_dma2 semaphore(%run_scoped3A : memref<!tpu.dma_semaphore, #tpu.memory_space<semaphore_mem>>) src(%dma_wait3A_100 : memref<624x128xf32, #tpu.memory_space<vmem_shared>>) dst(%dma_wait3A_98 : memref<624x128xf32, #tpu.memory_space<hbm>>)
      tpu.yield
    }) : () -> ()
    %eq3A_88 = arith.constant 15 : i32
    %eq3A_89 = arith.cmpi eq, %arg1, %eq3A_88 : i32
    %convert_element_type3A_90 = arith.extui %eq3A_89 : i1 to i32
    %cond3A_91 = arith.constant 0 : i32
    %cond3A_92 = arith.cmpi ne, %convert_element_type3A_90, %cond3A_91 : i32
    scf.if %cond3A_92 {
      %mul3A_93 = arith.constant 10000 : i32
      %mul3A_94 = arith.muli %arg0, %mul3A_93 : i32
      %add3A_95 = arith.constant 9984 : i32
      %add3A_96 = arith.addi %mul3A_94, %add3A_95 : i32
      "tpu.region"() ({
        %run_scoped3A = tpu.sem_alloc : memref<!tpu.dma_semaphore, #tpu.memory_space<semaphore_mem>>
        %dma_start3A_97 = arith.constant 0 : i32
        %dma_start3A_98 = tpu.memref_slice %arg6[%add3A_96, %dma_start3A_97] : memref<20000x128xf32, #tpu.memory_space<hbm>> -> memref<16x128xf32, #tpu.memory_space<hbm>>
        %dma_start3A_99 = arith.constant 9984 : i32
        %dma_start3A_100 = arith.constant 0 : i32
        %dma_start3A_101 = tpu.memref_slice %arg7[%dma_start3A_99, %dma_start3A_100] : memref<10000x128xf32, #tpu.memory_space<vmem_shared>> -> memref<16x128xf32, #tpu.memory_space<vmem_shared>>
        tpu.enqueue_dma source(%dma_start3A_101 : memref<16x128xf32, #tpu.memory_space<vmem_shared>>) target(%dma_start3A_98 : memref<16x128xf32, #tpu.memory_space<hbm>>) target_semaphore(%run_scoped3A : memref<!tpu.dma_semaphore, #tpu.memory_space<semaphore_mem>>)
        %dma_wait3A_102 = arith.constant 0 : i32
        %dma_wait3A_103 = tpu.memref_slice %arg6[%add3A_96, %dma_wait3A_102] : memref<20000x128xf32, #tpu.memory_space<hbm>> -> memref<16x128xf32, #tpu.memory_space<hbm>>
        %dma_wait3A_104 = arith.constant 9984 : i32
        %dma_wait3A_105 = arith.constant 0 : i32
        %dma_wait3A_106 = tpu.memref_slice %arg7[%dma_wait3A_104, %dma_wait3A_105] : memref<10000x128xf32, #tpu.memory_space<vmem_shared>> -> memref<16x128xf32, #tpu.memory_space<vmem_shared>>
        tpu.wait_dma2 semaphore(%run_scoped3A : memref<!tpu.dma_semaphore, #tpu.memory_space<semaphore_mem>>) src(%dma_wait3A_106 : memref<16x128xf32, #tpu.memory_space<vmem_shared>>) dst(%dma_wait3A_103 : memref<16x128xf32, #tpu.memory_space<hbm>>)
        tpu.yield
      }) : () -> ()
    } else {
    }
    return
  }
}

#map = affine_map<(d0, d1) -> (0, 0)>
#map1 = affine_map<(d0, d1) -> (0)>
module attributes {stable_mosaic.version = 14 : i64} {
  func.func @_segsum_body(%arg0: i32, %arg1: i32, %arg2: memref<10000x128xf32, #tpu.memory_space<hbm>>, %arg3: memref<320000xi32, #tpu.memory_space<hbm>>, %arg4: memref<320000xi32, #tpu.memory_space<hbm>>, %arg5: memref<10000x128xf32, #tpu.memory_space<hbm>>, %arg6: memref<20000x128xf32, #tpu.memory_space<hbm>>, %arg7: memref<10000x128xf32, #tpu.memory_space<vmem_shared>>, %arg8: memref<80xi32, #tpu.memory_space<vmem>>, %arg9: memref<80xi32, #tpu.memory_space<vmem>>, %arg10: memref<80xi32, #tpu.memory_space<vmem>>, %arg11: memref<80xi32, #tpu.memory_space<vmem>>, %arg12: memref<80xi32, #tpu.memory_space<vmem>>, %arg13: memref<80xi32, #tpu.memory_space<vmem>>, %arg14: memref<80x128xf32, #tpu.memory_space<vmem>>, %arg15: memref<80x128xf32, #tpu.memory_space<vmem>>, %arg16: memref<80x128xf32, #tpu.memory_space<vmem>>, %arg17: memref<!tpu.dma_semaphore, #tpu.memory_space<semaphore_mem>>, %arg18: memref<!tpu.dma_semaphore, #tpu.memory_space<semaphore_mem>>, %arg19: memref<!tpu.dma_semaphore, #tpu.memory_space<semaphore_mem>>, %arg20: memref<!tpu.dma_semaphore, #tpu.memory_space<semaphore_mem>>, %arg21: memref<!tpu.dma_semaphore, #tpu.memory_space<semaphore_mem>>, %arg22: memref<!tpu.dma_semaphore, #tpu.memory_space<semaphore_mem>>, %arg23: memref<!tpu.dma_semaphore, #tpu.memory_space<semaphore_mem>>, %arg24: memref<!tpu.dma_semaphore, #tpu.memory_space<semaphore_mem>>, %arg25: memref<!tpu.dma_semaphore, #tpu.memory_space<semaphore_mem>>) attributes {dimension_semantics = [#tpu.dimension_semantics<core_parallel>, #tpu.dimension_semantics<subcore_parallel>], iteration_bounds = array<i64: 2, 16>, scalar_prefetch = 0 : i64, scratch_operands = 19 : i64, tpu.core_type = #tpu.core_type<sc_vector_subcore>, window_params = [{transform_indices = #map}, {transform_indices = #map1}, {transform_indices = #map1}, {transform_indices = #map}, {transform_indices = #map}]} {
    %mul3A = arith.constant 2 : i32
    %mul3A_0 = arith.muli %arg1, %mul3A : i32
    %add3A = arith.addi %mul3A_0, %arg0 : i32
    %mul3A_1 = arith.constant 10000 : i32
    %mul3A_2 = arith.muli %add3A, %mul3A_1 : i32
    %mul3A_3 = arith.constant 624 : i32
    %mul3A_4 = arith.muli %arg1, %mul3A_3 : i32
    %mul3A_5 = arith.constant 624 : i32
    %mul3A_6 = arith.muli %arg1, %mul3A_5 : i32
    "tpu.region"() ({
      %run_scoped3A = tpu.sem_alloc : memref<!tpu.dma_semaphore, #tpu.memory_space<semaphore_mem>>
      %dma_start3A_93 = arith.constant 0 : i32
      %dma_start3A_94 = tpu.memref_slice %arg7[%mul3A_6, %dma_start3A_93] : memref<10000x128xf32, #tpu.memory_space<vmem_shared>> -> memref<624x128xf32, #tpu.memory_space<vmem_shared>>
      %dma_start3A_95 = arith.constant 0 : i32
      %dma_start3A_96 = tpu.memref_slice %arg5[%mul3A_4, %dma_start3A_95] : memref<10000x128xf32, #tpu.memory_space<hbm>> -> memref<624x128xf32, #tpu.memory_space<hbm>>
      tpu.enqueue_dma source(%dma_start3A_96 : memref<624x128xf32, #tpu.memory_space<hbm>>) target(%dma_start3A_94 : memref<624x128xf32, #tpu.memory_space<vmem_shared>>) target_semaphore(%run_scoped3A : memref<!tpu.dma_semaphore, #tpu.memory_space<semaphore_mem>>)
      %dma_wait3A_97 = arith.constant 0 : i32
      %dma_wait3A_98 = tpu.memref_slice %arg7[%mul3A_6, %dma_wait3A_97] : memref<10000x128xf32, #tpu.memory_space<vmem_shared>> -> memref<624x128xf32, #tpu.memory_space<vmem_shared>>
      %dma_wait3A_99 = arith.constant 0 : i32
      %dma_wait3A_100 = tpu.memref_slice %arg5[%mul3A_4, %dma_wait3A_99] : memref<10000x128xf32, #tpu.memory_space<hbm>> -> memref<624x128xf32, #tpu.memory_space<hbm>>
      tpu.wait_dma2 semaphore(%run_scoped3A : memref<!tpu.dma_semaphore, #tpu.memory_space<semaphore_mem>>) src(%dma_wait3A_100 : memref<624x128xf32, #tpu.memory_space<hbm>>) dst(%dma_wait3A_98 : memref<624x128xf32, #tpu.memory_space<vmem_shared>>)
      tpu.yield
    }) : () -> ()
    %eq3A = arith.constant 15 : i32
    %eq3A_7 = arith.cmpi eq, %arg1, %eq3A : i32
    %convert_element_type3A = arith.extui %eq3A_7 : i1 to i32
    %cond3A = arith.constant 0 : i32
    %cond3A_8 = arith.cmpi ne, %convert_element_type3A, %cond3A : i32
    scf.if %cond3A_8 {
      "tpu.region"() ({
        %run_scoped3A = tpu.sem_alloc : memref<!tpu.dma_semaphore, #tpu.memory_space<semaphore_mem>>
        %dma_start3A_93 = arith.constant 9984 : i32
        %dma_start3A_94 = arith.constant 0 : i32
        %dma_start3A_95 = tpu.memref_slice %arg7[%dma_start3A_93, %dma_start3A_94] : memref<10000x128xf32, #tpu.memory_space<vmem_shared>> -> memref<16x128xf32, #tpu.memory_space<vmem_shared>>
        %dma_start3A_96 = arith.constant 9984 : i32
        %dma_start3A_97 = arith.constant 0 : i32
        %dma_start3A_98 = tpu.memref_slice %arg5[%dma_start3A_96, %dma_start3A_97] : memref<10000x128xf32, #tpu.memory_space<hbm>> -> memref<16x128xf32, #tpu.memory_space<hbm>>
        tpu.enqueue_dma source(%dma_start3A_98 : memref<16x128xf32, #tpu.memory_space<hbm>>) target(%dma_start3A_95 : memref<16x128xf32, #tpu.memory_space<vmem_shared>>) target_semaphore(%run_scoped3A : memref<!tpu.dma_semaphore, #tpu.memory_space<semaphore_mem>>)
        %dma_wait3A_99 = arith.constant 9984 : i32
        %dma_wait3A_100 = arith.constant 0 : i32
        %dma_wait3A_101 = tpu.memref_slice %arg7[%dma_wait3A_99, %dma_wait3A_100] : memref<10000x128xf32, #tpu.memory_space<vmem_shared>> -> memref<16x128xf32, #tpu.memory_space<vmem_shared>>
        %dma_wait3A_102 = arith.constant 9984 : i32
        %dma_wait3A_103 = arith.constant 0 : i32
        %dma_wait3A_104 = tpu.memref_slice %arg5[%dma_wait3A_102, %dma_wait3A_103] : memref<10000x128xf32, #tpu.memory_space<hbm>> -> memref<16x128xf32, #tpu.memory_space<hbm>>
        tpu.wait_dma2 semaphore(%run_scoped3A : memref<!tpu.dma_semaphore, #tpu.memory_space<semaphore_mem>>) src(%dma_wait3A_104 : memref<16x128xf32, #tpu.memory_space<hbm>>) dst(%dma_wait3A_101 : memref<16x128xf32, #tpu.memory_space<vmem_shared>>)
        tpu.yield
      }) : () -> ()
    } else {
    }
    %barrier3A = arith.constant 0 : index
    tpu.barrier barrier_id(%barrier3A)
    %add3A_9 = arith.constant 0 : i32
    %add3A_10 = arith.addi %mul3A_2, %add3A_9 : i32
    %multiple_of3A = tpu.assume_multiple %add3A_10, 8 : i32
    %dma_start3A = tpu.memref_slice %arg3[%multiple_of3A] : memref<320000xi32, #tpu.memory_space<hbm>> -> memref<80xi32, #tpu.memory_space<hbm>>
    %dma_start3A_11 = tpu.memref_slice %arg3[%multiple_of3A] : memref<320000xi32, #tpu.memory_space<hbm>> -> memref<80xi32, #tpu.memory_space<hbm>>
    tpu.enqueue_dma source(%dma_start3A_11 : memref<80xi32, #tpu.memory_space<hbm>>) target(%arg8 : memref<80xi32, #tpu.memory_space<vmem>>) target_semaphore(%arg23 : memref<!tpu.dma_semaphore, #tpu.memory_space<semaphore_mem>>)
    %dma_start3A_12 = tpu.memref_slice %arg4[%multiple_of3A] : memref<320000xi32, #tpu.memory_space<hbm>> -> memref<80xi32, #tpu.memory_space<hbm>>
    %dma_start3A_13 = tpu.memref_slice %arg4[%multiple_of3A] : memref<320000xi32, #tpu.memory_space<hbm>> -> memref<80xi32, #tpu.memory_space<hbm>>
    tpu.enqueue_dma source(%dma_start3A_13 : memref<80xi32, #tpu.memory_space<hbm>>) target(%arg11 : memref<80xi32, #tpu.memory_space<vmem>>) target_semaphore(%arg23 : memref<!tpu.dma_semaphore, #tpu.memory_space<semaphore_mem>>)
    %add3A_14 = arith.constant 80 : i32
    %add3A_15 = arith.addi %mul3A_2, %add3A_14 : i32
    %multiple_of3A_16 = tpu.assume_multiple %add3A_15, 8 : i32
    %dma_start3A_17 = tpu.memref_slice %arg3[%multiple_of3A_16] : memref<320000xi32, #tpu.memory_space<hbm>> -> memref<80xi32, #tpu.memory_space<hbm>>
    %dma_start3A_18 = tpu.memref_slice %arg3[%multiple_of3A_16] : memref<320000xi32, #tpu.memory_space<hbm>> -> memref<80xi32, #tpu.memory_space<hbm>>
    tpu.enqueue_dma source(%dma_start3A_18 : memref<80xi32, #tpu.memory_space<hbm>>) target(%arg9 : memref<80xi32, #tpu.memory_space<vmem>>) target_semaphore(%arg24 : memref<!tpu.dma_semaphore, #tpu.memory_space<semaphore_mem>>)
    %dma_start3A_19 = tpu.memref_slice %arg4[%multiple_of3A_16] : memref<320000xi32, #tpu.memory_space<hbm>> -> memref<80xi32, #tpu.memory_space<hbm>>
    %dma_start3A_20 = tpu.memref_slice %arg4[%multiple_of3A_16] : memref<320000xi32, #tpu.memory_space<hbm>> -> memref<80xi32, #tpu.memory_space<hbm>>
    tpu.enqueue_dma source(%dma_start3A_20 : memref<80xi32, #tpu.memory_space<hbm>>) target(%arg12 : memref<80xi32, #tpu.memory_space<vmem>>) target_semaphore(%arg24 : memref<!tpu.dma_semaphore, #tpu.memory_space<semaphore_mem>>)
    %add3A_21 = arith.constant 160 : i32
    %add3A_22 = arith.addi %mul3A_2, %add3A_21 : i32
    %multiple_of3A_23 = tpu.assume_multiple %add3A_22, 8 : i32
    %dma_start3A_24 = tpu.memref_slice %arg3[%multiple_of3A_23] : memref<320000xi32, #tpu.memory_space<hbm>> -> memref<80xi32, #tpu.memory_space<hbm>>
    %dma_start3A_25 = tpu.memref_slice %arg3[%multiple_of3A_23] : memref<320000xi32, #tpu.memory_space<hbm>> -> memref<80xi32, #tpu.memory_space<hbm>>
    tpu.enqueue_dma source(%dma_start3A_25 : memref<80xi32, #tpu.memory_space<hbm>>) target(%arg10 : memref<80xi32, #tpu.memory_space<vmem>>) target_semaphore(%arg25 : memref<!tpu.dma_semaphore, #tpu.memory_space<semaphore_mem>>)
    %dma_start3A_26 = tpu.memref_slice %arg4[%multiple_of3A_23] : memref<320000xi32, #tpu.memory_space<hbm>> -> memref<80xi32, #tpu.memory_space<hbm>>
    %dma_start3A_27 = tpu.memref_slice %arg4[%multiple_of3A_23] : memref<320000xi32, #tpu.memory_space<hbm>> -> memref<80xi32, #tpu.memory_space<hbm>>
    tpu.enqueue_dma source(%dma_start3A_27 : memref<80xi32, #tpu.memory_space<hbm>>) target(%arg13 : memref<80xi32, #tpu.memory_space<vmem>>) target_semaphore(%arg25 : memref<!tpu.dma_semaphore, #tpu.memory_space<semaphore_mem>>)
    %add3A_28 = arith.constant 0 : i32
    %add3A_29 = arith.addi %mul3A_2, %add3A_28 : i32
    %multiple_of3A_30 = tpu.assume_multiple %add3A_29, 8 : i32
    %dma_wait3A = tpu.memref_slice %arg3[%multiple_of3A_30] : memref<320000xi32, #tpu.memory_space<hbm>> -> memref<80xi32, #tpu.memory_space<hbm>>
    %dma_wait3A_31 = tpu.memref_slice %arg3[%multiple_of3A_30] : memref<320000xi32, #tpu.memory_space<hbm>> -> memref<80xi32, #tpu.memory_space<hbm>>
    tpu.wait_dma2 semaphore(%arg23 : memref<!tpu.dma_semaphore, #tpu.memory_space<semaphore_mem>>) src(%dma_wait3A_31 : memref<80xi32, #tpu.memory_space<hbm>>) dst(%arg8 : memref<80xi32, #tpu.memory_space<vmem>>)
    %dma_wait3A_32 = tpu.memref_slice %arg4[%multiple_of3A_30] : memref<320000xi32, #tpu.memory_space<hbm>> -> memref<80xi32, #tpu.memory_space<hbm>>
    %dma_wait3A_33 = tpu.memref_slice %arg4[%multiple_of3A_30] : memref<320000xi32, #tpu.memory_space<hbm>> -> memref<80xi32, #tpu.memory_space<hbm>>
    tpu.wait_dma2 semaphore(%arg23 : memref<!tpu.dma_semaphore, #tpu.memory_space<semaphore_mem>>) src(%dma_wait3A_33 : memref<80xi32, #tpu.memory_space<hbm>>) dst(%arg11 : memref<80xi32, #tpu.memory_space<vmem>>)
    %dma_start3A_34 = arith.constant 0 : i32
    %dma_start3A_35 = arith.constant 0 : i32
    %dma_start3A_36 = tpu.memref_slice %arg2[%dma_start3A_34, %dma_start3A_35] : memref<10000x128xf32, #tpu.memory_space<hbm>> -> memref<10000x128xf32, #tpu.memory_space<hbm>>
    tpu.enqueue_indirect_dma source(%dma_start3A_36 : memref<10000x128xf32, #tpu.memory_space<hbm>>) target(%arg14 : memref<80x128xf32, #tpu.memory_space<vmem>>) offsets(%arg8 : memref<80xi32, #tpu.memory_space<vmem>>) semaphore(%arg17 : memref<!tpu.dma_semaphore, #tpu.memory_space<semaphore_mem>>)
    %add3A_37 = arith.constant 80 : i32
    %add3A_38 = arith.addi %mul3A_2, %add3A_37 : i32
    %multiple_of3A_39 = tpu.assume_multiple %add3A_38, 8 : i32
    %dma_wait3A_40 = tpu.memref_slice %arg3[%multiple_of3A_39] : memref<320000xi32, #tpu.memory_space<hbm>> -> memref<80xi32, #tpu.memory_space<hbm>>
    %dma_wait3A_41 = tpu.memref_slice %arg3[%multiple_of3A_39] : memref<320000xi32, #tpu.memory_space<hbm>> -> memref<80xi32, #tpu.memory_space<hbm>>
    tpu.wait_dma2 semaphore(%arg24 : memref<!tpu.dma_semaphore, #tpu.memory_space<semaphore_mem>>) src(%dma_wait3A_41 : memref<80xi32, #tpu.memory_space<hbm>>) dst(%arg9 : memref<80xi32, #tpu.memory_space<vmem>>)
    %dma_wait3A_42 = tpu.memref_slice %arg4[%multiple_of3A_39] : memref<320000xi32, #tpu.memory_space<hbm>> -> memref<80xi32, #tpu.memory_space<hbm>>
    %dma_wait3A_43 = tpu.memref_slice %arg4[%multiple_of3A_39] : memref<320000xi32, #tpu.memory_space<hbm>> -> memref<80xi32, #tpu.memory_space<hbm>>
    tpu.wait_dma2 semaphore(%arg24 : memref<!tpu.dma_semaphore, #tpu.memory_space<semaphore_mem>>) src(%dma_wait3A_43 : memref<80xi32, #tpu.memory_space<hbm>>) dst(%arg12 : memref<80xi32, #tpu.memory_space<vmem>>)
    %dma_start3A_44 = arith.constant 0 : i32
    %dma_start3A_45 = arith.constant 0 : i32
    %dma_start3A_46 = tpu.memref_slice %arg2[%dma_start3A_44, %dma_start3A_45] : memref<10000x128xf32, #tpu.memory_space<hbm>> -> memref<10000x128xf32, #tpu.memory_space<hbm>>
    tpu.enqueue_indirect_dma source(%dma_start3A_46 : memref<10000x128xf32, #tpu.memory_space<hbm>>) target(%arg15 : memref<80x128xf32, #tpu.memory_space<vmem>>) offsets(%arg9 : memref<80xi32, #tpu.memory_space<vmem>>) semaphore(%arg18 : memref<!tpu.dma_semaphore, #tpu.memory_space<semaphore_mem>>)
    %add3A_47 = arith.constant 160 : i32
    %add3A_48 = arith.addi %mul3A_2, %add3A_47 : i32
    %multiple_of3A_49 = tpu.assume_multiple %add3A_48, 8 : i32
    %dma_wait3A_50 = tpu.memref_slice %arg3[%multiple_of3A_49] : memref<320000xi32, #tpu.memory_space<hbm>> -> memref<80xi32, #tpu.memory_space<hbm>>
    %dma_wait3A_51 = tpu.memref_slice %arg3[%multiple_of3A_49] : memref<320000xi32, #tpu.memory_space<hbm>> -> memref<80xi32, #tpu.memory_space<hbm>>
    tpu.wait_dma2 semaphore(%arg25 : memref<!tpu.dma_semaphore, #tpu.memory_space<semaphore_mem>>) src(%dma_wait3A_51 : memref<80xi32, #tpu.memory_space<hbm>>) dst(%arg10 : memref<80xi32, #tpu.memory_space<vmem>>)
    %dma_wait3A_52 = tpu.memref_slice %arg4[%multiple_of3A_49] : memref<320000xi32, #tpu.memory_space<hbm>> -> memref<80xi32, #tpu.memory_space<hbm>>
    %dma_wait3A_53 = tpu.memref_slice %arg4[%multiple_of3A_49] : memref<320000xi32, #tpu.memory_space<hbm>> -> memref<80xi32, #tpu.memory_space<hbm>>
    tpu.wait_dma2 semaphore(%arg25 : memref<!tpu.dma_semaphore, #tpu.memory_space<semaphore_mem>>) src(%dma_wait3A_53 : memref<80xi32, #tpu.memory_space<hbm>>) dst(%arg13 : memref<80xi32, #tpu.memory_space<vmem>>)
    %dma_start3A_54 = arith.constant 0 : i32
    %dma_start3A_55 = arith.constant 0 : i32
    %dma_start3A_56 = tpu.memref_slice %arg2[%dma_start3A_54, %dma_start3A_55] : memref<10000x128xf32, #tpu.memory_space<hbm>> -> memref<10000x128xf32, #tpu.memory_space<hbm>>
    tpu.enqueue_indirect_dma source(%dma_start3A_56 : memref<10000x128xf32, #tpu.memory_space<hbm>>) target(%arg16 : memref<80x128xf32, #tpu.memory_space<vmem>>) offsets(%arg10 : memref<80xi32, #tpu.memory_space<vmem>>) semaphore(%arg19 : memref<!tpu.dma_semaphore, #tpu.memory_space<semaphore_mem>>)
    %scan3A = arith.constant 0 : i32
    %scan3A_57 = arith.constant 0 : i32
    %scan3A_58 = arith.constant 41 : i32
    %scan3A_59 = arith.addi %scan3A_57, %scan3A_58 : i32
    %scan3A_60 = arith.constant 1 : i32
    scf.for %scan3A_93 = %scan3A_57 to %scan3A_59 step %scan3A_60  : i32 {
      %mul3A_94 = arith.constant 3 : i32
      %mul3A_95 = arith.muli %scan3A_93, %mul3A_94 : i32
      %dma_wait3A_96 = arith.constant 0 : i32
      %dma_wait3A_97 = arith.constant 0 : i32
      %dma_wait3A_98 = tpu.memref_slice %arg2[%dma_wait3A_96, %dma_wait3A_97] : memref<10000x128xf32, #tpu.memory_space<hbm>> -> memref<10000x128xf32, #tpu.memory_space<hbm>>
      tpu.wait_indirect_dma semaphore(%arg17 : memref<!tpu.dma_semaphore, #tpu.memory_space<semaphore_mem>>) src(%dma_wait3A_98 : memref<10000x128xf32, #tpu.memory_space<hbm>>) dst(%arg14 : memref<80x128xf32, #tpu.memory_space<vmem>>)
      %dma_start3A_99 = arith.constant 0 : i32
      %dma_start3A_100 = arith.constant 0 : i32
      %dma_start3A_101 = tpu.memref_slice %arg7[%dma_start3A_99, %dma_start3A_100] : memref<10000x128xf32, #tpu.memory_space<vmem_shared>> -> memref<10000x128xf32, #tpu.memory_space<vmem_shared>>
      tpu.enqueue_indirect_dma source(%arg14 : memref<80x128xf32, #tpu.memory_space<vmem>>) target(%dma_start3A_101 : memref<10000x128xf32, #tpu.memory_space<vmem_shared>>) offsets(%arg11 : memref<80xi32, #tpu.memory_space<vmem>>) semaphore(%arg20 : memref<!tpu.dma_semaphore, #tpu.memory_space<semaphore_mem>>) {add = true}
      %dma_wait3A_102 = arith.constant 0 : i32
      %dma_wait3A_103 = arith.constant 0 : i32
      %dma_wait3A_104 = tpu.memref_slice %arg2[%dma_wait3A_102, %dma_wait3A_103] : memref<10000x128xf32, #tpu.memory_space<hbm>> -> memref<10000x128xf32, #tpu.memory_space<hbm>>
      tpu.wait_indirect_dma semaphore(%arg18 : memref<!tpu.dma_semaphore, #tpu.memory_space<semaphore_mem>>) src(%dma_wait3A_104 : memref<10000x128xf32, #tpu.memory_space<hbm>>) dst(%arg15 : memref<80x128xf32, #tpu.memory_space<vmem>>)
      %dma_start3A_105 = arith.constant 0 : i32
      %dma_start3A_106 = arith.constant 0 : i32
      %dma_start3A_107 = tpu.memref_slice %arg7[%dma_start3A_105, %dma_start3A_106] : memref<10000x128xf32, #tpu.memory_space<vmem_shared>> -> memref<10000x128xf32, #tpu.memory_space<vmem_shared>>
      tpu.enqueue_indirect_dma source(%arg15 : memref<80x128xf32, #tpu.memory_space<vmem>>) target(%dma_start3A_107 : memref<10000x128xf32, #tpu.memory_space<vmem_shared>>) offsets(%arg12 : memref<80xi32, #tpu.memory_space<vmem>>) semaphore(%arg21 : memref<!tpu.dma_semaphore, #tpu.memory_space<semaphore_mem>>) {add = true}
      %dma_wait3A_108 = arith.constant 0 : i32
      %dma_wait3A_109 = arith.constant 0 : i32
      %dma_wait3A_110 = tpu.memref_slice %arg2[%dma_wait3A_108, %dma_wait3A_109] : memref<10000x128xf32, #tpu.memory_space<hbm>> -> memref<10000x128xf32, #tpu.memory_space<hbm>>
      tpu.wait_indirect_dma semaphore(%arg19 : memref<!tpu.dma_semaphore, #tpu.memory_space<semaphore_mem>>) src(%dma_wait3A_110 : memref<10000x128xf32, #tpu.memory_space<hbm>>) dst(%arg16 : memref<80x128xf32, #tpu.memory_space<vmem>>)
      %dma_start3A_111 = arith.constant 0 : i32
      %dma_start3A_112 = arith.constant 0 : i32
      %dma_start3A_113 = tpu.memref_slice %arg7[%dma_start3A_111, %dma_start3A_112] : memref<10000x128xf32, #tpu.memory_space<vmem_shared>> -> memref<10000x128xf32, #tpu.memory_space<vmem_shared>>
      tpu.enqueue_indirect_dma source(%arg16 : memref<80x128xf32, #tpu.memory_space<vmem>>) target(%dma_start3A_113 : memref<10000x128xf32, #tpu.memory_space<vmem_shared>>) offsets(%arg13 : memref<80xi32, #tpu.memory_space<vmem>>) semaphore(%arg22 : memref<!tpu.dma_semaphore, #tpu.memory_space<semaphore_mem>>) {add = true}
      %dma_wait3A_114 = arith.constant 0 : i32
      %dma_wait3A_115 = arith.constant 0 : i32
      %dma_wait3A_116 = tpu.memref_slice %arg7[%dma_wait3A_114, %dma_wait3A_115] : memref<10000x128xf32, #tpu.memory_space<vmem_shared>> -> memref<10000x128xf32, #tpu.memory_space<vmem_shared>>
      tpu.wait_indirect_dma semaphore(%arg20 : memref<!tpu.dma_semaphore, #tpu.memory_space<semaphore_mem>>) src(%arg14 : memref<80x128xf32, #tpu.memory_space<vmem>>) dst(%dma_wait3A_116 : memref<10000x128xf32, #tpu.memory_space<vmem_shared>>)
      %add3A_117 = arith.constant 3 : i32
      %add3A_118 = arith.addi %mul3A_95, %add3A_117 : i32
      %add3A_119 = arith.constant 0 : i32
      %add3A_120 = arith.addi %add3A_118, %add3A_119 : i32
      %lt3A = arith.constant 125 : i32
      %lt3A_121 = arith.cmpi slt, %add3A_120, %lt3A : i32
      %convert_element_type3A_122 = arith.extui %lt3A_121 : i1 to i32
      %cond3A_123 = arith.constant 0 : i32
      %cond3A_124 = arith.cmpi ne, %convert_element_type3A_122, %cond3A_123 : i32
      scf.if %cond3A_124 {
        %add3A_176 = arith.constant 3 : i32
        %add3A_177 = arith.addi %mul3A_95, %add3A_176 : i32
        %add3A_178 = arith.constant 0 : i32
        %add3A_179 = arith.addi %add3A_177, %add3A_178 : i32
        %mul3A_180 = arith.constant 80 : i32
        %mul3A_181 = arith.muli %add3A_179, %mul3A_180 : i32
        %add3A_182 = arith.addi %mul3A_2, %mul3A_181 : i32
        %multiple_of3A_183 = tpu.assume_multiple %add3A_182, 8 : i32
        %dma_start3A_184 = tpu.memref_slice %arg3[%multiple_of3A_183] : memref<320000xi32, #tpu.memory_space<hbm>> -> memref<80xi32, #tpu.memory_space<hbm>>
        %dma_start3A_185 = tpu.memref_slice %arg3[%multiple_of3A_183] : memref<320000xi32, #tpu.memory_space<hbm>> -> memref<80xi32, #tpu.memory_space<hbm>>
        tpu.enqueue_dma source(%dma_start3A_185 : memref<80xi32, #tpu.memory_space<hbm>>) target(%arg8 : memref<80xi32, #tpu.memory_space<vmem>>) target_semaphore(%arg23 : memref<!tpu.dma_semaphore, #tpu.memory_space<semaphore_mem>>)
        %dma_start3A_186 = tpu.memref_slice %arg4[%multiple_of3A_183] : memref<320000xi32, #tpu.memory_space<hbm>> -> memref<80xi32, #tpu.memory_space<hbm>>
        %dma_start3A_187 = tpu.memref_slice %arg4[%multiple_of3A_183] : memref<320000xi32, #tpu.memory_space<hbm>> -> memref<80xi32, #tpu.memory_space<hbm>>
        tpu.enqueue_dma source(%dma_start3A_187 : memref<80xi32, #tpu.memory_space<hbm>>) target(%arg11 : memref<80xi32, #tpu.memory_space<vmem>>) target_semaphore(%arg23 : memref<!tpu.dma_semaphore, #tpu.memory_space<semaphore_mem>>)
      } else {
      }
      %dma_wait3A_125 = arith.constant 0 : i32
      %dma_wait3A_126 = arith.constant 0 : i32
      %dma_wait3A_127 = tpu.memref_slice %arg7[%dma_wait3A_125, %dma_wait3A_126] : memref<10000x128xf32, #tpu.memory_space<vmem_shared>> -> memref<10000x128xf32, #tpu.memory_space<vmem_shared>>
      tpu.wait_indirect_dma semaphore(%arg21 : memref<!tpu.dma_semaphore, #tpu.memory_space<semaphore_mem>>) src(%arg15 : memref<80x128xf32, #tpu.memory_space<vmem>>) dst(%dma_wait3A_127 : memref<10000x128xf32, #tpu.memory_space<vmem_shared>>)
      %add3A_128 = arith.constant 3 : i32
      %add3A_129 = arith.addi %mul3A_95, %add3A_128 : i32
      %add3A_130 = arith.constant 1 : i32
      %add3A_131 = arith.addi %add3A_129, %add3A_130 : i32
      %lt3A_132 = arith.constant 125 : i32
      %lt3A_133 = arith.cmpi slt, %add3A_131, %lt3A_132 : i32
      %convert_element_type3A_134 = arith.extui %lt3A_133 : i1 to i32
      %cond3A_135 = arith.constant 0 : i32
      %cond3A_136 = arith.cmpi ne, %convert_element_type3A_134, %cond3A_135 : i32
      scf.if %cond3A_136 {
        %add3A_176 = arith.constant 3 : i32
        %add3A_177 = arith.addi %mul3A_95, %add3A_176 : i32
        %add3A_178 = arith.constant 1 : i32
        %add3A_179 = arith.addi %add3A_177, %add3A_178 : i32
        %mul3A_180 = arith.constant 80 : i32
        %mul3A_181 = arith.muli %add3A_179, %mul3A_180 : i32
        %add3A_182 = arith.addi %mul3A_2, %mul3A_181 : i32
        %multiple_of3A_183 = tpu.assume_multiple %add3A_182, 8 : i32
        %dma_start3A_184 = tpu.memref_slice %arg3[%multiple_of3A_183] : memref<320000xi32, #tpu.memory_space<hbm>> -> memref<80xi32, #tpu.memory_space<hbm>>
        %dma_start3A_185 = tpu.memref_slice %arg3[%multiple_of3A_183] : memref<320000xi32, #tpu.memory_space<hbm>> -> memref<80xi32, #tpu.memory_space<hbm>>
        tpu.enqueue_dma source(%dma_start3A_185 : memref<80xi32, #tpu.memory_space<hbm>>) target(%arg9 : memref<80xi32, #tpu.memory_space<vmem>>) target_semaphore(%arg24 : memref<!tpu.dma_semaphore, #tpu.memory_space<semaphore_mem>>)
        %dma_start3A_186 = tpu.memref_slice %arg4[%multiple_of3A_183] : memref<320000xi32, #tpu.memory_space<hbm>> -> memref<80xi32, #tpu.memory_space<hbm>>
        %dma_start3A_187 = tpu.memref_slice %arg4[%multiple_of3A_183] : memref<320000xi32, #tpu.memory_space<hbm>> -> memref<80xi32, #tpu.memory_space<hbm>>
        tpu.enqueue_dma source(%dma_start3A_187 : memref<80xi32, #tpu.memory_space<hbm>>) target(%arg12 : memref<80xi32, #tpu.memory_space<vmem>>) target_semaphore(%arg24 : memref<!tpu.dma_semaphore, #tpu.memory_space<semaphore_mem>>)
      } else {
      }
      %dma_wait3A_137 = arith.constant 0 : i32
      %dma_wait3A_138 = arith.constant 0 : i32
      %dma_wait3A_139 = tpu.memref_slice %arg7[%dma_wait3A_137, %dma_wait3A_138] : memref<10000x128xf32, #tpu.memory_space<vmem_shared>> -> memref<10000x128xf32, #tpu.memory_space<vmem_shared>>
      tpu.wait_indirect_dma semaphore(%arg22 : memref<!tpu.dma_semaphore, #tpu.memory_space<semaphore_mem>>) src(%arg16 : memref<80x128xf32, #tpu.memory_space<vmem>>) dst(%dma_wait3A_139 : memref<10000x128xf32, #tpu.memory_space<vmem_shared>>)
      %add3A_140 = arith.constant 3 : i32
      %add3A_141 = arith.addi %mul3A_95, %add3A_140 : i32
      %add3A_142 = arith.constant 2 : i32
      %add3A_143 = arith.addi %add3A_141, %add3A_142 : i32
      %lt3A_144 = arith.constant 125 : i32
      %lt3A_145 = arith.cmpi slt, %add3A_143, %lt3A_144 : i32
      %convert_element_type3A_146 = arith.extui %lt3A_145 : i1 to i32
      %cond3A_147 = arith.constant 0 : i32
      %cond3A_148 = arith.cmpi ne, %convert_element_type3A_146, %cond3A_147 : i32
      scf.if %cond3A_148 {
        %add3A_176 = arith.constant 3 : i32
        %add3A_177 = arith.addi %mul3A_95, %add3A_176 : i32
        %add3A_178 = arith.constant 2 : i32
        %add3A_179 = arith.addi %add3A_177, %add3A_178 : i32
        %mul3A_180 = arith.constant 80 : i32
        %mul3A_181 = arith.muli %add3A_179, %mul3A_180 : i32
        %add3A_182 = arith.addi %mul3A_2, %mul3A_181 : i32
        %multiple_of3A_183 = tpu.assume_multiple %add3A_182, 8 : i32
        %dma_start3A_184 = tpu.memref_slice %arg3[%multiple_of3A_183] : memref<320000xi32, #tpu.memory_space<hbm>> -> memref<80xi32, #tpu.memory_space<hbm>>
        %dma_start3A_185 = tpu.memref_slice %arg3[%multiple_of3A_183] : memref<320000xi32, #tpu.memory_space<hbm>> -> memref<80xi32, #tpu.memory_space<hbm>>
        tpu.enqueue_dma source(%dma_start3A_185 : memref<80xi32, #tpu.memory_space<hbm>>) target(%arg10 : memref<80xi32, #tpu.memory_space<vmem>>) target_semaphore(%arg25 : memref<!tpu.dma_semaphore, #tpu.memory_space<semaphore_mem>>)
        %dma_start3A_186 = tpu.memref_slice %arg4[%multiple_of3A_183] : memref<320000xi32, #tpu.memory_space<hbm>> -> memref<80xi32, #tpu.memory_space<hbm>>
        %dma_start3A_187 = tpu.memref_slice %arg4[%multiple_of3A_183] : memref<320000xi32, #tpu.memory_space<hbm>> -> memref<80xi32, #tpu.memory_space<hbm>>
        tpu.enqueue_dma source(%dma_start3A_187 : memref<80xi32, #tpu.memory_space<hbm>>) target(%arg13 : memref<80xi32, #tpu.memory_space<vmem>>) target_semaphore(%arg25 : memref<!tpu.dma_semaphore, #tpu.memory_space<semaphore_mem>>)
      } else {
      }
      %add3A_149 = arith.constant 3 : i32
      %add3A_150 = arith.addi %mul3A_95, %add3A_149 : i32
      %add3A_151 = arith.constant 0 : i32
      %add3A_152 = arith.addi %add3A_150, %add3A_151 : i32
      %lt3A_153 = arith.constant 125 : i32
      %lt3A_154 = arith.cmpi slt, %add3A_152, %lt3A_153 : i32
      %convert_element_type3A_155 = arith.extui %lt3A_154 : i1 to i32
      %cond3A_156 = arith.constant 0 : i32
      %cond3A_157 = arith.cmpi ne, %convert_element_type3A_155, %cond3A_156 : i32
      scf.if %cond3A_157 {
        %add3A_176 = arith.constant 3 : i32
        %add3A_177 = arith.addi %mul3A_95, %add3A_176 : i32
        %add3A_178 = arith.constant 0 : i32
        %add3A_179 = arith.addi %add3A_177, %add3A_178 : i32
        %mul3A_180 = arith.constant 80 : i32
        %mul3A_181 = arith.muli %add3A_179, %mul3A_180 : i32
        %add3A_182 = arith.addi %mul3A_2, %mul3A_181 : i32
        %multiple_of3A_183 = tpu.assume_multiple %add3A_182, 8 : i32
        %dma_wait3A_184 = tpu.memref_slice %arg3[%multiple_of3A_183] : memref<320000xi32, #tpu.memory_space<hbm>> -> memref<80xi32, #tpu.memory_space<hbm>>
        %dma_wait3A_185 = tpu.memref_slice %arg3[%multiple_of3A_183] : memref<320000xi32, #tpu.memory_space<hbm>> -> memref<80xi32, #tpu.memory_space<hbm>>
        tpu.wait_dma2 semaphore(%arg23 : memref<!tpu.dma_semaphore, #tpu.memory_space<semaphore_mem>>) src(%dma_wait3A_185 : memref<80xi32, #tpu.memory_space<hbm>>) dst(%arg8 : memref<80xi32, #tpu.memory_space<vmem>>)
        %dma_wait3A_186 = tpu.memref_slice %arg4[%multiple_of3A_183] : memref<320000xi32, #tpu.memory_space<hbm>> -> memref<80xi32, #tpu.memory_space<hbm>>
        %dma_wait3A_187 = tpu.memref_slice %arg4[%multiple_of3A_183] : memref<320000xi32, #tpu.memory_space<hbm>> -> memref<80xi32, #tpu.memory_space<hbm>>
        tpu.wait_dma2 semaphore(%arg23 : memref<!tpu.dma_semaphore, #tpu.memory_space<semaphore_mem>>) src(%dma_wait3A_187 : memref<80xi32, #tpu.memory_space<hbm>>) dst(%arg11 : memref<80xi32, #tpu.memory_space<vmem>>)
        %dma_start3A_188 = arith.constant 0 : i32
        %dma_start3A_189 = arith.constant 0 : i32
        %dma_start3A_190 = tpu.memref_slice %arg2[%dma_start3A_188, %dma_start3A_189] : memref<10000x128xf32, #tpu.memory_space<hbm>> -> memref<10000x128xf32, #tpu.memory_space<hbm>>
        tpu.enqueue_indirect_dma source(%dma_start3A_190 : memref<10000x128xf32, #tpu.memory_space<hbm>>) target(%arg14 : memref<80x128xf32, #tpu.memory_space<vmem>>) offsets(%arg8 : memref<80xi32, #tpu.memory_space<vmem>>) semaphore(%arg17 : memref<!tpu.dma_semaphore, #tpu.memory_space<semaphore_mem>>)
      } else {
      }
      %add3A_158 = arith.constant 3 : i32
      %add3A_159 = arith.addi %mul3A_95, %add3A_158 : i32
      %add3A_160 = arith.constant 1 : i32
      %add3A_161 = arith.addi %add3A_159, %add3A_160 : i32
      %lt3A_162 = arith.constant 125 : i32
      %lt3A_163 = arith.cmpi slt, %add3A_161, %lt3A_162 : i32
      %convert_element_type3A_164 = arith.extui %lt3A_163 : i1 to i32
      %cond3A_165 = arith.constant 0 : i32
      %cond3A_166 = arith.cmpi ne, %convert_element_type3A_164, %cond3A_165 : i32
      scf.if %cond3A_166 {
        %add3A_176 = arith.constant 3 : i32
        %add3A_177 = arith.addi %mul3A_95, %add3A_176 : i32
        %add3A_178 = arith.constant 1 : i32
        %add3A_179 = arith.addi %add3A_177, %add3A_178 : i32
        %mul3A_180 = arith.constant 80 : i32
        %mul3A_181 = arith.muli %add3A_179, %mul3A_180 : i32
        %add3A_182 = arith.addi %mul3A_2, %mul3A_181 : i32
        %multiple_of3A_183 = tpu.assume_multiple %add3A_182, 8 : i32
        %dma_wait3A_184 = tpu.memref_slice %arg3[%multiple_of3A_183] : memref<320000xi32, #tpu.memory_space<hbm>> -> memref<80xi32, #tpu.memory_space<hbm>>
        %dma_wait3A_185 = tpu.memref_slice %arg3[%multiple_of3A_183] : memref<320000xi32, #tpu.memory_space<hbm>> -> memref<80xi32, #tpu.memory_space<hbm>>
        tpu.wait_dma2 semaphore(%arg24 : memref<!tpu.dma_semaphore, #tpu.memory_space<semaphore_mem>>) src(%dma_wait3A_185 : memref<80xi32, #tpu.memory_space<hbm>>) dst(%arg9 : memref<80xi32, #tpu.memory_space<vmem>>)
        %dma_wait3A_186 = tpu.memref_slice %arg4[%multiple_of3A_183] : memref<320000xi32, #tpu.memory_space<hbm>> -> memref<80xi32, #tpu.memory_space<hbm>>
        %dma_wait3A_187 = tpu.memref_slice %arg4[%multiple_of3A_183] : memref<320000xi32, #tpu.memory_space<hbm>> -> memref<80xi32, #tpu.memory_space<hbm>>
        tpu.wait_dma2 semaphore(%arg24 : memref<!tpu.dma_semaphore, #tpu.memory_space<semaphore_mem>>) src(%dma_wait3A_187 : memref<80xi32, #tpu.memory_space<hbm>>) dst(%arg12 : memref<80xi32, #tpu.memory_space<vmem>>)
        %dma_start3A_188 = arith.constant 0 : i32
        %dma_start3A_189 = arith.constant 0 : i32
        %dma_start3A_190 = tpu.memref_slice %arg2[%dma_start3A_188, %dma_start3A_189] : memref<10000x128xf32, #tpu.memory_space<hbm>> -> memref<10000x128xf32, #tpu.memory_space<hbm>>
        tpu.enqueue_indirect_dma source(%dma_start3A_190 : memref<10000x128xf32, #tpu.memory_space<hbm>>) target(%arg15 : memref<80x128xf32, #tpu.memory_space<vmem>>) offsets(%arg9 : memref<80xi32, #tpu.memory_space<vmem>>) semaphore(%arg18 : memref<!tpu.dma_semaphore, #tpu.memory_space<semaphore_mem>>)
      } else {
      }
      %add3A_167 = arith.constant 3 : i32
      %add3A_168 = arith.addi %mul3A_95, %add3A_167 : i32
      %add3A_169 = arith.constant 2 : i32
      %add3A_170 = arith.addi %add3A_168, %add3A_169 : i32
      %lt3A_171 = arith.constant 125 : i32
      %lt3A_172 = arith.cmpi slt, %add3A_170, %lt3A_171 : i32
      %convert_element_type3A_173 = arith.extui %lt3A_172 : i1 to i32
      %cond3A_174 = arith.constant 0 : i32
      %cond3A_175 = arith.cmpi ne, %convert_element_type3A_173, %cond3A_174 : i32
      scf.if %cond3A_175 {
        %add3A_176 = arith.constant 3 : i32
        %add3A_177 = arith.addi %mul3A_95, %add3A_176 : i32
        %add3A_178 = arith.constant 2 : i32
        %add3A_179 = arith.addi %add3A_177, %add3A_178 : i32
        %mul3A_180 = arith.constant 80 : i32
        %mul3A_181 = arith.muli %add3A_179, %mul3A_180 : i32
        %add3A_182 = arith.addi %mul3A_2, %mul3A_181 : i32
        %multiple_of3A_183 = tpu.assume_multiple %add3A_182, 8 : i32
        %dma_wait3A_184 = tpu.memref_slice %arg3[%multiple_of3A_183] : memref<320000xi32, #tpu.memory_space<hbm>> -> memref<80xi32, #tpu.memory_space<hbm>>
        %dma_wait3A_185 = tpu.memref_slice %arg3[%multiple_of3A_183] : memref<320000xi32, #tpu.memory_space<hbm>> -> memref<80xi32, #tpu.memory_space<hbm>>
        tpu.wait_dma2 semaphore(%arg25 : memref<!tpu.dma_semaphore, #tpu.memory_space<semaphore_mem>>) src(%dma_wait3A_185 : memref<80xi32, #tpu.memory_space<hbm>>) dst(%arg10 : memref<80xi32, #tpu.memory_space<vmem>>)
        %dma_wait3A_186 = tpu.memref_slice %arg4[%multiple_of3A_183] : memref<320000xi32, #tpu.memory_space<hbm>> -> memref<80xi32, #tpu.memory_space<hbm>>
        %dma_wait3A_187 = tpu.memref_slice %arg4[%multiple_of3A_183] : memref<320000xi32, #tpu.memory_space<hbm>> -> memref<80xi32, #tpu.memory_space<hbm>>
        tpu.wait_dma2 semaphore(%arg25 : memref<!tpu.dma_semaphore, #tpu.memory_space<semaphore_mem>>) src(%dma_wait3A_187 : memref<80xi32, #tpu.memory_space<hbm>>) dst(%arg13 : memref<80xi32, #tpu.memory_space<vmem>>)
        %dma_start3A_188 = arith.constant 0 : i32
        %dma_start3A_189 = arith.constant 0 : i32
        %dma_start3A_190 = tpu.memref_slice %arg2[%dma_start3A_188, %dma_start3A_189] : memref<10000x128xf32, #tpu.memory_space<hbm>> -> memref<10000x128xf32, #tpu.memory_space<hbm>>
        tpu.enqueue_indirect_dma source(%dma_start3A_190 : memref<10000x128xf32, #tpu.memory_space<hbm>>) target(%arg16 : memref<80x128xf32, #tpu.memory_space<vmem>>) offsets(%arg10 : memref<80xi32, #tpu.memory_space<vmem>>) semaphore(%arg19 : memref<!tpu.dma_semaphore, #tpu.memory_space<semaphore_mem>>)
      } else {
      }
    }
    %scan3A_61 = arith.constant 41 : i32
    %dma_wait3A_62 = arith.constant 0 : i32
    %dma_wait3A_63 = arith.constant 0 : i32
    %dma_wait3A_64 = tpu.memref_slice %arg2[%dma_wait3A_62, %dma_wait3A_63] : memref<10000x128xf32, #tpu.memory_space<hbm>> -> memref<10000x128xf32, #tpu.memory_space<hbm>>
    tpu.wait_indirect_dma semaphore(%arg17 : memref<!tpu.dma_semaphore, #tpu.memory_space<semaphore_mem>>) src(%dma_wait3A_64 : memref<10000x128xf32, #tpu.memory_space<hbm>>) dst(%arg14 : memref<80x128xf32, #tpu.memory_space<vmem>>)
    %dma_start3A_65 = arith.constant 0 : i32
    %dma_start3A_66 = arith.constant 0 : i32
    %dma_start3A_67 = tpu.memref_slice %arg7[%dma_start3A_65, %dma_start3A_66] : memref<10000x128xf32, #tpu.memory_space<vmem_shared>> -> memref<10000x128xf32, #tpu.memory_space<vmem_shared>>
    tpu.enqueue_indirect_dma source(%arg14 : memref<80x128xf32, #tpu.memory_space<vmem>>) target(%dma_start3A_67 : memref<10000x128xf32, #tpu.memory_space<vmem_shared>>) offsets(%arg11 : memref<80xi32, #tpu.memory_space<vmem>>) semaphore(%arg20 : memref<!tpu.dma_semaphore, #tpu.memory_space<semaphore_mem>>) {add = true}
    %dma_wait3A_68 = arith.constant 0 : i32
    %dma_wait3A_69 = arith.constant 0 : i32
    %dma_wait3A_70 = tpu.memref_slice %arg7[%dma_wait3A_68, %dma_wait3A_69] : memref<10000x128xf32, #tpu.memory_space<vmem_shared>> -> memref<10000x128xf32, #tpu.memory_space<vmem_shared>>
    tpu.wait_indirect_dma semaphore(%arg20 : memref<!tpu.dma_semaphore, #tpu.memory_space<semaphore_mem>>) src(%arg14 : memref<80x128xf32, #tpu.memory_space<vmem>>) dst(%dma_wait3A_70 : memref<10000x128xf32, #tpu.memory_space<vmem_shared>>)
    %dma_wait3A_71 = arith.constant 0 : i32
    %dma_wait3A_72 = arith.constant 0 : i32
    %dma_wait3A_73 = tpu.memref_slice %arg2[%dma_wait3A_71, %dma_wait3A_72] : memref<10000x128xf32, #tpu.memory_space<hbm>> -> memref<10000x128xf32, #tpu.memory_space<hbm>>
    tpu.wait_indirect_dma semaphore(%arg18 : memref<!tpu.dma_semaphore, #tpu.memory_space<semaphore_mem>>) src(%dma_wait3A_73 : memref<10000x128xf32, #tpu.memory_space<hbm>>) dst(%arg15 : memref<80x128xf32, #tpu.memory_space<vmem>>)
    %dma_start3A_74 = arith.constant 0 : i32
    %dma_start3A_75 = arith.constant 0 : i32
    %dma_start3A_76 = tpu.memref_slice %arg7[%dma_start3A_74, %dma_start3A_75] : memref<10000x128xf32, #tpu.memory_space<vmem_shared>> -> memref<10000x128xf32, #tpu.memory_space<vmem_shared>>
    tpu.enqueue_indirect_dma source(%arg15 : memref<80x128xf32, #tpu.memory_space<vmem>>) target(%dma_start3A_76 : memref<10000x128xf32, #tpu.memory_space<vmem_shared>>) offsets(%arg12 : memref<80xi32, #tpu.memory_space<vmem>>) semaphore(%arg21 : memref<!tpu.dma_semaphore, #tpu.memory_space<semaphore_mem>>) {add = true}
    %dma_wait3A_77 = arith.constant 0 : i32
    %dma_wait3A_78 = arith.constant 0 : i32
    %dma_wait3A_79 = tpu.memref_slice %arg7[%dma_wait3A_77, %dma_wait3A_78] : memref<10000x128xf32, #tpu.memory_space<vmem_shared>> -> memref<10000x128xf32, #tpu.memory_space<vmem_shared>>
    tpu.wait_indirect_dma semaphore(%arg21 : memref<!tpu.dma_semaphore, #tpu.memory_space<semaphore_mem>>) src(%arg15 : memref<80x128xf32, #tpu.memory_space<vmem>>) dst(%dma_wait3A_79 : memref<10000x128xf32, #tpu.memory_space<vmem_shared>>)
    %barrier3A_80 = arith.constant 0 : index
    tpu.barrier barrier_id(%barrier3A_80)
    %mul3A_81 = arith.constant 624 : i32
    %mul3A_82 = arith.muli %arg1, %mul3A_81 : i32
    %mul3A_83 = arith.constant 10000 : i32
    %mul3A_84 = arith.muli %arg0, %mul3A_83 : i32
    %mul3A_85 = arith.constant 624 : i32
    %mul3A_86 = arith.muli %arg1, %mul3A_85 : i32
    %add3A_87 = arith.addi %mul3A_84, %mul3A_86 : i32
    "tpu.region"() ({
      %run_scoped3A = tpu.sem_alloc : memref<!tpu.dma_semaphore, #tpu.memory_space<semaphore_mem>>
      %dma_start3A_93 = arith.constant 0 : i32
      %dma_start3A_94 = tpu.memref_slice %arg6[%add3A_87, %dma_start3A_93] : memref<20000x128xf32, #tpu.memory_space<hbm>> -> memref<624x128xf32, #tpu.memory_space<hbm>>
      %dma_start3A_95 = arith.constant 0 : i32
      %dma_start3A_96 = tpu.memref_slice %arg7[%mul3A_82, %dma_start3A_95] : memref<10000x128xf32, #tpu.memory_space<vmem_shared>> -> memref<624x128xf32, #tpu.memory_space<vmem_shared>>
      tpu.enqueue_dma source(%dma_start3A_96 : memref<624x128xf32, #tpu.memory_space<vmem_shared>>) target(%dma_start3A_94 : memref<624x128xf32, #tpu.memory_space<hbm>>) target_semaphore(%run_scoped3A : memref<!tpu.dma_semaphore, #tpu.memory_space<semaphore_mem>>)
      %dma_wait3A_97 = arith.constant 0 : i32
      %dma_wait3A_98 = tpu.memref_slice %arg6[%add3A_87, %dma_wait3A_97] : memref<20000x128xf32, #tpu.memory_space<hbm>> -> memref<624x128xf32, #tpu.memory_space<hbm>>
      %dma_wait3A_99 = arith.constant 0 : i32
      %dma_wait3A_100 = tpu.memref_slice %arg7[%mul3A_82, %dma_wait3A_99] : memref<10000x128xf32, #tpu.memory_space<vmem_shared>> -> memref<624x128xf32, #tpu.memory_space<vmem_shared>>
      tpu.wait_dma2 semaphore(%run_scoped3A : memref<!tpu.dma_semaphore, #tpu.memory_space<semaphore_mem>>) src(%dma_wait3A_100 : memref<624x128xf32, #tpu.memory_space<vmem_shared>>) dst(%dma_wait3A_98 : memref<624x128xf32, #tpu.memory_space<hbm>>)
      tpu.yield
    }) : () -> ()
    %eq3A_88 = arith.constant 15 : i32
    %eq3A_89 = arith.cmpi eq, %arg1, %eq3A_88 : i32
    %convert_element_type3A_90 = arith.extui %eq3A_89 : i1 to i32
    %cond3A_91 = arith.constant 0 : i32
    %cond3A_92 = arith.cmpi ne, %convert_element_type3A_90, %cond3A_91 : i32
    scf.if %cond3A_92 {
      %mul3A_93 = arith.constant 10000 : i32
      %mul3A_94 = arith.muli %arg0, %mul3A_93 : i32
      %add3A_95 = arith.constant 9984 : i32
      %add3A_96 = arith.addi %mul3A_94, %add3A_95 : i32
      "tpu.region"() ({
        %run_scoped3A = tpu.sem_alloc : memref<!tpu.dma_semaphore, #tpu.memory_space<semaphore_mem>>
        %dma_start3A_97 = arith.constant 0 : i32
        %dma_start3A_98 = tpu.memref_slice %arg6[%add3A_96, %dma_start3A_97] : memref<20000x128xf32, #tpu.memory_space<hbm>> -> memref<16x128xf32, #tpu.memory_space<hbm>>
        %dma_start3A_99 = arith.constant 9984 : i32
        %dma_start3A_100 = arith.constant 0 : i32
        %dma_start3A_101 = tpu.memref_slice %arg7[%dma_start3A_99, %dma_start3A_100] : memref<10000x128xf32, #tpu.memory_space<vmem_shared>> -> memref<16x128xf32, #tpu.memory_space<vmem_shared>>
        tpu.enqueue_dma source(%dma_start3A_101 : memref<16x128xf32, #tpu.memory_space<vmem_shared>>) target(%dma_start3A_98 : memref<16x128xf32, #tpu.memory_space<hbm>>) target_semaphore(%run_scoped3A : memref<!tpu.dma_semaphore, #tpu.memory_space<semaphore_mem>>)
        %dma_wait3A_102 = arith.constant 0 : i32
        %dma_wait3A_103 = tpu.memref_slice %arg6[%add3A_96, %dma_wait3A_102] : memref<20000x128xf32, #tpu.memory_space<hbm>> -> memref<16x128xf32, #tpu.memory_space<hbm>>
        %dma_wait3A_104 = arith.constant 9984 : i32
        %dma_wait3A_105 = arith.constant 0 : i32
        %dma_wait3A_106 = tpu.memref_slice %arg7[%dma_wait3A_104, %dma_wait3A_105] : memref<10000x128xf32, #tpu.memory_space<vmem_shared>> -> memref<16x128xf32, #tpu.memory_space<vmem_shared>>
        tpu.wait_dma2 semaphore(%run_scoped3A : memref<!tpu.dma_semaphore, #tpu.memory_space<semaphore_mem>>) src(%dma_wait3A_106 : memref<16x128xf32, #tpu.memory_space<vmem_shared>>) dst(%dma_wait3A_103 : memref<16x128xf32, #tpu.memory_space<hbm>>)
        tpu.yield
      }) : () -> ()
    } else {
    }
    return
  }
}

#map = affine_map<(d0, d1) -> (0, 0)>
#map1 = affine_map<(d0, d1) -> (0)>
module attributes {stable_mosaic.version = 14 : i64} {
  func.func @_segsum_body(%arg0: i32, %arg1: i32, %arg2: memref<10000x128xf32, #tpu.memory_space<hbm>>, %arg3: memref<320000xi32, #tpu.memory_space<hbm>>, %arg4: memref<320000xi32, #tpu.memory_space<hbm>>, %arg5: memref<10000x128xf32, #tpu.memory_space<hbm>>, %arg6: memref<20000x128xf32, #tpu.memory_space<hbm>>, %arg7: memref<10000x128xf32, #tpu.memory_space<vmem_shared>>, %arg8: memref<80xi32, #tpu.memory_space<vmem>>, %arg9: memref<80xi32, #tpu.memory_space<vmem>>, %arg10: memref<80xi32, #tpu.memory_space<vmem>>, %arg11: memref<80xi32, #tpu.memory_space<vmem>>, %arg12: memref<80xi32, #tpu.memory_space<vmem>>, %arg13: memref<80xi32, #tpu.memory_space<vmem>>, %arg14: memref<80x128xf32, #tpu.memory_space<vmem>>, %arg15: memref<80x128xf32, #tpu.memory_space<vmem>>, %arg16: memref<80x128xf32, #tpu.memory_space<vmem>>, %arg17: memref<!tpu.dma_semaphore, #tpu.memory_space<semaphore_mem>>, %arg18: memref<!tpu.dma_semaphore, #tpu.memory_space<semaphore_mem>>, %arg19: memref<!tpu.dma_semaphore, #tpu.memory_space<semaphore_mem>>, %arg20: memref<!tpu.dma_semaphore, #tpu.memory_space<semaphore_mem>>, %arg21: memref<!tpu.dma_semaphore, #tpu.memory_space<semaphore_mem>>, %arg22: memref<!tpu.dma_semaphore, #tpu.memory_space<semaphore_mem>>, %arg23: memref<!tpu.dma_semaphore, #tpu.memory_space<semaphore_mem>>, %arg24: memref<!tpu.dma_semaphore, #tpu.memory_space<semaphore_mem>>, %arg25: memref<!tpu.dma_semaphore, #tpu.memory_space<semaphore_mem>>) attributes {dimension_semantics = [#tpu.dimension_semantics<core_parallel>, #tpu.dimension_semantics<subcore_parallel>], iteration_bounds = array<i64: 2, 16>, scalar_prefetch = 0 : i64, scratch_operands = 19 : i64, tpu.core_type = #tpu.core_type<sc_vector_subcore>, window_params = [{transform_indices = #map}, {transform_indices = #map1}, {transform_indices = #map1}, {transform_indices = #map}, {transform_indices = #map}]} {
    %mul3A = arith.constant 2 : i32
    %mul3A_0 = arith.muli %arg1, %mul3A : i32
    %add3A = arith.addi %mul3A_0, %arg0 : i32
    %mul3A_1 = arith.constant 10000 : i32
    %mul3A_2 = arith.muli %add3A, %mul3A_1 : i32
    %mul3A_3 = arith.constant 624 : i32
    %mul3A_4 = arith.muli %arg1, %mul3A_3 : i32
    %mul3A_5 = arith.constant 624 : i32
    %mul3A_6 = arith.muli %arg1, %mul3A_5 : i32
    "tpu.region"() ({
      %run_scoped3A = tpu.sem_alloc : memref<!tpu.dma_semaphore, #tpu.memory_space<semaphore_mem>>
      %dma_start3A_93 = arith.constant 0 : i32
      %dma_start3A_94 = tpu.memref_slice %arg7[%mul3A_6, %dma_start3A_93] : memref<10000x128xf32, #tpu.memory_space<vmem_shared>> -> memref<624x128xf32, #tpu.memory_space<vmem_shared>>
      %dma_start3A_95 = arith.constant 0 : i32
      %dma_start3A_96 = tpu.memref_slice %arg5[%mul3A_4, %dma_start3A_95] : memref<10000x128xf32, #tpu.memory_space<hbm>> -> memref<624x128xf32, #tpu.memory_space<hbm>>
      tpu.enqueue_dma source(%dma_start3A_96 : memref<624x128xf32, #tpu.memory_space<hbm>>) target(%dma_start3A_94 : memref<624x128xf32, #tpu.memory_space<vmem_shared>>) target_semaphore(%run_scoped3A : memref<!tpu.dma_semaphore, #tpu.memory_space<semaphore_mem>>)
      %dma_wait3A_97 = arith.constant 0 : i32
      %dma_wait3A_98 = tpu.memref_slice %arg7[%mul3A_6, %dma_wait3A_97] : memref<10000x128xf32, #tpu.memory_space<vmem_shared>> -> memref<624x128xf32, #tpu.memory_space<vmem_shared>>
      %dma_wait3A_99 = arith.constant 0 : i32
      %dma_wait3A_100 = tpu.memref_slice %arg5[%mul3A_4, %dma_wait3A_99] : memref<10000x128xf32, #tpu.memory_space<hbm>> -> memref<624x128xf32, #tpu.memory_space<hbm>>
      tpu.wait_dma2 semaphore(%run_scoped3A : memref<!tpu.dma_semaphore, #tpu.memory_space<semaphore_mem>>) src(%dma_wait3A_100 : memref<624x128xf32, #tpu.memory_space<hbm>>) dst(%dma_wait3A_98 : memref<624x128xf32, #tpu.memory_space<vmem_shared>>)
      tpu.yield
    }) : () -> ()
    %eq3A = arith.constant 15 : i32
    %eq3A_7 = arith.cmpi eq, %arg1, %eq3A : i32
    %convert_element_type3A = arith.extui %eq3A_7 : i1 to i32
    %cond3A = arith.constant 0 : i32
    %cond3A_8 = arith.cmpi ne, %convert_element_type3A, %cond3A : i32
    scf.if %cond3A_8 {
      "tpu.region"() ({
        %run_scoped3A = tpu.sem_alloc : memref<!tpu.dma_semaphore, #tpu.memory_space<semaphore_mem>>
        %dma_start3A_93 = arith.constant 9984 : i32
        %dma_start3A_94 = arith.constant 0 : i32
        %dma_start3A_95 = tpu.memref_slice %arg7[%dma_start3A_93, %dma_start3A_94] : memref<10000x128xf32, #tpu.memory_space<vmem_shared>> -> memref<16x128xf32, #tpu.memory_space<vmem_shared>>
        %dma_start3A_96 = arith.constant 9984 : i32
        %dma_start3A_97 = arith.constant 0 : i32
        %dma_start3A_98 = tpu.memref_slice %arg5[%dma_start3A_96, %dma_start3A_97] : memref<10000x128xf32, #tpu.memory_space<hbm>> -> memref<16x128xf32, #tpu.memory_space<hbm>>
        tpu.enqueue_dma source(%dma_start3A_98 : memref<16x128xf32, #tpu.memory_space<hbm>>) target(%dma_start3A_95 : memref<16x128xf32, #tpu.memory_space<vmem_shared>>) target_semaphore(%run_scoped3A : memref<!tpu.dma_semaphore, #tpu.memory_space<semaphore_mem>>)
        %dma_wait3A_99 = arith.constant 9984 : i32
        %dma_wait3A_100 = arith.constant 0 : i32
        %dma_wait3A_101 = tpu.memref_slice %arg7[%dma_wait3A_99, %dma_wait3A_100] : memref<10000x128xf32, #tpu.memory_space<vmem_shared>> -> memref<16x128xf32, #tpu.memory_space<vmem_shared>>
        %dma_wait3A_102 = arith.constant 9984 : i32
        %dma_wait3A_103 = arith.constant 0 : i32
        %dma_wait3A_104 = tpu.memref_slice %arg5[%dma_wait3A_102, %dma_wait3A_103] : memref<10000x128xf32, #tpu.memory_space<hbm>> -> memref<16x128xf32, #tpu.memory_space<hbm>>
        tpu.wait_dma2 semaphore(%run_scoped3A : memref<!tpu.dma_semaphore, #tpu.memory_space<semaphore_mem>>) src(%dma_wait3A_104 : memref<16x128xf32, #tpu.memory_space<hbm>>) dst(%dma_wait3A_101 : memref<16x128xf32, #tpu.memory_space<vmem_shared>>)
        tpu.yield
      }) : () -> ()
    } else {
    }
    %barrier3A = arith.constant 0 : index
    tpu.barrier barrier_id(%barrier3A)
    %add3A_9 = arith.constant 0 : i32
    %add3A_10 = arith.addi %mul3A_2, %add3A_9 : i32
    %multiple_of3A = tpu.assume_multiple %add3A_10, 8 : i32
    %dma_start3A = tpu.memref_slice %arg3[%multiple_of3A] : memref<320000xi32, #tpu.memory_space<hbm>> -> memref<80xi32, #tpu.memory_space<hbm>>
    %dma_start3A_11 = tpu.memref_slice %arg3[%multiple_of3A] : memref<320000xi32, #tpu.memory_space<hbm>> -> memref<80xi32, #tpu.memory_space<hbm>>
    tpu.enqueue_dma source(%dma_start3A_11 : memref<80xi32, #tpu.memory_space<hbm>>) target(%arg8 : memref<80xi32, #tpu.memory_space<vmem>>) target_semaphore(%arg23 : memref<!tpu.dma_semaphore, #tpu.memory_space<semaphore_mem>>)
    %dma_start3A_12 = tpu.memref_slice %arg4[%multiple_of3A] : memref<320000xi32, #tpu.memory_space<hbm>> -> memref<80xi32, #tpu.memory_space<hbm>>
    %dma_start3A_13 = tpu.memref_slice %arg4[%multiple_of3A] : memref<320000xi32, #tpu.memory_space<hbm>> -> memref<80xi32, #tpu.memory_space<hbm>>
    tpu.enqueue_dma source(%dma_start3A_13 : memref<80xi32, #tpu.memory_space<hbm>>) target(%arg11 : memref<80xi32, #tpu.memory_space<vmem>>) target_semaphore(%arg23 : memref<!tpu.dma_semaphore, #tpu.memory_space<semaphore_mem>>)
    %add3A_14 = arith.constant 80 : i32
    %add3A_15 = arith.addi %mul3A_2, %add3A_14 : i32
    %multiple_of3A_16 = tpu.assume_multiple %add3A_15, 8 : i32
    %dma_start3A_17 = tpu.memref_slice %arg3[%multiple_of3A_16] : memref<320000xi32, #tpu.memory_space<hbm>> -> memref<80xi32, #tpu.memory_space<hbm>>
    %dma_start3A_18 = tpu.memref_slice %arg3[%multiple_of3A_16] : memref<320000xi32, #tpu.memory_space<hbm>> -> memref<80xi32, #tpu.memory_space<hbm>>
    tpu.enqueue_dma source(%dma_start3A_18 : memref<80xi32, #tpu.memory_space<hbm>>) target(%arg9 : memref<80xi32, #tpu.memory_space<vmem>>) target_semaphore(%arg24 : memref<!tpu.dma_semaphore, #tpu.memory_space<semaphore_mem>>)
    %dma_start3A_19 = tpu.memref_slice %arg4[%multiple_of3A_16] : memref<320000xi32, #tpu.memory_space<hbm>> -> memref<80xi32, #tpu.memory_space<hbm>>
    %dma_start3A_20 = tpu.memref_slice %arg4[%multiple_of3A_16] : memref<320000xi32, #tpu.memory_space<hbm>> -> memref<80xi32, #tpu.memory_space<hbm>>
    tpu.enqueue_dma source(%dma_start3A_20 : memref<80xi32, #tpu.memory_space<hbm>>) target(%arg12 : memref<80xi32, #tpu.memory_space<vmem>>) target_semaphore(%arg24 : memref<!tpu.dma_semaphore, #tpu.memory_space<semaphore_mem>>)
    %add3A_21 = arith.constant 160 : i32
    %add3A_22 = arith.addi %mul3A_2, %add3A_21 : i32
    %multiple_of3A_23 = tpu.assume_multiple %add3A_22, 8 : i32
    %dma_start3A_24 = tpu.memref_slice %arg3[%multiple_of3A_23] : memref<320000xi32, #tpu.memory_space<hbm>> -> memref<80xi32, #tpu.memory_space<hbm>>
    %dma_start3A_25 = tpu.memref_slice %arg3[%multiple_of3A_23] : memref<320000xi32, #tpu.memory_space<hbm>> -> memref<80xi32, #tpu.memory_space<hbm>>
    tpu.enqueue_dma source(%dma_start3A_25 : memref<80xi32, #tpu.memory_space<hbm>>) target(%arg10 : memref<80xi32, #tpu.memory_space<vmem>>) target_semaphore(%arg25 : memref<!tpu.dma_semaphore, #tpu.memory_space<semaphore_mem>>)
    %dma_start3A_26 = tpu.memref_slice %arg4[%multiple_of3A_23] : memref<320000xi32, #tpu.memory_space<hbm>> -> memref<80xi32, #tpu.memory_space<hbm>>
    %dma_start3A_27 = tpu.memref_slice %arg4[%multiple_of3A_23] : memref<320000xi32, #tpu.memory_space<hbm>> -> memref<80xi32, #tpu.memory_space<hbm>>
    tpu.enqueue_dma source(%dma_start3A_27 : memref<80xi32, #tpu.memory_space<hbm>>) target(%arg13 : memref<80xi32, #tpu.memory_space<vmem>>) target_semaphore(%arg25 : memref<!tpu.dma_semaphore, #tpu.memory_space<semaphore_mem>>)
    %add3A_28 = arith.constant 0 : i32
    %add3A_29 = arith.addi %mul3A_2, %add3A_28 : i32
    %multiple_of3A_30 = tpu.assume_multiple %add3A_29, 8 : i32
    %dma_wait3A = tpu.memref_slice %arg3[%multiple_of3A_30] : memref<320000xi32, #tpu.memory_space<hbm>> -> memref<80xi32, #tpu.memory_space<hbm>>
    %dma_wait3A_31 = tpu.memref_slice %arg3[%multiple_of3A_30] : memref<320000xi32, #tpu.memory_space<hbm>> -> memref<80xi32, #tpu.memory_space<hbm>>
    tpu.wait_dma2 semaphore(%arg23 : memref<!tpu.dma_semaphore, #tpu.memory_space<semaphore_mem>>) src(%dma_wait3A_31 : memref<80xi32, #tpu.memory_space<hbm>>) dst(%arg8 : memref<80xi32, #tpu.memory_space<vmem>>)
    %dma_wait3A_32 = tpu.memref_slice %arg4[%multiple_of3A_30] : memref<320000xi32, #tpu.memory_space<hbm>> -> memref<80xi32, #tpu.memory_space<hbm>>
    %dma_wait3A_33 = tpu.memref_slice %arg4[%multiple_of3A_30] : memref<320000xi32, #tpu.memory_space<hbm>> -> memref<80xi32, #tpu.memory_space<hbm>>
    tpu.wait_dma2 semaphore(%arg23 : memref<!tpu.dma_semaphore, #tpu.memory_space<semaphore_mem>>) src(%dma_wait3A_33 : memref<80xi32, #tpu.memory_space<hbm>>) dst(%arg11 : memref<80xi32, #tpu.memory_space<vmem>>)
    %dma_start3A_34 = arith.constant 0 : i32
    %dma_start3A_35 = arith.constant 0 : i32
    %dma_start3A_36 = tpu.memref_slice %arg2[%dma_start3A_34, %dma_start3A_35] : memref<10000x128xf32, #tpu.memory_space<hbm>> -> memref<10000x128xf32, #tpu.memory_space<hbm>>
    tpu.enqueue_indirect_dma source(%dma_start3A_36 : memref<10000x128xf32, #tpu.memory_space<hbm>>) target(%arg14 : memref<80x128xf32, #tpu.memory_space<vmem>>) offsets(%arg8 : memref<80xi32, #tpu.memory_space<vmem>>) semaphore(%arg17 : memref<!tpu.dma_semaphore, #tpu.memory_space<semaphore_mem>>)
    %add3A_37 = arith.constant 80 : i32
    %add3A_38 = arith.addi %mul3A_2, %add3A_37 : i32
    %multiple_of3A_39 = tpu.assume_multiple %add3A_38, 8 : i32
    %dma_wait3A_40 = tpu.memref_slice %arg3[%multiple_of3A_39] : memref<320000xi32, #tpu.memory_space<hbm>> -> memref<80xi32, #tpu.memory_space<hbm>>
    %dma_wait3A_41 = tpu.memref_slice %arg3[%multiple_of3A_39] : memref<320000xi32, #tpu.memory_space<hbm>> -> memref<80xi32, #tpu.memory_space<hbm>>
    tpu.wait_dma2 semaphore(%arg24 : memref<!tpu.dma_semaphore, #tpu.memory_space<semaphore_mem>>) src(%dma_wait3A_41 : memref<80xi32, #tpu.memory_space<hbm>>) dst(%arg9 : memref<80xi32, #tpu.memory_space<vmem>>)
    %dma_wait3A_42 = tpu.memref_slice %arg4[%multiple_of3A_39] : memref<320000xi32, #tpu.memory_space<hbm>> -> memref<80xi32, #tpu.memory_space<hbm>>
    %dma_wait3A_43 = tpu.memref_slice %arg4[%multiple_of3A_39] : memref<320000xi32, #tpu.memory_space<hbm>> -> memref<80xi32, #tpu.memory_space<hbm>>
    tpu.wait_dma2 semaphore(%arg24 : memref<!tpu.dma_semaphore, #tpu.memory_space<semaphore_mem>>) src(%dma_wait3A_43 : memref<80xi32, #tpu.memory_space<hbm>>) dst(%arg12 : memref<80xi32, #tpu.memory_space<vmem>>)
    %dma_start3A_44 = arith.constant 0 : i32
    %dma_start3A_45 = arith.constant 0 : i32
    %dma_start3A_46 = tpu.memref_slice %arg2[%dma_start3A_44, %dma_start3A_45] : memref<10000x128xf32, #tpu.memory_space<hbm>> -> memref<10000x128xf32, #tpu.memory_space<hbm>>
    tpu.enqueue_indirect_dma source(%dma_start3A_46 : memref<10000x128xf32, #tpu.memory_space<hbm>>) target(%arg15 : memref<80x128xf32, #tpu.memory_space<vmem>>) offsets(%arg9 : memref<80xi32, #tpu.memory_space<vmem>>) semaphore(%arg18 : memref<!tpu.dma_semaphore, #tpu.memory_space<semaphore_mem>>)
    %add3A_47 = arith.constant 160 : i32
    %add3A_48 = arith.addi %mul3A_2, %add3A_47 : i32
    %multiple_of3A_49 = tpu.assume_multiple %add3A_48, 8 : i32
    %dma_wait3A_50 = tpu.memref_slice %arg3[%multiple_of3A_49] : memref<320000xi32, #tpu.memory_space<hbm>> -> memref<80xi32, #tpu.memory_space<hbm>>
    %dma_wait3A_51 = tpu.memref_slice %arg3[%multiple_of3A_49] : memref<320000xi32, #tpu.memory_space<hbm>> -> memref<80xi32, #tpu.memory_space<hbm>>
    tpu.wait_dma2 semaphore(%arg25 : memref<!tpu.dma_semaphore, #tpu.memory_space<semaphore_mem>>) src(%dma_wait3A_51 : memref<80xi32, #tpu.memory_space<hbm>>) dst(%arg10 : memref<80xi32, #tpu.memory_space<vmem>>)
    %dma_wait3A_52 = tpu.memref_slice %arg4[%multiple_of3A_49] : memref<320000xi32, #tpu.memory_space<hbm>> -> memref<80xi32, #tpu.memory_space<hbm>>
    %dma_wait3A_53 = tpu.memref_slice %arg4[%multiple_of3A_49] : memref<320000xi32, #tpu.memory_space<hbm>> -> memref<80xi32, #tpu.memory_space<hbm>>
    tpu.wait_dma2 semaphore(%arg25 : memref<!tpu.dma_semaphore, #tpu.memory_space<semaphore_mem>>) src(%dma_wait3A_53 : memref<80xi32, #tpu.memory_space<hbm>>) dst(%arg13 : memref<80xi32, #tpu.memory_space<vmem>>)
    %dma_start3A_54 = arith.constant 0 : i32
    %dma_start3A_55 = arith.constant 0 : i32
    %dma_start3A_56 = tpu.memref_slice %arg2[%dma_start3A_54, %dma_start3A_55] : memref<10000x128xf32, #tpu.memory_space<hbm>> -> memref<10000x128xf32, #tpu.memory_space<hbm>>
    tpu.enqueue_indirect_dma source(%dma_start3A_56 : memref<10000x128xf32, #tpu.memory_space<hbm>>) target(%arg16 : memref<80x128xf32, #tpu.memory_space<vmem>>) offsets(%arg10 : memref<80xi32, #tpu.memory_space<vmem>>) semaphore(%arg19 : memref<!tpu.dma_semaphore, #tpu.memory_space<semaphore_mem>>)
    %scan3A = arith.constant 0 : i32
    %scan3A_57 = arith.constant 0 : i32
    %scan3A_58 = arith.constant 41 : i32
    %scan3A_59 = arith.addi %scan3A_57, %scan3A_58 : i32
    %scan3A_60 = arith.constant 1 : i32
    scf.for %scan3A_93 = %scan3A_57 to %scan3A_59 step %scan3A_60  : i32 {
      %mul3A_94 = arith.constant 3 : i32
      %mul3A_95 = arith.muli %scan3A_93, %mul3A_94 : i32
      %dma_wait3A_96 = arith.constant 0 : i32
      %dma_wait3A_97 = arith.constant 0 : i32
      %dma_wait3A_98 = tpu.memref_slice %arg2[%dma_wait3A_96, %dma_wait3A_97] : memref<10000x128xf32, #tpu.memory_space<hbm>> -> memref<10000x128xf32, #tpu.memory_space<hbm>>
      tpu.wait_indirect_dma semaphore(%arg17 : memref<!tpu.dma_semaphore, #tpu.memory_space<semaphore_mem>>) src(%dma_wait3A_98 : memref<10000x128xf32, #tpu.memory_space<hbm>>) dst(%arg14 : memref<80x128xf32, #tpu.memory_space<vmem>>)
      %dma_start3A_99 = arith.constant 0 : i32
      %dma_start3A_100 = arith.constant 0 : i32
      %dma_start3A_101 = tpu.memref_slice %arg7[%dma_start3A_99, %dma_start3A_100] : memref<10000x128xf32, #tpu.memory_space<vmem_shared>> -> memref<10000x128xf32, #tpu.memory_space<vmem_shared>>
      tpu.enqueue_indirect_dma source(%arg14 : memref<80x128xf32, #tpu.memory_space<vmem>>) target(%dma_start3A_101 : memref<10000x128xf32, #tpu.memory_space<vmem_shared>>) offsets(%arg11 : memref<80xi32, #tpu.memory_space<vmem>>) semaphore(%arg20 : memref<!tpu.dma_semaphore, #tpu.memory_space<semaphore_mem>>) {add = true}
      %dma_wait3A_102 = arith.constant 0 : i32
      %dma_wait3A_103 = arith.constant 0 : i32
      %dma_wait3A_104 = tpu.memref_slice %arg2[%dma_wait3A_102, %dma_wait3A_103] : memref<10000x128xf32, #tpu.memory_space<hbm>> -> memref<10000x128xf32, #tpu.memory_space<hbm>>
      tpu.wait_indirect_dma semaphore(%arg18 : memref<!tpu.dma_semaphore, #tpu.memory_space<semaphore_mem>>) src(%dma_wait3A_104 : memref<10000x128xf32, #tpu.memory_space<hbm>>) dst(%arg15 : memref<80x128xf32, #tpu.memory_space<vmem>>)
      %dma_start3A_105 = arith.constant 0 : i32
      %dma_start3A_106 = arith.constant 0 : i32
      %dma_start3A_107 = tpu.memref_slice %arg7[%dma_start3A_105, %dma_start3A_106] : memref<10000x128xf32, #tpu.memory_space<vmem_shared>> -> memref<10000x128xf32, #tpu.memory_space<vmem_shared>>
      tpu.enqueue_indirect_dma source(%arg15 : memref<80x128xf32, #tpu.memory_space<vmem>>) target(%dma_start3A_107 : memref<10000x128xf32, #tpu.memory_space<vmem_shared>>) offsets(%arg12 : memref<80xi32, #tpu.memory_space<vmem>>) semaphore(%arg21 : memref<!tpu.dma_semaphore, #tpu.memory_space<semaphore_mem>>) {add = true}
      %dma_wait3A_108 = arith.constant 0 : i32
      %dma_wait3A_109 = arith.constant 0 : i32
      %dma_wait3A_110 = tpu.memref_slice %arg2[%dma_wait3A_108, %dma_wait3A_109] : memref<10000x128xf32, #tpu.memory_space<hbm>> -> memref<10000x128xf32, #tpu.memory_space<hbm>>
      tpu.wait_indirect_dma semaphore(%arg19 : memref<!tpu.dma_semaphore, #tpu.memory_space<semaphore_mem>>) src(%dma_wait3A_110 : memref<10000x128xf32, #tpu.memory_space<hbm>>) dst(%arg16 : memref<80x128xf32, #tpu.memory_space<vmem>>)
      %dma_start3A_111 = arith.constant 0 : i32
      %dma_start3A_112 = arith.constant 0 : i32
      %dma_start3A_113 = tpu.memref_slice %arg7[%dma_start3A_111, %dma_start3A_112] : memref<10000x128xf32, #tpu.memory_space<vmem_shared>> -> memref<10000x128xf32, #tpu.memory_space<vmem_shared>>
      tpu.enqueue_indirect_dma source(%arg16 : memref<80x128xf32, #tpu.memory_space<vmem>>) target(%dma_start3A_113 : memref<10000x128xf32, #tpu.memory_space<vmem_shared>>) offsets(%arg13 : memref<80xi32, #tpu.memory_space<vmem>>) semaphore(%arg22 : memref<!tpu.dma_semaphore, #tpu.memory_space<semaphore_mem>>) {add = true}
      %dma_wait3A_114 = arith.constant 0 : i32
      %dma_wait3A_115 = arith.constant 0 : i32
      %dma_wait3A_116 = tpu.memref_slice %arg7[%dma_wait3A_114, %dma_wait3A_115] : memref<10000x128xf32, #tpu.memory_space<vmem_shared>> -> memref<10000x128xf32, #tpu.memory_space<vmem_shared>>
      tpu.wait_indirect_dma semaphore(%arg20 : memref<!tpu.dma_semaphore, #tpu.memory_space<semaphore_mem>>) src(%arg14 : memref<80x128xf32, #tpu.memory_space<vmem>>) dst(%dma_wait3A_116 : memref<10000x128xf32, #tpu.memory_space<vmem_shared>>)
      %add3A_117 = arith.constant 3 : i32
      %add3A_118 = arith.addi %mul3A_95, %add3A_117 : i32
      %add3A_119 = arith.constant 0 : i32
      %add3A_120 = arith.addi %add3A_118, %add3A_119 : i32
      %lt3A = arith.constant 125 : i32
      %lt3A_121 = arith.cmpi slt, %add3A_120, %lt3A : i32
      %convert_element_type3A_122 = arith.extui %lt3A_121 : i1 to i32
      %cond3A_123 = arith.constant 0 : i32
      %cond3A_124 = arith.cmpi ne, %convert_element_type3A_122, %cond3A_123 : i32
      scf.if %cond3A_124 {
        %add3A_176 = arith.constant 3 : i32
        %add3A_177 = arith.addi %mul3A_95, %add3A_176 : i32
        %add3A_178 = arith.constant 0 : i32
        %add3A_179 = arith.addi %add3A_177, %add3A_178 : i32
        %mul3A_180 = arith.constant 80 : i32
        %mul3A_181 = arith.muli %add3A_179, %mul3A_180 : i32
        %add3A_182 = arith.addi %mul3A_2, %mul3A_181 : i32
        %multiple_of3A_183 = tpu.assume_multiple %add3A_182, 8 : i32
        %dma_start3A_184 = tpu.memref_slice %arg3[%multiple_of3A_183] : memref<320000xi32, #tpu.memory_space<hbm>> -> memref<80xi32, #tpu.memory_space<hbm>>
        %dma_start3A_185 = tpu.memref_slice %arg3[%multiple_of3A_183] : memref<320000xi32, #tpu.memory_space<hbm>> -> memref<80xi32, #tpu.memory_space<hbm>>
        tpu.enqueue_dma source(%dma_start3A_185 : memref<80xi32, #tpu.memory_space<hbm>>) target(%arg8 : memref<80xi32, #tpu.memory_space<vmem>>) target_semaphore(%arg23 : memref<!tpu.dma_semaphore, #tpu.memory_space<semaphore_mem>>)
        %dma_start3A_186 = tpu.memref_slice %arg4[%multiple_of3A_183] : memref<320000xi32, #tpu.memory_space<hbm>> -> memref<80xi32, #tpu.memory_space<hbm>>
        %dma_start3A_187 = tpu.memref_slice %arg4[%multiple_of3A_183] : memref<320000xi32, #tpu.memory_space<hbm>> -> memref<80xi32, #tpu.memory_space<hbm>>
        tpu.enqueue_dma source(%dma_start3A_187 : memref<80xi32, #tpu.memory_space<hbm>>) target(%arg11 : memref<80xi32, #tpu.memory_space<vmem>>) target_semaphore(%arg23 : memref<!tpu.dma_semaphore, #tpu.memory_space<semaphore_mem>>)
      } else {
      }
      %dma_wait3A_125 = arith.constant 0 : i32
      %dma_wait3A_126 = arith.constant 0 : i32
      %dma_wait3A_127 = tpu.memref_slice %arg7[%dma_wait3A_125, %dma_wait3A_126] : memref<10000x128xf32, #tpu.memory_space<vmem_shared>> -> memref<10000x128xf32, #tpu.memory_space<vmem_shared>>
      tpu.wait_indirect_dma semaphore(%arg21 : memref<!tpu.dma_semaphore, #tpu.memory_space<semaphore_mem>>) src(%arg15 : memref<80x128xf32, #tpu.memory_space<vmem>>) dst(%dma_wait3A_127 : memref<10000x128xf32, #tpu.memory_space<vmem_shared>>)
      %add3A_128 = arith.constant 3 : i32
      %add3A_129 = arith.addi %mul3A_95, %add3A_128 : i32
      %add3A_130 = arith.constant 1 : i32
      %add3A_131 = arith.addi %add3A_129, %add3A_130 : i32
      %lt3A_132 = arith.constant 125 : i32
      %lt3A_133 = arith.cmpi slt, %add3A_131, %lt3A_132 : i32
      %convert_element_type3A_134 = arith.extui %lt3A_133 : i1 to i32
      %cond3A_135 = arith.constant 0 : i32
      %cond3A_136 = arith.cmpi ne, %convert_element_type3A_134, %cond3A_135 : i32
      scf.if %cond3A_136 {
        %add3A_176 = arith.constant 3 : i32
        %add3A_177 = arith.addi %mul3A_95, %add3A_176 : i32
        %add3A_178 = arith.constant 1 : i32
        %add3A_179 = arith.addi %add3A_177, %add3A_178 : i32
        %mul3A_180 = arith.constant 80 : i32
        %mul3A_181 = arith.muli %add3A_179, %mul3A_180 : i32
        %add3A_182 = arith.addi %mul3A_2, %mul3A_181 : i32
        %multiple_of3A_183 = tpu.assume_multiple %add3A_182, 8 : i32
        %dma_start3A_184 = tpu.memref_slice %arg3[%multiple_of3A_183] : memref<320000xi32, #tpu.memory_space<hbm>> -> memref<80xi32, #tpu.memory_space<hbm>>
        %dma_start3A_185 = tpu.memref_slice %arg3[%multiple_of3A_183] : memref<320000xi32, #tpu.memory_space<hbm>> -> memref<80xi32, #tpu.memory_space<hbm>>
        tpu.enqueue_dma source(%dma_start3A_185 : memref<80xi32, #tpu.memory_space<hbm>>) target(%arg9 : memref<80xi32, #tpu.memory_space<vmem>>) target_semaphore(%arg24 : memref<!tpu.dma_semaphore, #tpu.memory_space<semaphore_mem>>)
        %dma_start3A_186 = tpu.memref_slice %arg4[%multiple_of3A_183] : memref<320000xi32, #tpu.memory_space<hbm>> -> memref<80xi32, #tpu.memory_space<hbm>>
        %dma_start3A_187 = tpu.memref_slice %arg4[%multiple_of3A_183] : memref<320000xi32, #tpu.memory_space<hbm>> -> memref<80xi32, #tpu.memory_space<hbm>>
        tpu.enqueue_dma source(%dma_start3A_187 : memref<80xi32, #tpu.memory_space<hbm>>) target(%arg12 : memref<80xi32, #tpu.memory_space<vmem>>) target_semaphore(%arg24 : memref<!tpu.dma_semaphore, #tpu.memory_space<semaphore_mem>>)
      } else {
      }
      %dma_wait3A_137 = arith.constant 0 : i32
      %dma_wait3A_138 = arith.constant 0 : i32
      %dma_wait3A_139 = tpu.memref_slice %arg7[%dma_wait3A_137, %dma_wait3A_138] : memref<10000x128xf32, #tpu.memory_space<vmem_shared>> -> memref<10000x128xf32, #tpu.memory_space<vmem_shared>>
      tpu.wait_indirect_dma semaphore(%arg22 : memref<!tpu.dma_semaphore, #tpu.memory_space<semaphore_mem>>) src(%arg16 : memref<80x128xf32, #tpu.memory_space<vmem>>) dst(%dma_wait3A_139 : memref<10000x128xf32, #tpu.memory_space<vmem_shared>>)
      %add3A_140 = arith.constant 3 : i32
      %add3A_141 = arith.addi %mul3A_95, %add3A_140 : i32
      %add3A_142 = arith.constant 2 : i32
      %add3A_143 = arith.addi %add3A_141, %add3A_142 : i32
      %lt3A_144 = arith.constant 125 : i32
      %lt3A_145 = arith.cmpi slt, %add3A_143, %lt3A_144 : i32
      %convert_element_type3A_146 = arith.extui %lt3A_145 : i1 to i32
      %cond3A_147 = arith.constant 0 : i32
      %cond3A_148 = arith.cmpi ne, %convert_element_type3A_146, %cond3A_147 : i32
      scf.if %cond3A_148 {
        %add3A_176 = arith.constant 3 : i32
        %add3A_177 = arith.addi %mul3A_95, %add3A_176 : i32
        %add3A_178 = arith.constant 2 : i32
        %add3A_179 = arith.addi %add3A_177, %add3A_178 : i32
        %mul3A_180 = arith.constant 80 : i32
        %mul3A_181 = arith.muli %add3A_179, %mul3A_180 : i32
        %add3A_182 = arith.addi %mul3A_2, %mul3A_181 : i32
        %multiple_of3A_183 = tpu.assume_multiple %add3A_182, 8 : i32
        %dma_start3A_184 = tpu.memref_slice %arg3[%multiple_of3A_183] : memref<320000xi32, #tpu.memory_space<hbm>> -> memref<80xi32, #tpu.memory_space<hbm>>
        %dma_start3A_185 = tpu.memref_slice %arg3[%multiple_of3A_183] : memref<320000xi32, #tpu.memory_space<hbm>> -> memref<80xi32, #tpu.memory_space<hbm>>
        tpu.enqueue_dma source(%dma_start3A_185 : memref<80xi32, #tpu.memory_space<hbm>>) target(%arg10 : memref<80xi32, #tpu.memory_space<vmem>>) target_semaphore(%arg25 : memref<!tpu.dma_semaphore, #tpu.memory_space<semaphore_mem>>)
        %dma_start3A_186 = tpu.memref_slice %arg4[%multiple_of3A_183] : memref<320000xi32, #tpu.memory_space<hbm>> -> memref<80xi32, #tpu.memory_space<hbm>>
        %dma_start3A_187 = tpu.memref_slice %arg4[%multiple_of3A_183] : memref<320000xi32, #tpu.memory_space<hbm>> -> memref<80xi32, #tpu.memory_space<hbm>>
        tpu.enqueue_dma source(%dma_start3A_187 : memref<80xi32, #tpu.memory_space<hbm>>) target(%arg13 : memref<80xi32, #tpu.memory_space<vmem>>) target_semaphore(%arg25 : memref<!tpu.dma_semaphore, #tpu.memory_space<semaphore_mem>>)
      } else {
      }
      %add3A_149 = arith.constant 3 : i32
      %add3A_150 = arith.addi %mul3A_95, %add3A_149 : i32
      %add3A_151 = arith.constant 0 : i32
      %add3A_152 = arith.addi %add3A_150, %add3A_151 : i32
      %lt3A_153 = arith.constant 125 : i32
      %lt3A_154 = arith.cmpi slt, %add3A_152, %lt3A_153 : i32
      %convert_element_type3A_155 = arith.extui %lt3A_154 : i1 to i32
      %cond3A_156 = arith.constant 0 : i32
      %cond3A_157 = arith.cmpi ne, %convert_element_type3A_155, %cond3A_156 : i32
      scf.if %cond3A_157 {
        %add3A_176 = arith.constant 3 : i32
        %add3A_177 = arith.addi %mul3A_95, %add3A_176 : i32
        %add3A_178 = arith.constant 0 : i32
        %add3A_179 = arith.addi %add3A_177, %add3A_178 : i32
        %mul3A_180 = arith.constant 80 : i32
        %mul3A_181 = arith.muli %add3A_179, %mul3A_180 : i32
        %add3A_182 = arith.addi %mul3A_2, %mul3A_181 : i32
        %multiple_of3A_183 = tpu.assume_multiple %add3A_182, 8 : i32
        %dma_wait3A_184 = tpu.memref_slice %arg3[%multiple_of3A_183] : memref<320000xi32, #tpu.memory_space<hbm>> -> memref<80xi32, #tpu.memory_space<hbm>>
        %dma_wait3A_185 = tpu.memref_slice %arg3[%multiple_of3A_183] : memref<320000xi32, #tpu.memory_space<hbm>> -> memref<80xi32, #tpu.memory_space<hbm>>
        tpu.wait_dma2 semaphore(%arg23 : memref<!tpu.dma_semaphore, #tpu.memory_space<semaphore_mem>>) src(%dma_wait3A_185 : memref<80xi32, #tpu.memory_space<hbm>>) dst(%arg8 : memref<80xi32, #tpu.memory_space<vmem>>)
        %dma_wait3A_186 = tpu.memref_slice %arg4[%multiple_of3A_183] : memref<320000xi32, #tpu.memory_space<hbm>> -> memref<80xi32, #tpu.memory_space<hbm>>
        %dma_wait3A_187 = tpu.memref_slice %arg4[%multiple_of3A_183] : memref<320000xi32, #tpu.memory_space<hbm>> -> memref<80xi32, #tpu.memory_space<hbm>>
        tpu.wait_dma2 semaphore(%arg23 : memref<!tpu.dma_semaphore, #tpu.memory_space<semaphore_mem>>) src(%dma_wait3A_187 : memref<80xi32, #tpu.memory_space<hbm>>) dst(%arg11 : memref<80xi32, #tpu.memory_space<vmem>>)
        %dma_start3A_188 = arith.constant 0 : i32
        %dma_start3A_189 = arith.constant 0 : i32
        %dma_start3A_190 = tpu.memref_slice %arg2[%dma_start3A_188, %dma_start3A_189] : memref<10000x128xf32, #tpu.memory_space<hbm>> -> memref<10000x128xf32, #tpu.memory_space<hbm>>
        tpu.enqueue_indirect_dma source(%dma_start3A_190 : memref<10000x128xf32, #tpu.memory_space<hbm>>) target(%arg14 : memref<80x128xf32, #tpu.memory_space<vmem>>) offsets(%arg8 : memref<80xi32, #tpu.memory_space<vmem>>) semaphore(%arg17 : memref<!tpu.dma_semaphore, #tpu.memory_space<semaphore_mem>>)
      } else {
      }
      %add3A_158 = arith.constant 3 : i32
      %add3A_159 = arith.addi %mul3A_95, %add3A_158 : i32
      %add3A_160 = arith.constant 1 : i32
      %add3A_161 = arith.addi %add3A_159, %add3A_160 : i32
      %lt3A_162 = arith.constant 125 : i32
      %lt3A_163 = arith.cmpi slt, %add3A_161, %lt3A_162 : i32
      %convert_element_type3A_164 = arith.extui %lt3A_163 : i1 to i32
      %cond3A_165 = arith.constant 0 : i32
      %cond3A_166 = arith.cmpi ne, %convert_element_type3A_164, %cond3A_165 : i32
      scf.if %cond3A_166 {
        %add3A_176 = arith.constant 3 : i32
        %add3A_177 = arith.addi %mul3A_95, %add3A_176 : i32
        %add3A_178 = arith.constant 1 : i32
        %add3A_179 = arith.addi %add3A_177, %add3A_178 : i32
        %mul3A_180 = arith.constant 80 : i32
        %mul3A_181 = arith.muli %add3A_179, %mul3A_180 : i32
        %add3A_182 = arith.addi %mul3A_2, %mul3A_181 : i32
        %multiple_of3A_183 = tpu.assume_multiple %add3A_182, 8 : i32
        %dma_wait3A_184 = tpu.memref_slice %arg3[%multiple_of3A_183] : memref<320000xi32, #tpu.memory_space<hbm>> -> memref<80xi32, #tpu.memory_space<hbm>>
        %dma_wait3A_185 = tpu.memref_slice %arg3[%multiple_of3A_183] : memref<320000xi32, #tpu.memory_space<hbm>> -> memref<80xi32, #tpu.memory_space<hbm>>
        tpu.wait_dma2 semaphore(%arg24 : memref<!tpu.dma_semaphore, #tpu.memory_space<semaphore_mem>>) src(%dma_wait3A_185 : memref<80xi32, #tpu.memory_space<hbm>>) dst(%arg9 : memref<80xi32, #tpu.memory_space<vmem>>)
        %dma_wait3A_186 = tpu.memref_slice %arg4[%multiple_of3A_183] : memref<320000xi32, #tpu.memory_space<hbm>> -> memref<80xi32, #tpu.memory_space<hbm>>
        %dma_wait3A_187 = tpu.memref_slice %arg4[%multiple_of3A_183] : memref<320000xi32, #tpu.memory_space<hbm>> -> memref<80xi32, #tpu.memory_space<hbm>>
        tpu.wait_dma2 semaphore(%arg24 : memref<!tpu.dma_semaphore, #tpu.memory_space<semaphore_mem>>) src(%dma_wait3A_187 : memref<80xi32, #tpu.memory_space<hbm>>) dst(%arg12 : memref<80xi32, #tpu.memory_space<vmem>>)
        %dma_start3A_188 = arith.constant 0 : i32
        %dma_start3A_189 = arith.constant 0 : i32
        %dma_start3A_190 = tpu.memref_slice %arg2[%dma_start3A_188, %dma_start3A_189] : memref<10000x128xf32, #tpu.memory_space<hbm>> -> memref<10000x128xf32, #tpu.memory_space<hbm>>
        tpu.enqueue_indirect_dma source(%dma_start3A_190 : memref<10000x128xf32, #tpu.memory_space<hbm>>) target(%arg15 : memref<80x128xf32, #tpu.memory_space<vmem>>) offsets(%arg9 : memref<80xi32, #tpu.memory_space<vmem>>) semaphore(%arg18 : memref<!tpu.dma_semaphore, #tpu.memory_space<semaphore_mem>>)
      } else {
      }
      %add3A_167 = arith.constant 3 : i32
      %add3A_168 = arith.addi %mul3A_95, %add3A_167 : i32
      %add3A_169 = arith.constant 2 : i32
      %add3A_170 = arith.addi %add3A_168, %add3A_169 : i32
      %lt3A_171 = arith.constant 125 : i32
      %lt3A_172 = arith.cmpi slt, %add3A_170, %lt3A_171 : i32
      %convert_element_type3A_173 = arith.extui %lt3A_172 : i1 to i32
      %cond3A_174 = arith.constant 0 : i32
      %cond3A_175 = arith.cmpi ne, %convert_element_type3A_173, %cond3A_174 : i32
      scf.if %cond3A_175 {
        %add3A_176 = arith.constant 3 : i32
        %add3A_177 = arith.addi %mul3A_95, %add3A_176 : i32
        %add3A_178 = arith.constant 2 : i32
        %add3A_179 = arith.addi %add3A_177, %add3A_178 : i32
        %mul3A_180 = arith.constant 80 : i32
        %mul3A_181 = arith.muli %add3A_179, %mul3A_180 : i32
        %add3A_182 = arith.addi %mul3A_2, %mul3A_181 : i32
        %multiple_of3A_183 = tpu.assume_multiple %add3A_182, 8 : i32
        %dma_wait3A_184 = tpu.memref_slice %arg3[%multiple_of3A_183] : memref<320000xi32, #tpu.memory_space<hbm>> -> memref<80xi32, #tpu.memory_space<hbm>>
        %dma_wait3A_185 = tpu.memref_slice %arg3[%multiple_of3A_183] : memref<320000xi32, #tpu.memory_space<hbm>> -> memref<80xi32, #tpu.memory_space<hbm>>
        tpu.wait_dma2 semaphore(%arg25 : memref<!tpu.dma_semaphore, #tpu.memory_space<semaphore_mem>>) src(%dma_wait3A_185 : memref<80xi32, #tpu.memory_space<hbm>>) dst(%arg10 : memref<80xi32, #tpu.memory_space<vmem>>)
        %dma_wait3A_186 = tpu.memref_slice %arg4[%multiple_of3A_183] : memref<320000xi32, #tpu.memory_space<hbm>> -> memref<80xi32, #tpu.memory_space<hbm>>
        %dma_wait3A_187 = tpu.memref_slice %arg4[%multiple_of3A_183] : memref<320000xi32, #tpu.memory_space<hbm>> -> memref<80xi32, #tpu.memory_space<hbm>>
        tpu.wait_dma2 semaphore(%arg25 : memref<!tpu.dma_semaphore, #tpu.memory_space<semaphore_mem>>) src(%dma_wait3A_187 : memref<80xi32, #tpu.memory_space<hbm>>) dst(%arg13 : memref<80xi32, #tpu.memory_space<vmem>>)
        %dma_start3A_188 = arith.constant 0 : i32
        %dma_start3A_189 = arith.constant 0 : i32
        %dma_start3A_190 = tpu.memref_slice %arg2[%dma_start3A_188, %dma_start3A_189] : memref<10000x128xf32, #tpu.memory_space<hbm>> -> memref<10000x128xf32, #tpu.memory_space<hbm>>
        tpu.enqueue_indirect_dma source(%dma_start3A_190 : memref<10000x128xf32, #tpu.memory_space<hbm>>) target(%arg16 : memref<80x128xf32, #tpu.memory_space<vmem>>) offsets(%arg10 : memref<80xi32, #tpu.memory_space<vmem>>) semaphore(%arg19 : memref<!tpu.dma_semaphore, #tpu.memory_space<semaphore_mem>>)
      } else {
      }
    }
    %scan3A_61 = arith.constant 41 : i32
    %dma_wait3A_62 = arith.constant 0 : i32
    %dma_wait3A_63 = arith.constant 0 : i32
    %dma_wait3A_64 = tpu.memref_slice %arg2[%dma_wait3A_62, %dma_wait3A_63] : memref<10000x128xf32, #tpu.memory_space<hbm>> -> memref<10000x128xf32, #tpu.memory_space<hbm>>
    tpu.wait_indirect_dma semaphore(%arg17 : memref<!tpu.dma_semaphore, #tpu.memory_space<semaphore_mem>>) src(%dma_wait3A_64 : memref<10000x128xf32, #tpu.memory_space<hbm>>) dst(%arg14 : memref<80x128xf32, #tpu.memory_space<vmem>>)
    %dma_start3A_65 = arith.constant 0 : i32
    %dma_start3A_66 = arith.constant 0 : i32
    %dma_start3A_67 = tpu.memref_slice %arg7[%dma_start3A_65, %dma_start3A_66] : memref<10000x128xf32, #tpu.memory_space<vmem_shared>> -> memref<10000x128xf32, #tpu.memory_space<vmem_shared>>
    tpu.enqueue_indirect_dma source(%arg14 : memref<80x128xf32, #tpu.memory_space<vmem>>) target(%dma_start3A_67 : memref<10000x128xf32, #tpu.memory_space<vmem_shared>>) offsets(%arg11 : memref<80xi32, #tpu.memory_space<vmem>>) semaphore(%arg20 : memref<!tpu.dma_semaphore, #tpu.memory_space<semaphore_mem>>) {add = true}
    %dma_wait3A_68 = arith.constant 0 : i32
    %dma_wait3A_69 = arith.constant 0 : i32
    %dma_wait3A_70 = tpu.memref_slice %arg7[%dma_wait3A_68, %dma_wait3A_69] : memref<10000x128xf32, #tpu.memory_space<vmem_shared>> -> memref<10000x128xf32, #tpu.memory_space<vmem_shared>>
    tpu.wait_indirect_dma semaphore(%arg20 : memref<!tpu.dma_semaphore, #tpu.memory_space<semaphore_mem>>) src(%arg14 : memref<80x128xf32, #tpu.memory_space<vmem>>) dst(%dma_wait3A_70 : memref<10000x128xf32, #tpu.memory_space<vmem_shared>>)
    %dma_wait3A_71 = arith.constant 0 : i32
    %dma_wait3A_72 = arith.constant 0 : i32
    %dma_wait3A_73 = tpu.memref_slice %arg2[%dma_wait3A_71, %dma_wait3A_72] : memref<10000x128xf32, #tpu.memory_space<hbm>> -> memref<10000x128xf32, #tpu.memory_space<hbm>>
    tpu.wait_indirect_dma semaphore(%arg18 : memref<!tpu.dma_semaphore, #tpu.memory_space<semaphore_mem>>) src(%dma_wait3A_73 : memref<10000x128xf32, #tpu.memory_space<hbm>>) dst(%arg15 : memref<80x128xf32, #tpu.memory_space<vmem>>)
    %dma_start3A_74 = arith.constant 0 : i32
    %dma_start3A_75 = arith.constant 0 : i32
    %dma_start3A_76 = tpu.memref_slice %arg7[%dma_start3A_74, %dma_start3A_75] : memref<10000x128xf32, #tpu.memory_space<vmem_shared>> -> memref<10000x128xf32, #tpu.memory_space<vmem_shared>>
    tpu.enqueue_indirect_dma source(%arg15 : memref<80x128xf32, #tpu.memory_space<vmem>>) target(%dma_start3A_76 : memref<10000x128xf32, #tpu.memory_space<vmem_shared>>) offsets(%arg12 : memref<80xi32, #tpu.memory_space<vmem>>) semaphore(%arg21 : memref<!tpu.dma_semaphore, #tpu.memory_space<semaphore_mem>>) {add = true}
    %dma_wait3A_77 = arith.constant 0 : i32
    %dma_wait3A_78 = arith.constant 0 : i32
    %dma_wait3A_79 = tpu.memref_slice %arg7[%dma_wait3A_77, %dma_wait3A_78] : memref<10000x128xf32, #tpu.memory_space<vmem_shared>> -> memref<10000x128xf32, #tpu.memory_space<vmem_shared>>
    tpu.wait_indirect_dma semaphore(%arg21 : memref<!tpu.dma_semaphore, #tpu.memory_space<semaphore_mem>>) src(%arg15 : memref<80x128xf32, #tpu.memory_space<vmem>>) dst(%dma_wait3A_79 : memref<10000x128xf32, #tpu.memory_space<vmem_shared>>)
    %barrier3A_80 = arith.constant 0 : index
    tpu.barrier barrier_id(%barrier3A_80)
    %mul3A_81 = arith.constant 624 : i32
    %mul3A_82 = arith.muli %arg1, %mul3A_81 : i32
    %mul3A_83 = arith.constant 10000 : i32
    %mul3A_84 = arith.muli %arg0, %mul3A_83 : i32
    %mul3A_85 = arith.constant 624 : i32
    %mul3A_86 = arith.muli %arg1, %mul3A_85 : i32
    %add3A_87 = arith.addi %mul3A_84, %mul3A_86 : i32
    "tpu.region"() ({
      %run_scoped3A = tpu.sem_alloc : memref<!tpu.dma_semaphore, #tpu.memory_space<semaphore_mem>>
      %dma_start3A_93 = arith.constant 0 : i32
      %dma_start3A_94 = tpu.memref_slice %arg6[%add3A_87, %dma_start3A_93] : memref<20000x128xf32, #tpu.memory_space<hbm>> -> memref<624x128xf32, #tpu.memory_space<hbm>>
      %dma_start3A_95 = arith.constant 0 : i32
      %dma_start3A_96 = tpu.memref_slice %arg7[%mul3A_82, %dma_start3A_95] : memref<10000x128xf32, #tpu.memory_space<vmem_shared>> -> memref<624x128xf32, #tpu.memory_space<vmem_shared>>
      tpu.enqueue_dma source(%dma_start3A_96 : memref<624x128xf32, #tpu.memory_space<vmem_shared>>) target(%dma_start3A_94 : memref<624x128xf32, #tpu.memory_space<hbm>>) target_semaphore(%run_scoped3A : memref<!tpu.dma_semaphore, #tpu.memory_space<semaphore_mem>>)
      %dma_wait3A_97 = arith.constant 0 : i32
      %dma_wait3A_98 = tpu.memref_slice %arg6[%add3A_87, %dma_wait3A_97] : memref<20000x128xf32, #tpu.memory_space<hbm>> -> memref<624x128xf32, #tpu.memory_space<hbm>>
      %dma_wait3A_99 = arith.constant 0 : i32
      %dma_wait3A_100 = tpu.memref_slice %arg7[%mul3A_82, %dma_wait3A_99] : memref<10000x128xf32, #tpu.memory_space<vmem_shared>> -> memref<624x128xf32, #tpu.memory_space<vmem_shared>>
      tpu.wait_dma2 semaphore(%run_scoped3A : memref<!tpu.dma_semaphore, #tpu.memory_space<semaphore_mem>>) src(%dma_wait3A_100 : memref<624x128xf32, #tpu.memory_space<vmem_shared>>) dst(%dma_wait3A_98 : memref<624x128xf32, #tpu.memory_space<hbm>>)
      tpu.yield
    }) : () -> ()
    %eq3A_88 = arith.constant 15 : i32
    %eq3A_89 = arith.cmpi eq, %arg1, %eq3A_88 : i32
    %convert_element_type3A_90 = arith.extui %eq3A_89 : i1 to i32
    %cond3A_91 = arith.constant 0 : i32
    %cond3A_92 = arith.cmpi ne, %convert_element_type3A_90, %cond3A_91 : i32
    scf.if %cond3A_92 {
      %mul3A_93 = arith.constant 10000 : i32
      %mul3A_94 = arith.muli %arg0, %mul3A_93 : i32
      %add3A_95 = arith.constant 9984 : i32
      %add3A_96 = arith.addi %mul3A_94, %add3A_95 : i32
      "tpu.region"() ({
        %run_scoped3A = tpu.sem_alloc : memref<!tpu.dma_semaphore, #tpu.memory_space<semaphore_mem>>
        %dma_start3A_97 = arith.constant 0 : i32
        %dma_start3A_98 = tpu.memref_slice %arg6[%add3A_96, %dma_start3A_97] : memref<20000x128xf32, #tpu.memory_space<hbm>> -> memref<16x128xf32, #tpu.memory_space<hbm>>
        %dma_start3A_99 = arith.constant 9984 : i32
        %dma_start3A_100 = arith.constant 0 : i32
        %dma_start3A_101 = tpu.memref_slice %arg7[%dma_start3A_99, %dma_start3A_100] : memref<10000x128xf32, #tpu.memory_space<vmem_shared>> -> memref<16x128xf32, #tpu.memory_space<vmem_shared>>
        tpu.enqueue_dma source(%dma_start3A_101 : memref<16x128xf32, #tpu.memory_space<vmem_shared>>) target(%dma_start3A_98 : memref<16x128xf32, #tpu.memory_space<hbm>>) target_semaphore(%run_scoped3A : memref<!tpu.dma_semaphore, #tpu.memory_space<semaphore_mem>>)
        %dma_wait3A_102 = arith.constant 0 : i32
        %dma_wait3A_103 = tpu.memref_slice %arg6[%add3A_96, %dma_wait3A_102] : memref<20000x128xf32, #tpu.memory_space<hbm>> -> memref<16x128xf32, #tpu.memory_space<hbm>>
        %dma_wait3A_104 = arith.constant 9984 : i32
        %dma_wait3A_105 = arith.constant 0 : i32
        %dma_wait3A_106 = tpu.memref_slice %arg7[%dma_wait3A_104, %dma_wait3A_105] : memref<10000x128xf32, #tpu.memory_space<vmem_shared>> -> memref<16x128xf32, #tpu.memory_space<vmem_shared>>
        tpu.wait_dma2 semaphore(%run_scoped3A : memref<!tpu.dma_semaphore, #tpu.memory_space<semaphore_mem>>) src(%dma_wait3A_106 : memref<16x128xf32, #tpu.memory_space<vmem_shared>>) dst(%dma_wait3A_103 : memref<16x128xf32, #tpu.memory_space<hbm>>)
        tpu.yield
      }) : () -> ()
    } else {
    }
    return
  }
}

module attributes {stable_mosaic.version = 14 : i64} {
  func.func @_mlp_body(%arg0: i32, %arg1: memref<400x128xf32, #tpu.memory_space<vmem>>, %arg2: memref<400x128xf32, #tpu.memory_space<vmem>>, %arg3: memref<400x128xf32, #tpu.memory_space<vmem>>, %arg4: memref<128x128xf32, #tpu.memory_space<vmem>>, %arg5: memref<1x128xf32, #tpu.memory_space<vmem>>, %arg6: memref<128x128xf32, #tpu.memory_space<vmem>>, %arg7: memref<1x128xf32, #tpu.memory_space<vmem>>, %arg8: memref<400x128xf32, #tpu.memory_space<vmem>>, %arg9: memref<8x128xf32, #tpu.memory_space<vmem>>) attributes {dimension_semantics = [#tpu.dimension_semantics<arbitrary>], iteration_bounds = array<i64: 25>, scalar_prefetch = 0 : i64, scratch_operands = 0 : i64, tpu.core_type = #tpu.core_type<tc>, window_params = [{transform_indices = @transform_0, window_bounds = array<i64: 400, 128>}, {transform_indices = @transform_1, window_bounds = array<i64: 400, 128>}, {transform_indices = @transform_2, window_bounds = array<i64: 400, 128>}, {pipeline_mode = #tpu.pipeline_mode<synchronous>, transform_indices = @transform_3, window_bounds = array<i64: 128, 128>}, {pipeline_mode = #tpu.pipeline_mode<synchronous>, transform_indices = @transform_4, window_bounds = array<i64: 1, 128>}, {pipeline_mode = #tpu.pipeline_mode<synchronous>, transform_indices = @transform_5, window_bounds = array<i64: 128, 128>}, {pipeline_mode = #tpu.pipeline_mode<synchronous>, transform_indices = @transform_6, window_bounds = array<i64: 1, 128>}, {transform_indices = @transform_7, window_bounds = array<i64: 400, 128>}, {pipeline_mode = #tpu.pipeline_mode<synchronous>, transform_indices = @transform_8, window_bounds = array<i64: 8, 128>}]} {
    %get3A = arith.constant 0 : index
    %get3A_0 = arith.constant 0 : index
    %get3A_1 = vector.load %arg1[%get3A, %get3A_0] : memref<400x128xf32, #tpu.memory_space<vmem>>, vector<400x128xf32>
    %get3A_2 = arith.constant 0 : index
    %get3A_3 = arith.constant 0 : index
    %get3A_4 = vector.load %arg2[%get3A_2, %get3A_3] : memref<400x128xf32, #tpu.memory_space<vmem>>, vector<400x128xf32>
    %add3A = arith.addf %get3A_1, %get3A_4 : vector<400x128xf32>
    %get3A_5 = arith.constant 0 : index
    %get3A_6 = arith.constant 0 : index
    %get3A_7 = vector.load %arg3[%get3A_5, %get3A_6] : memref<400x128xf32, #tpu.memory_space<vmem>>, vector<400x128xf32>
    %add3A_8 = arith.addf %add3A, %get3A_7 : vector<400x128xf32>
    %get3A_9 = arith.constant 0 : index
    %get3A_10 = arith.constant 0 : index
    %get3A_11 = vector.load %arg4[%get3A_9, %get3A_10] : memref<128x128xf32, #tpu.memory_space<vmem>>, vector<128x128xf32>
    %dot_general3A = arith.constant dense<0.000000e+00> : vector<400x128xf32>
    %dot_general3A_12 = tpu.matmul %add3A_8, %get3A_11, %dot_general3A {dimension_numbers = #tpu.dot_dimension_numbers<[1], [0], [0], [1], [0, 0, 1, 1], [], []>, transpose_lhs_hint = false} : vector<400x128xf32>, vector<128x128xf32>, vector<400x128xf32> -> vector<400x128xf32>
    %get3A_13 = arith.constant 0 : index
    %get3A_14 = arith.constant 0 : index
    %get3A_15 = vector.load %arg5[%get3A_13, %get3A_14] : memref<1x128xf32, #tpu.memory_space<vmem>>, vector<1x128xf32>
    %add3A_16 = vector.broadcast %get3A_15 : vector<1x128xf32> to vector<400x128xf32>
    %add3A_17 = arith.addf %dot_general3A_12, %add3A_16 : vector<400x128xf32>
    %max3A = arith.constant 0.000000e+00 : f32
    %max3A_18 = vector.broadcast %max3A : f32 to vector<400x128xf32>
    %max3A_19 = arith.maximumf %add3A_17, %max3A_18 : vector<400x128xf32>
    %get3A_20 = arith.constant 0 : index
    %get3A_21 = arith.constant 0 : index
    %get3A_22 = vector.load %arg6[%get3A_20, %get3A_21] : memref<128x128xf32, #tpu.memory_space<vmem>>, vector<128x128xf32>
    %dot_general3A_23 = arith.constant dense<0.000000e+00> : vector<400x128xf32>
    %dot_general3A_24 = tpu.matmul %max3A_19, %get3A_22, %dot_general3A_23 {dimension_numbers = #tpu.dot_dimension_numbers<[1], [0], [0], [1], [0, 0, 1, 1], [], []>, transpose_lhs_hint = false} : vector<400x128xf32>, vector<128x128xf32>, vector<400x128xf32> -> vector<400x128xf32>
    %get3A_25 = arith.constant 0 : index
    %get3A_26 = arith.constant 0 : index
    %get3A_27 = vector.load %arg7[%get3A_25, %get3A_26] : memref<1x128xf32, #tpu.memory_space<vmem>>, vector<1x128xf32>
    %add3A_28 = vector.broadcast %get3A_27 : vector<1x128xf32> to vector<400x128xf32>
    %add3A_29 = arith.addf %dot_general3A_24, %add3A_28 : vector<400x128xf32>
    %max3A_30 = arith.constant 0.000000e+00 : f32
    %max3A_31 = vector.broadcast %max3A_30 : f32 to vector<400x128xf32>
    %max3A_32 = arith.maximumf %add3A_29, %max3A_31 : vector<400x128xf32>
    %swap3A = arith.constant 0 : index
    %swap3A_33 = arith.constant 0 : index
    %swap3A_34 = vector.load %arg8[%swap3A, %swap3A_33] : memref<400x128xf32, #tpu.memory_space<vmem>>, vector<400x128xf32>
    tpu.vector_store %arg8[%swap3A, %swap3A_33], %max3A_32 {strides = array<i32>} : memref<400x128xf32, #tpu.memory_space<vmem>>, vector<400x128xf32>,
    %eq3A = arith.constant 0 : i32
    %eq3A_35 = arith.cmpi eq, %arg0, %eq3A : i32
    %convert_element_type3A = arith.extui %eq3A_35 : i1 to i32
    %cond3A = arith.constant 0 : i32
    %cond3A_36 = arith.cmpi ne, %convert_element_type3A, %cond3A : i32
    scf.if %cond3A_36 {
      %broadcast_in_dim3A_50 = arith.constant 0.000000e+00 : f32
      %broadcast_in_dim3A_51 = vector.broadcast %broadcast_in_dim3A_50 : f32 to vector<8x128xf32>
      %swap3A_52 = arith.constant 0 : index
      %swap3A_53 = arith.constant 0 : index
      %swap3A_54 = vector.load %arg9[%swap3A_52, %swap3A_53] : memref<8x128xf32, #tpu.memory_space<vmem>>, vector<8x128xf32>
      tpu.vector_store %arg9[%swap3A_52, %swap3A_53], %broadcast_in_dim3A_51 {strides = array<i32>} : memref<8x128xf32, #tpu.memory_space<vmem>>, vector<8x128xf32>,
    } else {
    }
    %reduce_sum3A = arith.constant dense<0.000000e+00> : vector<128xf32>
    %reduce_sum3A_37 = vector.multi_reduction <add>, %max3A_32, %reduce_sum3A [0] : vector<400x128xf32> to vector<128xf32>
    %broadcast_in_dim3A = vector.shape_cast %reduce_sum3A_37 : vector<128xf32> to vector<1x128xf32>
    %mul3A = arith.mulf %max3A_32, %max3A_32 : vector<400x128xf32>
    %reduce_sum3A_38 = arith.constant dense<0.000000e+00> : vector<128xf32>
    %reduce_sum3A_39 = vector.multi_reduction <add>, %mul3A, %reduce_sum3A_38 [0] : vector<400x128xf32> to vector<128xf32>
    %broadcast_in_dim3A_40 = vector.shape_cast %reduce_sum3A_39 : vector<128xf32> to vector<1x128xf32>
    %broadcast_in_dim3A_41 = arith.constant 0.000000e+00 : f32
    %broadcast_in_dim3A_42 = vector.broadcast %broadcast_in_dim3A_41 : f32 to vector<6x128xf32>
    %concatenate3A = tpu.concatenate %broadcast_in_dim3A, %broadcast_in_dim3A_40, %broadcast_in_dim3A_42 in 0 : vector<1x128xf32>, vector<1x128xf32>, vector<6x128xf32> -> vector<8x128xf32>
    %get3A_43 = arith.constant 0 : index
    %get3A_44 = arith.constant 0 : index
    %get3A_45 = vector.load %arg9[%get3A_43, %get3A_44] : memref<8x128xf32, #tpu.memory_space<vmem>>, vector<8x128xf32>
    %add3A_46 = arith.addf %get3A_45, %concatenate3A : vector<8x128xf32>
    %swap3A_47 = arith.constant 0 : index
    %swap3A_48 = arith.constant 0 : index
    %swap3A_49 = vector.load %arg9[%swap3A_47, %swap3A_48] : memref<8x128xf32, #tpu.memory_space<vmem>>, vector<8x128xf32>
    tpu.vector_store %arg9[%swap3A_47, %swap3A_48], %add3A_46 {strides = array<i32>} : memref<8x128xf32, #tpu.memory_space<vmem>>, vector<8x128xf32>,
    return
  }
  func.func @transform_0(%arg0: i32) -> (i32, i32) {
    %c0_i32 = arith.constant 0 : i32
    %c0_i32_0 = arith.constant 0 : i32
    return %arg0, %c0_i32 : i32, i32
  }
  func.func @transform_1(%arg0: i32) -> (i32, i32) {
    %c0_i32 = arith.constant 0 : i32
    %c0_i32_0 = arith.constant 0 : i32
    return %arg0, %c0_i32 : i32, i32
  }
  func.func @transform_2(%arg0: i32) -> (i32, i32) {
    %c0_i32 = arith.constant 0 : i32
    %c0_i32_0 = arith.constant 0 : i32
    return %arg0, %c0_i32 : i32, i32
  }
  func.func @transform_3(%arg0: i32) -> (i32, i32) {
    %c0_i32 = arith.constant 0 : i32
    %c0_i32_0 = arith.constant 0 : i32
    %c0_i32_1 = arith.constant 0 : i32
    return %c0_i32, %c0_i32_0 : i32, i32
  }
  func.func @transform_4(%arg0: i32) -> (i32, i32) {
    %c0_i32 = arith.constant 0 : i32
    %c0_i32_0 = arith.constant 0 : i32
    %c0_i32_1 = arith.constant 0 : i32
    return %c0_i32, %c0_i32_0 : i32, i32
  }
  func.func @transform_5(%arg0: i32) -> (i32, i32) {
    %c0_i32 = arith.constant 0 : i32
    %c0_i32_0 = arith.constant 0 : i32
    %c0_i32_1 = arith.constant 0 : i32
    return %c0_i32, %c0_i32_0 : i32, i32
  }
  func.func @transform_6(%arg0: i32) -> (i32, i32) {
    %c0_i32 = arith.constant 0 : i32
    %c0_i32_0 = arith.constant 0 : i32
    %c0_i32_1 = arith.constant 0 : i32
    return %c0_i32, %c0_i32_0 : i32, i32
  }
  func.func @transform_7(%arg0: i32) -> (i32, i32) {
    %c0_i32 = arith.constant 0 : i32
    %c0_i32_0 = arith.constant 0 : i32
    return %arg0, %c0_i32 : i32, i32
  }
  func.func @transform_8(%arg0: i32) -> (i32, i32) {
    %c0_i32 = arith.constant 0 : i32
    %c0_i32_0 = arith.constant 0 : i32
    %c0_i32_1 = arith.constant 0 : i32
    return %c0_i32, %c0_i32_0 : i32, i32
  }
}

module attributes {stable_mosaic.version = 14 : i64} {
  func.func @_bn_body(%arg0: i32, %arg1: memref<400x128xf32, #tpu.memory_space<vmem>>, %arg2: memref<8x128xf32, #tpu.memory_space<vmem>>, %arg3: memref<1x128xf32, #tpu.memory_space<vmem>>, %arg4: memref<1x128xf32, #tpu.memory_space<vmem>>, %arg5: memref<400x128xf32, #tpu.memory_space<vmem>>) attributes {dimension_semantics = [#tpu.dimension_semantics<arbitrary>], iteration_bounds = array<i64: 25>, scalar_prefetch = 0 : i64, scratch_operands = 0 : i64, tpu.core_type = #tpu.core_type<tc>, window_params = [{transform_indices = @transform_0, window_bounds = array<i64: 400, 128>}, {pipeline_mode = #tpu.pipeline_mode<synchronous>, transform_indices = @transform_1, window_bounds = array<i64: 8, 128>}, {pipeline_mode = #tpu.pipeline_mode<synchronous>, transform_indices = @transform_2, window_bounds = array<i64: 1, 128>}, {pipeline_mode = #tpu.pipeline_mode<synchronous>, transform_indices = @transform_3, window_bounds = array<i64: 1, 128>}, {transform_indices = @transform_4, window_bounds = array<i64: 400, 128>}]} {
    %get3A = arith.constant 0 : index
    %get3A_0 = arith.constant 0 : index
    %get3A_1 = vector.load %arg2[%get3A, %get3A_0] : memref<8x128xf32, #tpu.memory_space<vmem>>, vector<1x128xf32>
    %mul3A = arith.constant 9.99999974E-5 : f32
    %mul3A_2 = vector.broadcast %mul3A : f32 to vector<1x128xf32>
    %mul3A_3 = arith.mulf %get3A_1, %mul3A_2 : vector<1x128xf32>
    %get3A_4 = arith.constant 1 : index
    %get3A_5 = arith.constant 0 : index
    %get3A_6 = vector.load %arg2[%get3A_4, %get3A_5] : memref<8x128xf32, #tpu.memory_space<vmem>>, vector<1x128xf32>
    %mul3A_7 = arith.constant 9.99999974E-5 : f32
    %mul3A_8 = vector.broadcast %mul3A_7 : f32 to vector<1x128xf32>
    %mul3A_9 = arith.mulf %get3A_6, %mul3A_8 : vector<1x128xf32>
    %mul3A_10 = arith.mulf %mul3A_3, %mul3A_3 : vector<1x128xf32>
    %sub3A = arith.subf %mul3A_9, %mul3A_10 : vector<1x128xf32>
    %add3A = arith.constant 9.99999974E-6 : f32
    %add3A_11 = vector.broadcast %add3A : f32 to vector<1x128xf32>
    %add3A_12 = arith.addf %sub3A, %add3A_11 : vector<1x128xf32>
    %rsqrt3A = math.rsqrt %add3A_12 : vector<1x128xf32>
    %get3A_13 = arith.constant 0 : index
    %get3A_14 = arith.constant 0 : index
    %get3A_15 = vector.load %arg1[%get3A_13, %get3A_14] : memref<400x128xf32, #tpu.memory_space<vmem>>, vector<400x128xf32>
    %sub3A_16 = vector.broadcast %mul3A_3 : vector<1x128xf32> to vector<400x128xf32>
    %sub3A_17 = arith.subf %get3A_15, %sub3A_16 : vector<400x128xf32>
    %get3A_18 = arith.constant 0 : index
    %get3A_19 = arith.constant 0 : index
    %get3A_20 = vector.load %arg3[%get3A_18, %get3A_19] : memref<1x128xf32, #tpu.memory_space<vmem>>, vector<1x128xf32>
    %mul3A_21 = arith.mulf %rsqrt3A, %get3A_20 : vector<1x128xf32>
    %mul3A_22 = vector.broadcast %mul3A_21 : vector<1x128xf32> to vector<400x128xf32>
    %mul3A_23 = arith.mulf %sub3A_17, %mul3A_22 : vector<400x128xf32>
    %get3A_24 = arith.constant 0 : index
    %get3A_25 = arith.constant 0 : index
    %get3A_26 = vector.load %arg4[%get3A_24, %get3A_25] : memref<1x128xf32, #tpu.memory_space<vmem>>, vector<1x128xf32>
    %add3A_27 = vector.broadcast %get3A_26 : vector<1x128xf32> to vector<400x128xf32>
    %add3A_28 = arith.addf %mul3A_23, %add3A_27 : vector<400x128xf32>
    %swap3A = arith.constant 0 : index
    %swap3A_29 = arith.constant 0 : index
    %swap3A_30 = vector.load %arg5[%swap3A, %swap3A_29] : memref<400x128xf32, #tpu.memory_space<vmem>>, vector<400x128xf32>
    tpu.vector_store %arg5[%swap3A, %swap3A_29], %add3A_28 {strides = array<i32>} : memref<400x128xf32, #tpu.memory_space<vmem>>, vector<400x128xf32>,
    return
  }
  func.func @transform_0(%arg0: i32) -> (i32, i32) {
    %c0_i32 = arith.constant 0 : i32
    %c0_i32_0 = arith.constant 0 : i32
    return %arg0, %c0_i32 : i32, i32
  }
  func.func @transform_1(%arg0: i32) -> (i32, i32) {
    %c0_i32 = arith.constant 0 : i32
    %c0_i32_0 = arith.constant 0 : i32
    %c0_i32_1 = arith.constant 0 : i32
    return %c0_i32, %c0_i32_0 : i32, i32
  }
  func.func @transform_2(%arg0: i32) -> (i32, i32) {
    %c0_i32 = arith.constant 0 : i32
    %c0_i32_0 = arith.constant 0 : i32
    %c0_i32_1 = arith.constant 0 : i32
    return %c0_i32, %c0_i32_0 : i32, i32
  }
  func.func @transform_3(%arg0: i32) -> (i32, i32) {
    %c0_i32 = arith.constant 0 : i32
    %c0_i32_0 = arith.constant 0 : i32
    %c0_i32_1 = arith.constant 0 : i32
    return %c0_i32, %c0_i32_0 : i32, i32
  }
  func.func @transform_4(%arg0: i32) -> (i32, i32) {
    %c0_i32 = arith.constant 0 : i32
    %c0_i32_0 = arith.constant 0 : i32
    return %arg0, %c0_i32 : i32, i32
  }
}

module attributes {stable_mosaic.version = 14 : i64} {
  func.func @_head_body(%arg0: i32, %arg1: memref<1x1x400xi32, #tpu.memory_space<vmem>>, %arg2: memref<400x128xf32, #tpu.memory_space<vmem>>, %arg3: memref<400x128xf32, #tpu.memory_space<vmem>>, %arg4: memref<400x128xf32, #tpu.memory_space<vmem>>, %arg5: memref<384x384xf32, #tpu.memory_space<vmem>>, %arg6: memref<1x384xf32, #tpu.memory_space<vmem>>, %arg7: memref<384x384xf32, #tpu.memory_space<vmem>>, %arg8: memref<1x384xf32, #tpu.memory_space<vmem>>, %arg9: memref<128x384xf32, #tpu.memory_space<vmem>>, %arg10: memref<128x384xf32, #tpu.memory_space<vmem>>) attributes {dimension_semantics = [#tpu.dimension_semantics<arbitrary>], iteration_bounds = array<i64: 25>, scalar_prefetch = 0 : i64, scratch_operands = 1 : i64, tpu.core_type = #tpu.core_type<tc>, window_params = [{transform_indices = @transform_0, window_bounds = array<i64: 1, 1, 400>}, {transform_indices = @transform_1, window_bounds = array<i64: 400, 128>}, {transform_indices = @transform_2, window_bounds = array<i64: 400, 128>}, {transform_indices = @transform_3, window_bounds = array<i64: 400, 128>}, {pipeline_mode = #tpu.pipeline_mode<synchronous>, transform_indices = @transform_4, window_bounds = array<i64: 384, 384>}, {pipeline_mode = #tpu.pipeline_mode<synchronous>, transform_indices = @transform_5, window_bounds = array<i64: 1, 384>}, {pipeline_mode = #tpu.pipeline_mode<synchronous>, transform_indices = @transform_6, window_bounds = array<i64: 384, 384>}, {pipeline_mode = #tpu.pipeline_mode<synchronous>, transform_indices = @transform_7, window_bounds = array<i64: 1, 384>}, {pipeline_mode = #tpu.pipeline_mode<synchronous>, transform_indices = @transform_8, window_bounds = array<i64: 128, 384>}]} {
    %eq3A = arith.constant 0 : i32
    %eq3A_0 = arith.cmpi eq, %arg0, %eq3A : i32
    %convert_element_type3A = arith.extui %eq3A_0 : i1 to i32
    %cond3A = arith.constant 0 : i32
    %cond3A_1 = arith.cmpi ne, %convert_element_type3A, %cond3A : i32
    scf.if %cond3A_1 {
      %broadcast_in_dim3A_48 = arith.constant 0.000000e+00 : f32
      %broadcast_in_dim3A_49 = vector.broadcast %broadcast_in_dim3A_48 : f32 to vector<128x384xf32>
      %swap3A_50 = arith.constant 0 : index
      %swap3A_51 = arith.constant 0 : index
      %swap3A_52 = vector.load %arg10[%swap3A_50, %swap3A_51] : memref<128x384xf32, #tpu.memory_space<vmem>>, vector<128x384xf32>
      tpu.vector_store %arg10[%swap3A_50, %swap3A_51], %broadcast_in_dim3A_49 {strides = array<i32>} : memref<128x384xf32, #tpu.memory_space<vmem>>, vector<128x384xf32>,
    } else {
    }
    %get3A = arith.constant 0 : index
    %get3A_2 = arith.constant 0 : index
    %get3A_3 = arith.constant 0 : index
    %get3A_4 = vector.load %arg1[%get3A, %get3A_2, %get3A_3] : memref<1x1x400xi32, #tpu.memory_space<vmem>>, vector<1x1x400xi32>
    %get3A_5 = vector.shape_cast %get3A_4 : vector<1x1x400xi32> to vector<400xi32>
    %iota3A = tpu.iota {dimensions = array<i32: 0>} : vector<128x400xi32>
    %broadcast_in_dim3A = vector.shape_cast %get3A_5 : vector<400xi32> to vector<1x400xi32>
    %eq3A_6 = vector.broadcast %broadcast_in_dim3A : vector<1x400xi32> to vector<128x400xi32>
    %eq3A_7 = arith.cmpi eq, %eq3A_6, %iota3A : vector<128x400xi32>
    %convert_element_type3A_8 = arith.extui %eq3A_7 : vector<128x400xi1> to vector<128x400xi32>
    %convert_element_type3A_9 = arith.sitofp %convert_element_type3A_8 : vector<128x400xi32> to vector<128x400xf32>
    %get3A_10 = arith.constant 0 : index
    %get3A_11 = arith.constant 0 : index
    %get3A_12 = vector.load %arg10[%get3A_10, %get3A_11] : memref<128x384xf32, #tpu.memory_space<vmem>>, vector<128x128xf32>
    %get3A_13 = arith.constant 0 : index
    %get3A_14 = arith.constant 0 : index
    %get3A_15 = vector.load %arg2[%get3A_13, %get3A_14] : memref<400x128xf32, #tpu.memory_space<vmem>>, vector<400x128xf32>
    %dot_general3A = arith.constant dense<0.000000e+00> : vector<128x128xf32>
    %dot_general3A_16 = tpu.matmul %convert_element_type3A_9, %get3A_15, %dot_general3A {dimension_numbers = #tpu.dot_dimension_numbers<[1], [0], [0], [1], [0, 0, 1, 1], [], []>, transpose_lhs_hint = false} : vector<128x400xf32>, vector<400x128xf32>, vector<128x128xf32> -> vector<128x128xf32>
    %add3A = arith.addf %get3A_12, %dot_general3A_16 : vector<128x128xf32>
    %swap3A = arith.constant 0 : index
    %swap3A_17 = arith.constant 0 : index
    %swap3A_18 = vector.load %arg10[%swap3A, %swap3A_17] : memref<128x384xf32, #tpu.memory_space<vmem>>, vector<128x128xf32>
    tpu.vector_store %arg10[%swap3A, %swap3A_17], %add3A {strides = array<i32>} : memref<128x384xf32, #tpu.memory_space<vmem>>, vector<128x128xf32>,
    %get3A_19 = arith.constant 0 : index
    %get3A_20 = arith.constant 128 : index
    %get3A_21 = vector.load %arg10[%get3A_19, %get3A_20] : memref<128x384xf32, #tpu.memory_space<vmem>>, vector<128x128xf32>
    %get3A_22 = arith.constant 0 : index
    %get3A_23 = arith.constant 0 : index
    %get3A_24 = vector.load %arg3[%get3A_22, %get3A_23] : memref<400x128xf32, #tpu.memory_space<vmem>>, vector<400x128xf32>
    %dot_general3A_25 = arith.constant dense<0.000000e+00> : vector<128x128xf32>
    %dot_general3A_26 = tpu.matmul %convert_element_type3A_9, %get3A_24, %dot_general3A_25 {dimension_numbers = #tpu.dot_dimension_numbers<[1], [0], [0], [1], [0, 0, 1, 1], [], []>, transpose_lhs_hint = false} : vector<128x400xf32>, vector<400x128xf32>, vector<128x128xf32> -> vector<128x128xf32>
    %add3A_27 = arith.addf %get3A_21, %dot_general3A_26 : vector<128x128xf32>
    %swap3A_28 = arith.constant 0 : index
    %swap3A_29 = arith.constant 128 : index
    %swap3A_30 = vector.load %arg10[%swap3A_28, %swap3A_29] : memref<128x384xf32, #tpu.memory_space<vmem>>, vector<128x128xf32>
    tpu.vector_store %arg10[%swap3A_28, %swap3A_29], %add3A_27 {strides = array<i32>} : memref<128x384xf32, #tpu.memory_space<vmem>>, vector<128x128xf32>,
    %get3A_31 = arith.constant 0 : index
    %get3A_32 = arith.constant 256 : index
    %get3A_33 = vector.load %arg10[%get3A_31, %get3A_32] : memref<128x384xf32, #tpu.memory_space<vmem>>, vector<128x128xf32>
    %get3A_34 = arith.constant 0 : index
    %get3A_35 = arith.constant 0 : index
    %get3A_36 = vector.load %arg4[%get3A_34, %get3A_35] : memref<400x128xf32, #tpu.memory_space<vmem>>, vector<400x128xf32>
    %dot_general3A_37 = arith.constant dense<0.000000e+00> : vector<128x128xf32>
    %dot_general3A_38 = tpu.matmul %convert_element_type3A_9, %get3A_36, %dot_general3A_37 {dimension_numbers = #tpu.dot_dimension_numbers<[1], [0], [0], [1], [0, 0, 1, 1], [], []>, transpose_lhs_hint = false} : vector<128x400xf32>, vector<400x128xf32>, vector<128x128xf32> -> vector<128x128xf32>
    %add3A_39 = arith.addf %get3A_33, %dot_general3A_38 : vector<128x128xf32>
    %swap3A_40 = arith.constant 0 : index
    %swap3A_41 = arith.constant 256 : index
    %swap3A_42 = vector.load %arg10[%swap3A_40, %swap3A_41] : memref<128x384xf32, #tpu.memory_space<vmem>>, vector<128x128xf32>
    tpu.vector_store %arg10[%swap3A_40, %swap3A_41], %add3A_39 {strides = array<i32>} : memref<128x384xf32, #tpu.memory_space<vmem>>, vector<128x128xf32>,
    %eq3A_43 = arith.constant 24 : i32
    %eq3A_44 = arith.cmpi eq, %arg0, %eq3A_43 : i32
    %convert_element_type3A_45 = arith.extui %eq3A_44 : i1 to i32
    %cond3A_46 = arith.constant 0 : i32
    %cond3A_47 = arith.cmpi ne, %convert_element_type3A_45, %cond3A_46 : i32
    scf.if %cond3A_47 {
      %get3A_48 = arith.constant 0 : index
      %get3A_49 = arith.constant 0 : index
      %get3A_50 = vector.load %arg10[%get3A_48, %get3A_49] : memref<128x384xf32, #tpu.memory_space<vmem>>, vector<128x384xf32>
      %get3A_51 = arith.constant 0 : index
      %get3A_52 = arith.constant 0 : index
      %get3A_53 = vector.load %arg5[%get3A_51, %get3A_52] : memref<384x384xf32, #tpu.memory_space<vmem>>, vector<384x384xf32>
      %dot_general3A_54 = arith.constant dense<0.000000e+00> : vector<128x384xf32>
      %dot_general3A_55 = tpu.matmul %get3A_50, %get3A_53, %dot_general3A_54 {dimension_numbers = #tpu.dot_dimension_numbers<[1], [0], [0], [1], [0, 0, 1, 1], [], []>, transpose_lhs_hint = false} : vector<128x384xf32>, vector<384x384xf32>, vector<128x384xf32> -> vector<128x384xf32>
      %get3A_56 = arith.constant 0 : index
      %get3A_57 = arith.constant 0 : index
      %get3A_58 = vector.load %arg6[%get3A_56, %get3A_57] : memref<1x384xf32, #tpu.memory_space<vmem>>, vector<1x384xf32>
      %add3A_59 = vector.broadcast %get3A_58 : vector<1x384xf32> to vector<128x384xf32>
      %add3A_60 = arith.addf %dot_general3A_55, %add3A_59 : vector<128x384xf32>
      %max3A = arith.constant 0.000000e+00 : f32
      %max3A_61 = vector.broadcast %max3A : f32 to vector<128x384xf32>
      %max3A_62 = arith.maximumf %add3A_60, %max3A_61 : vector<128x384xf32>
      %get3A_63 = arith.constant 0 : index
      %get3A_64 = arith.constant 0 : index
      %get3A_65 = vector.load %arg7[%get3A_63, %get3A_64] : memref<384x384xf32, #tpu.memory_space<vmem>>, vector<384x384xf32>
      %dot_general3A_66 = arith.constant dense<0.000000e+00> : vector<128x384xf32>
      %dot_general3A_67 = tpu.matmul %max3A_62, %get3A_65, %dot_general3A_66 {dimension_numbers = #tpu.dot_dimension_numbers<[1], [0], [0], [1], [0, 0, 1, 1], [], []>, transpose_lhs_hint = false} : vector<128x384xf32>, vector<384x384xf32>, vector<128x384xf32> -> vector<128x384xf32>
      %get3A_68 = arith.constant 0 : index
      %get3A_69 = arith.constant 0 : index
      %get3A_70 = vector.load %arg8[%get3A_68, %get3A_69] : memref<1x384xf32, #tpu.memory_space<vmem>>, vector<1x384xf32>
      %add3A_71 = vector.broadcast %get3A_70 : vector<1x384xf32> to vector<128x384xf32>
      %add3A_72 = arith.addf %dot_general3A_67, %add3A_71 : vector<128x384xf32>
      %swap3A_73 = arith.constant 0 : index
      %swap3A_74 = arith.constant 0 : index
      %swap3A_75 = vector.load %arg9[%swap3A_73, %swap3A_74] : memref<128x384xf32, #tpu.memory_space<vmem>>, vector<128x384xf32>
      tpu.vector_store %arg9[%swap3A_73, %swap3A_74], %add3A_72 {strides = array<i32>} : memref<128x384xf32, #tpu.memory_space<vmem>>, vector<128x384xf32>,
    } else {
    }
    return
  }
  func.func @transform_0(%arg0: i32) -> (i32, i32, i32) {
    %c0_i32 = arith.constant 0 : i32
    %c0_i32_0 = arith.constant 0 : i32
    %c0_i32_1 = arith.constant 0 : i32
    return %arg0, %c0_i32, %c0_i32_0 : i32, i32, i32
  }
  func.func @transform_1(%arg0: i32) -> (i32, i32) {
    %c0_i32 = arith.constant 0 : i32
    %c0_i32_0 = arith.constant 0 : i32
    return %arg0, %c0_i32 : i32, i32
  }
  func.func @transform_2(%arg0: i32) -> (i32, i32) {
    %c0_i32 = arith.constant 0 : i32
    %c0_i32_0 = arith.constant 0 : i32
    return %arg0, %c0_i32 : i32, i32
  }
  func.func @transform_3(%arg0: i32) -> (i32, i32) {
    %c0_i32 = arith.constant 0 : i32
    %c0_i32_0 = arith.constant 0 : i32
    return %arg0, %c0_i32 : i32, i32
  }
  func.func @transform_4(%arg0: i32) -> (i32, i32) {
    %c0_i32 = arith.constant 0 : i32
    %c0_i32_0 = arith.constant 0 : i32
    %c0_i32_1 = arith.constant 0 : i32
    return %c0_i32, %c0_i32_0 : i32, i32
  }
  func.func @transform_5(%arg0: i32) -> (i32, i32) {
    %c0_i32 = arith.constant 0 : i32
    %c0_i32_0 = arith.constant 0 : i32
    %c0_i32_1 = arith.constant 0 : i32
    return %c0_i32, %c0_i32_0 : i32, i32
  }
  func.func @transform_6(%arg0: i32) -> (i32, i32) {
    %c0_i32 = arith.constant 0 : i32
    %c0_i32_0 = arith.constant 0 : i32
    %c0_i32_1 = arith.constant 0 : i32
    return %c0_i32, %c0_i32_0 : i32, i32
  }
  func.func @transform_7(%arg0: i32) -> (i32, i32) {
    %c0_i32 = arith.constant 0 : i32
    %c0_i32_0 = arith.constant 0 : i32
    %c0_i32_1 = arith.constant 0 : i32
    return %c0_i32, %c0_i32_0 : i32, i32
  }
  func.func @transform_8(%arg0: i32) -> (i32, i32) {
    %c0_i32 = arith.constant 0 : i32
    %c0_i32_0 = arith.constant 0 : i32
    %c0_i32_1 = arith.constant 0 : i32
    return %c0_i32, %c0_i32_0 : i32, i32
  }
}

</mosaic_0001>

<sc_bundles>
// kernel: kernel.12.cloned.1.call-start
scs
__scs_entry_jumppad:
0x0: {  	(pc) =	sbr.rel $0x88, $3  }
0x1: {  	(tag) =	ssettag $0x0;
	lr =	simm.s32 $0x1  }
0x2: {  	[smem:$0x3F88] =	sst lr;
	_ =	strace $0xD0000000  }
0x3: {  	_ = 	snop  }
0x4: {  	_ = 	snop  }
0x5: {  	_ = 	snop  }
0x6: {  	_ = 	snop  }
0x7: {  	_ = 	snop  }
__scs_overlays_trampoline_lowered:
0x8: {  	[smem:$0x3F97] =	sst s0  }
0x9: {  	[smem:$0x3F98] =	sst s1  }
0xa: {  	[smem:$0x3F99] =	sst s2  }
0xb: {  	[smem:$0x3F9A] =	sst s3  }
0xc: {  	[smem:$0x3F9B] =	sst s4  }
0xd: {  	[smem:$0x3F9C] =	sst s5  }
0xe: {  	[smem:$0x3F9D] =	sst s6  }
0xf: {  	[smem:$0x3F9E] =	sst s7  }
0x10: {  	[smem:$0x3F9F] =	sst s8  }
0x11: {  	[smem:$0x3FA0] =	sst s9;
	s0 =	simm.s32 @!p0 $0x0  }
0x12: {  	s1 =	sld [smem:$0x3F86];
	s0 =	simm.s32 @p0 $0x1  }
0x13: {  	[smem:$0x3FA1] =	sst s0;
	s0 =	simm.s32 @!p1 $0x0  }
0x14: {  	s2 =	sld [smem:$0x3F85];
	s0 =	simm.s32 @p1 $0x1  }
0x15: {  	[smem:$0x3FA2] =	sst s0;
	s0 =	simm.s32 @!p2 $0x0  }
0x16: {  	s3 =	sld [smem:$0x3FDB];
	s0 =	simm.s32 @p2 $0x1  }
0x17: {  	s4 =	simm.s32 $0x1BF5;
	[smem:$0x3FA4] =	sst s0  }
0x18: {  	s0 =	sld [smem:$0x3F87];
	_ =	swait.ge [sflag:s4], $0x0  }
0x19: {  	s7 =	sld [smem:$0x3F88]  }
0x1a: {  	s8 =	sadd.s32 $0xFFFFE003, lr  }
0x1b: {  	s9 =	sadd.s32 $0xFFFFFEF7, lr;
	s5 =	simm.s32 $0xFFFFFFFF;
	p2 =	slt.u32 s8, $0xFFFFF086  }
0x1c: {  	p1 =	slt.u32 s9, $0xF7A;
	s5 =	simm.s32 @!p2 $0x0  }
0x1d: {  	s5 =	simm.s32 @p1 $0x1;
	p0 =	seq.s32 s7, s2  }
0x1e: {  	s7 =	smul.u32 @!p0 $0xF7A, s2;
	p2 =	seq.s32 @!p0 s5, $0x0  }
0x1f: {  	s9 =	smul.u32 $0xF7A, s1;
	s8 =	simm.s32 @!p0 $0x1BF5;
	p2 =	por !p2, p0  }
0x20: {  	[sflag:s8] =	ssyncset.s32 @!p0 $0xFFFFF086;
	s6 =	sadd.s32 @!p0 s3, s7;
	s7 =	simm.s32 @!p0 $0x108  }
0x21: {  	s3 =	sadd.s32 s3, s9;
	s6 =	sadd.s32 @!p0 $0x88, s6;
	s7 =	simm.s32 @p2 $0x1082  }
0x22: {  	[simem:s7], [sflag:s8] =	dma.local @!p0 [hbm:s6], $0xF7A  }
0x23: {  	s9 =	sor.u32 $0xD0000000, s2;
	s6 =	simm.s32 $0x108;
	_ =	swait.ge @!p0 [sflag:s8], $0x0  }
0x24: {  	s3 =	sadd.s32 $0x88, s3;
	s6 =	simm.s32 @!p1 $0x1082;
	[sflag:s4] =	ssyncset.s32 $0xFFFFF086  }
0x25: {  	[simem:s6], [sflag:s4] =	dma.local [hbm:s3], $0xF7A  }
0x26: {  	[smem:$0x3F88] =	sst s1;
	(tag) =	ssettag s2;
	_ =	strace s9  }
0x27: {  	s1 =	sld [smem:$0x3F98]  }
0x28: {  	s2 =	sld [smem:$0x3F99]  }
0x29: {  	s4 =	sld [smem:$0x3F9B]  }
0x2a: {  	p0 =	seq.s32 s5, $0x0;
	s5 =	sld [smem:$0x3F9C]  }
0x2b: {  	s6 =	sld [smem:$0x3F9D]  }
0x2c: {  	s7 =	sld [smem:$0x3F9E]  }
0x2d: {  	s3 =	simm.s32 $0x108;
	s8 =	sld [smem:$0x3F9F]  }
0x2e: {  	s3 =	simm.s32 @!p0 $0x1082;
	s9 =	sld [smem:$0x3FA0]  }
0x2f: {  	lr =	sadd.s32 s0, s3;
	s0 =	sld [smem:$0x3F97]  }
0x30: {  	s3 =	sld [smem:$0x3F9A]  }
0x31: {  	[smem:$0x3FA3] =	sst s10  }
0x32: {  	s10 =	sld [smem:$0x3FA1];
	_ =	sdelay $0x3  }
0x33: {  	p0 =	seq.s32 s10, $0x1;
	s10 =	sld [smem:$0x3FA3];
	_ =	sdelay $0x3  }
0x34: {  	[smem:$0x3FA3] =	sst s10  }
0x35: {  	s10 =	sld [smem:$0x3FA2];
	_ =	sdelay $0x3  }
0x36: {  	p1 =	seq.s32 s10, $0x1;
	s10 =	sld [smem:$0x3FA3];
	_ =	sdelay $0x3  }
0x37: {  	[smem:$0x3FA3] =	sst s10  }
0x38: {  	s10 =	sld [smem:$0x3FA4]  }
0x39: {  	_ = 	snop;
	(pc) =	sbr.ind lr, $3  }
0x3a: {  	_ = 	snop  }
0x3b: {  	_ = 	snop  }
0x3c: {  	p2 =	seq.s32 s10, $0x1;
	s10 =	sld [smem:$0x3FA3]  }
0x3d: {  	_ =	shalt  }
0x3e: {  	_ =	shalt  }
0x3f: {  	_ =	shalt  }
0x40: {  	_ =	shalt  }
0x41: {  	_ =	shalt  }
0x42: {  	_ =	shalt  }
0x43: {  	_ =	shalt  }
0x44: {  	_ =	shalt  }
0x45: {  	_ =	shalt  }
0x46: {  	_ =	shalt  }
0x47: {  	_ =	shalt  }
0x48: {  	_ =	shalt  }
0x49: {  	_ =	shalt  }
0x4a: {  	_ =	shalt  }
0x4b: {  	_ =	shalt  }
0x4c: {  	_ =	shalt  }
0x4d: {  	_ =	shalt  }
0x4e: {  	_ =	shalt  }
0x4f: {  	_ =	shalt  }
0x50: {  	_ =	shalt  }
0x51: {  	_ =	shalt  }
0x52: {  	_ =	shalt  }
0x53: {  	_ =	shalt  }
0x54: {  	_ =	shalt  }
0x55: {  	_ =	shalt  }
0x56: {  	_ =	shalt  }
0x57: {  	_ =	shalt  }
0x58: {  	_ =	shalt  }
0x59: {  	_ =	shalt  }
0x5a: {  	_ =	shalt  }
0x5b: {  	_ =	shalt  }
0x5c: {  	_ =	shalt  }
0x5d: {  	_ =	shalt  }
0x5e: {  	_ =	shalt  }
0x5f: {  	_ =	shalt  }
0x60: {  	_ =	shalt  }
0x61: {  	_ =	shalt  }
0x62: {  	_ =	shalt  }
0x63: {  	_ =	shalt  }
0x64: {  	_ =	shalt  }
0x65: {  	_ =	shalt  }
0x66: {  	_ =	shalt  }
0x67: {  	_ =	shalt  }
0x68: {  	_ =	shalt  }
0x69: {  	_ =	shalt  }
0x6a: {  	_ =	shalt  }
0x6b: {  	_ =	shalt  }
0x6c: {  	_ =	shalt  }
0x6d: {  	_ =	shalt  }
0x6e: {  	_ =	shalt  }
0x6f: {  	_ =	shalt  }
0x70: {  	_ =	shalt  }
0x71: {  	_ =	shalt  }
0x72: {  	_ =	shalt  }
0x73: {  	_ =	shalt  }
0x74: {  	_ =	shalt  }
0x75: {  	_ =	shalt  }
0x76: {  	_ =	shalt  }
0x77: {  	_ =	shalt  }
0x78: {  	_ =	shalt  }
0x79: {  	_ =	shalt  }
0x7a: {  	_ =	shalt  }
0x7b: {  	_ =	shalt  }
0x7c: {  	_ =	shalt  }
0x7d: {  	_ =	shalt  }
0x7e: {  	_ =	shalt  }
0x7f: {  	_ =	shalt  }
0x80: {  	_ =	shalt  }
0x81: {  	_ =	shalt  }
0x82: {  	_ =	shalt  }
0x83: {  	_ =	shalt  }
0x84: {  	_ =	shalt  }
0x85: {  	_ =	shalt  }
0x86: {  	_ =	shalt  }
0x87: {  	_ =	shalt  }
.Lfunc_end0:
.L_simem_size_0:
called_computation_lowered:
.L_overlay_start_0:
0x88: {  	s2 =	sld [smem:$0x3FD9]  }
0x89: {  	s3 =	sld [smem:$0x3FFE];
	_ =	sdelay $0x1  }
0x8a: {  	s1 =	srdreg.scid  }
0x8b: {  	s0 =	sand.u32 $0x1, s1  }
0x8c: {  	s17 =	sshll.u32 s0, $0xA;
	s2 =	sadd.s32 s3, s2  }
0x8d: {  	s2 =	sadd.s32 s2, s17  }
0x8e: {  	[smem:$0x3FAF] =	sst s2  }
0x8f: {  	_ = 	snop  }
0x90: {  	s2 =	sld [smem:$0x3FC9];
	(tm) =	ssettm $0x1  }
0x91: {  	s18 =	sld [smem:$0x3FFB];
	_ =	sdelay $0x3  }
0x92: {  	_ =	strace s18  }
0x93: {  	s3 =	sld [smem:$0x3FFC];
	_ =	sdelay $0x3  }
0x94: {  	_ =	strace s3  }
0x95: {  	s3 =	sld [smem:$0x3FFD];
	_ =	sdelay $0x3  }
0x96: {  	_ =	strace s3  }
0x97: {  	_ =	strace $0x8FFFFFFF  }
0x98: {  	s19 =	sld [smem:$0x3FDB];
	_ =	sdelay $0x1  }
0x99: {  	s4 =	simm.s32 $_scs_section_size  }
0x9a: {  	s5 =	simm.s32 $_size__tile_overlayer_lowered;
	s6 =	simm.s32 $_tile_overlayer_lowered  }
0x9b: {  	s22 =	simm.s32 $0x1BFF;
	s21 =	sshll.u32 s6, $0x1;
	s3 =	sadd.s32 s4, s19  }
0x9c: {  	s7 =	simm.s32 $0x0;
	s20 =	sshll.u32 s5, $0x1;
	s5 =	sadd.s32 s21, s3  }
0x9d: {  	[timem:s7], [sflag:s22] =	dma.local [hbm:s5], s20  }
0x9e: {  	_ =	swait.ge [sflag:s22], s20  }
0x9f: {  	s4 =	ssub.s32 $0x0, s20;
	[sflag:s22] =	ssyncset.done $0x0  }
0xa0: {  	[sflag:s22] =	ssyncadd.s32 s4;
	_ =	sdelay $0x1  }
0xa1: {  	s23 =	simm.s32 $0x1B8B  }
0xa2: {  	_ =	swait.ge [sflag:s23], $0x1  }
0xa3: {  	[sflag:s23] =	ssyncset.done $0x0  }
0xa4: {  	s25 =	simm.s32 $0x1B8E;
	s24 =	sld [smem:$0x3FFE];
	[sflag:s23] =	ssyncadd.s32 $0xFFFFFFFF  }
0xa5: {  	s26 =	simm.s32 $execute0_lowered;
	[smem:$0x3FD2] =	sst s25  }
0xa6: {  	s5 =	sshll.u32 s26, $0x1;
	_ =	strace $0x80000046;
	[dreg:$0x1] =	wrdreg $0xFFFFFFFF  }
0xa7: {  	s28 =	simm.s32 $_size_execute0_lowered;
	s3 =	sadd.s32 s3, s5;
	[dreg:$0x0] =	wrdreg $0x0  }
0xa8: {  	s5 =	sshll.u32 s28, $0x1;
	[dreg:$0x2] =	wrdreg s3  }
0xa9: {  	[dreg:$0x3] =	wrdreg s5  }
0xaa: {  	[dreg:$0x4] =	wrdreg $0xC0  }
0xab: {  	_ =	task [dreg:s7], $0x5FFFF  }
0xac: {  	[dreg:$0x1] =	wrdreg $0xFFFFFFFF  }
0xad: {  	[dreg:$0x0] =	wrdreg $0x60  }
0xae: {  	[dreg:$0x2] =	wrdreg s2  }
0xaf: {  	[dreg:$0x3] =	wrdreg s24  }
0xb0: {  	[dreg:$0x4] =	wrdreg $0x0  }
0xb1: {  	[dreg:$0x5] =	wrdreg $0x9  }
0xb2: {  	_ =	task.clear_ibuf [dreg:s7], $0x6FFFF;
	_ =	strace $0x90000046  }
0xb3: {  	s29 =	simm.s32 $0x9;
	_ =	strace $0x80000048  }
0xb4: {  	_ =	swait.ge [sflag:s29], $0x1  }
0xb5: {  	[sflag:s29] =	ssyncadd.s32 $0xFFFFFFFF  }
0xb6: {  	_ =	strace $0x90000048  }
0xb7: {  	_ =	sfence  }
0xb8: {  	s30 =	sld [smem:$0x0];
	_ =	sdelay $0x2  }
0xb9: {  	s31 =	sshll.u32 s1, $0xD;
	s1 =	sshrl.u32 s1, $0x2  }
0xba: {  	s3 =	sand.u32 $0x4000, s31;
	s1 =	sadd.s32 s1, s30  }
0xbb: {  	s0 =	sor.u32 s3, s0;
	s1 =	sshll.u32 s1, $0x11  }
0xbc: {  	s0 =	sor.u32 s1, s0  }
0xbd: {  	s0 =	sadd.s32 $0x8F2B, s0  }
0xbe: {  	[sflag:s0] =	ssyncadd.remote.s32 $0x1  }
0xbf: {  	_ =	sfence.sel $0xFFFF  }
0xc0: {  	[dreg:$0x0] =	wrdreg $0xFFFFFFFF;
	(pc) =	sbr.abs _section_cstart, $3  }
0xc1: {  	[dreg:$0x1] =	wrdreg $0xFFFFFFFF  }
0xc2: {  	_ =	task.clear_ibuf [dreg:s7], $0x2FFFF;
	_ =	strace $0x9FFFFFFF  }
0xc3: {  	(tm) =	ssettm $0x7FFFFFFF  }
tec
execute0_lowered:
.L_overlay_start_1:
0x0: {  	(tag) =	ssettag $0x1  }
0x1: {  	s1 =	rddreg [dreg:$0x0]  }
0x2: {  	s0 =	rddreg [dreg:$0x1]  }
0x3: {  	s3 =	rddreg [dreg:$0x2];
	s4 =	simm.s32 $0x0;
	s14 =	stileid.u32  }
0x4: {  	s7 =	srdreg.scid;
	s28 =	simm.s32 $0x13880;
	s29 =	simm.s32 $0x13A00  }
0x5: {  	s30 =	simm.s32 $0x13900;
	s31 =	simm.s32 $0x13A80;
	[smem:$0x7FF] =	sst s4  }
0x6: {  	s2 =	smul.u32 $0x2700, s14;
	s15 =	sadd.s32 $0xF800, s0;
	s6 =	sadd.s32 $0x5A00, s0  }
0x7: {  	s7 =	sand.u32 $0x1, s7;
	s10 =	sshll.u32 s14, $0x1;
	s11 =	smul.u32 $0x4E000, s14  }
0x8: {  	s12 =	sadd.s32 $0x40800, s0;
	s19 =	sshll.u32 s14, $0x6;
	s20 =	sadd.s32 $0x138000, s3  }
0x9: {  	s16 =	smul.u32 $0x4E20, s14;
	p0 =	sne.s32 s14, $0xF;
	s14 =	simm.s32 $0x18B80  }
0xa: {  	_ =	strace $0x80000047;
	s9 =	ssub.s32 $0x2, s7;
	s23 =	smul.u32 $0x27100, s7  }
0xb: {  	s10 =	sor.u32 s7, s10;
	s25 =	sor.u32 $0x1C0A, s19;
	s26 =	smul.u32 $0x138800, s7  }
0xc: {  	[dreg:$0x7] =	wrdreg s20;
	s7 =	smul.u32 $0x2710, s7;
	s8 =	sadd.s32 s2, s0  }
0xd: {  	s13 =	sshrl.u32 s9, $0x1;
	s10 =	smul.u32 $0x2710, s10;
	s11 =	sshrl.u32 s11, $0x2  }
0xe: {  	s0 =	sadd.s32 $0x40600, s0;
	[dreg:$0x6] =	wrdreg s25;
	s9 =	ssub.s32 s9, s13  }
0xf: {  	s11 =	sadd.s32 s11, s3;
	s8 =	sadd.s32 $0x19600, s8;
	[dreg:$0x8] =	wrdreg s0  }
0x10: {  	s0 =	sadd.s32 s2, s23;
	s18 =	sshrl.u32 s26, $0x3;
	s20 =	sadd.s32 s7, s16  }
0x11: {  	s13 =	simm.s32 $0x9;
	s16 =	simm.s32 $0x2;
	[dreg:$0x4] =	wrdreg s11  }
0x12: {  	[dreg:$0x5] =	wrdreg s8;
	s21 =	sshrl.u32 s10, $0x3;
	s0 =	sadd.s32 s12, s0  }
0x13: {  	s19 =	sadd.s32 s12, s18;
	s23 =	sadd.s32 $0x190, s20;
	s7 =	sadd.s32 $0x140, s20  }
0x14: {  	s26 =	sadd.s32 $0xF0, s20;
	s11 =	simm.s32 $0x8;
	s12 =	simm.s32 $0x16380  }
0x15: {  	s18 =	simm.s32 $0x4;
	s20 =	simm.s32 $0x6;
	[dreg:$0xf] =	wrdreg s0  }
0x16: {  	s22 =	sadd.s32 s15, s21;
	s10 =	sadd.s32 s6, s21;
	[dreg:$0x12] =	wrdreg s26  }
0x17: {  	s24 =	sadd.s32 $0xA, s21;
	s8 =	sadd.s32 $0x14, s21;
	[dreg:$0x9] =	wrdreg s22  }
0x18: {  	s0 =	sadd.s32 $0x27000, s19;
	s7 =	sshrl.u32 s7, $0x3;
	[dreg:$0xa] =	wrdreg s10  }
0x19: {  	s19 =	simm.s32 $0x5;
	s5 =	sadd.s32 s15, s24;
	[dreg:$0x10] =	wrdreg s0  }
0x1a: {  	s26 =	simm.s32 $0x0;
	s10 =	sadd.s32 s6, s24;
	[dreg:$0xb] =	wrdreg s5  }
0x1b: {  	s17 =	sadd.s32 s15, s8;
	s8 =	sadd.s32 s6, s8;
	[dreg:$0xc] =	wrdreg s10  }
0x1c: {  	s24 =	smax.u32 s9, $0x1;
	s0 =	sshrl.u32 s23, $0x3;
	[dreg:$0xd] =	wrdreg s17  }
.Ltmp0:
0x1d: {  	s23 =	sadd.s32 s7, s6;
	[dreg:$0xe] =	wrdreg s8;
	(pc) =	sbr.rel .LBB2_1-.Ltmp0, $4  }
0x1e: {  	s9 =	simm.s32 $0xA;
	[dreg:$0x11] =	wrdreg s24;
	s21 =	sadd.s32 s0, s6  }
0x1f: {  	s22 =	sadd.s32 s0, s15;
	s5 =	smov.u32 s6;
	s6 =	smov.u32 s15  }
0x20: {  	s24 =	sadd.s32 s7, s15;
	s7 =	simm.s32 $0x7;
	s8 =	simm.s32 $0x50  }
0x21: {  	s10 =	simm.s32 $0x13B80;
	s15 =	simm.s32 $0x1;
	s17 =	simm.s32 $0x3  }
.LBB2_4:
0x22: {  	_ =	swait.ge [sflag:s15], $0x2800  }
0x23: {  	[sflag:s15] =	ssyncset.done $0x0  }
0x24: {  	[sflag:s15] =	ssyncadd.s32 $0xFFFFD800  }
0x25: {  	[spmem:s3] =	stream.indirect.scatter.add.f32 [tilespmem:s10], [sflag:$0x4], $0x80, s29, s8, $0xb8;
	[tilespmem:$0x1B380] =	vst v63  }
0x26: {  	_ =	swait.ge [sflag:s18], $0x2800  }
0x27: {  	[sflag:s18] =	ssyncset.done $0x0  }
0x28: {  	[sflag:s18] =	ssyncadd.s32 $0xFFFFD800  }
0x29: {  	_ =	swait.ge [sflag:s16], $0x2800  }
0x2a: {  	[sflag:s16] =	ssyncset.done $0x0  }
0x2b: {  	[sflag:s16] =	ssyncadd.s32 $0xFFFFD800  }
0x2c: {  	[spmem:s3] =	stream.indirect.scatter.add.f32 [tilespmem:s12], [sflag:$0x5], $0x80, s31, s8, $0xb8;
	[tilespmem:$0x1B380] =	vst v63  }
0x2d: {  	_ =	swait.ge [sflag:s19], $0x2800  }
0x2e: {  	[sflag:s19] =	ssyncset.done $0x0  }
0x2f: {  	[sflag:s19] =	ssyncadd.s32 $0xFFFFD800  }
0x30: {  	[bflag:$0x0] =	sbarrier.arrive $0xFFFF  }
0x31: {  	s25 =	rddreg [dreg:$0x6]  }
0x32: {  	s0 =	rddreg [dreg:$0xf]  }
0x33: {  	s9 =	simm.s32 $0xA;
	s2 =	rddreg [dreg:$0x14]  }
0x34: {  	[hbm:s0], [sflag:s25] =	dma.local [spmem:s2], $0x2700  }
0x35: {  	_ =	swait.ge [sflag:s9], $0x2700  }
0x36: {  	[sflag:s9] =	ssyncset.done $0x0;
	s0 =	rddreg [dreg:$0x10]  }
0x37: {  	s2 =	rddreg [dreg:$0x15];
	[sflag:s9] =	ssyncadd.s32 $0xFFFFD900  }
0x38: {  	[hbm:s0], [sflag:s25] =	dma.local @!p0 [spmem:s2], $0x100  }
0x39: {  	s0 =	simm.s32 @!p0 $0xA  }
0x3a: {  	_ =	swait.ge @!p0 [sflag:s0], $0x100  }
0x3b: {  	s26 =	rddreg [dreg:$0x13]  }
0x3c: {  	s2 =	rddreg [dreg:$0x11];
	s26 =	sadd.s32 $0x1, s26  }
0x3d: {  	p1 =	sne.s32 s26, s2  }
.Ltmp1:
0x3e: {  	_ = 	snop;
	(pc) =	sbr.rel @!p1 .LBB2_5-.Ltmp1, $3  }
0x3f: {  	_ =	sdelay $0x1  }
0x40: {  	[sflag:s0] =	ssyncset.done @!p0 $0x0  }
0x41: {  	[sflag:s0] =	ssyncadd.s32 @!p0 $0xFFFFFF00  }
.LBB2_1:
0x42: {  	[dreg:$0x13] =	wrdreg s26  }
0x43: {  	s0 =	rddreg [dreg:$0x4]  }
0x44: {  	s26 =	rddreg [dreg:$0x5];
	s2 =	sshrl.u32 s0, $0x3  }
0x45: {  	[dreg:$0x14] =	wrdreg s2  }
0x46: {  	[spmem:s2], [sflag:s25] =	dma.local [hbm:s26], $0x2700  }
0x47: {  	_ =	swait.ge [sflag:s9], $0x2700  }
0x48: {  	s0 =	rddreg [dreg:$0x7]  }
0x49: {  	[sflag:s9] =	ssyncset.done $0x0;
	s2 =	sshrl.u32 @!p0 s0, $0x3;
	s0 =	rddreg [dreg:$0x8]  }
0x4a: {  	[sflag:s9] =	ssyncadd.s32 $0xFFFFD900;
	s9 =	simm.s32 @!p0 $0xA;
	[dreg:$0x15] =	wrdreg s2  }
0x4b: {  	[spmem:s2], [sflag:s25] =	dma.local @!p0 [hbm:s0], $0x100  }
0x4c: {  	_ =	swait.ge @!p0 [sflag:s9], $0x100  }
0x4d: {  	[sflag:s9] =	ssyncset.done @!p0 $0x0  }
0x4e: {  	[sflag:s9] =	ssyncadd.s32 @!p0 $0xFFFFFF00  }
0x4f: {  	[bflag:$0x0] =	sbarrier.arrive $0xFFFF  }
0x50: {  	s9 =	rddreg [dreg:$0x9]  }
0x51: {  	[tilespmem:s28], [sflag:$0x7] =	stream.linear.gather [hbm4b:s9+s4], $0x50, $0x38;
	[tilespmem:$0x1B380] =	vst v63  }
0x52: {  	s25 =	rddreg [dreg:$0xa]  }
0x53: {  	[tilespmem:s29], [sflag:$0x7] =	stream.linear.gather [hbm4b:s25+s4], $0x50, $0x38;
	[tilespmem:$0x1B380] =	vst v63  }
0x54: {  	s26 =	rddreg [dreg:$0xb]  }
0x55: {  	[tilespmem:s30], [sflag:$0x8] =	stream.linear.gather [hbm4b:s26+s4], $0x50, $0x38;
	[tilespmem:$0x1B380] =	vst v63  }
0x56: {  	s2 =	rddreg [dreg:$0xc]  }
0x57: {  	[tilespmem:s31], [sflag:$0x8] =	stream.linear.gather [hbm4b:s2+s4], $0x50, $0x38;
	[tilespmem:$0x1B380] =	vst v63  }
0x58: {  	s9 =	rddreg [dreg:$0xd];
	s2 =	simm.s32 $0x13980  }
0x59: {  	[tilespmem:s2], [sflag:$0x9] =	stream.linear.gather [hbm4b:s9+s4], $0x50, $0x38;
	[tilespmem:$0x1B380] =	vst v63  }
0x5a: {  	s25 =	rddreg [dreg:$0xe];
	s26 =	simm.s32 $0x13B00  }
0x5b: {  	[tilespmem:s26], [sflag:$0x9] =	stream.linear.gather [hbm4b:s25+s4], $0x50, $0x38;
	[tilespmem:$0x1B380] =	vst v63  }
0x5c: {  	_ =	swait.ge [sflag:s7], $0x50  }
0x5d: {  	[sflag:s7] =	ssyncset.done $0x0  }
0x5e: {  	[sflag:s7] =	ssyncadd.s32 $0xFFFFFFB0  }
0x5f: {  	_ =	swait.ge [sflag:s7], $0x50  }
0x60: {  	[sflag:s7] =	ssyncset.done $0x0  }
0x61: {  	[sflag:s7] =	ssyncadd.s32 $0xFFFFFFB0  }
0x62: {  	[tilespmem:s10], [sflag:$0x1] =	stream.indirect.gather [hbm4b:s1+s8], $0x80, s28, s8, $0xb8;
	[tilespmem:$0x1B380] =	vst v63  }
0x63: {  	_ =	swait.ge [sflag:s11], $0x50  }
0x64: {  	[sflag:s11] =	ssyncset.done $0x0  }
0x65: {  	[sflag:s11] =	ssyncadd.s32 $0xFFFFFFB0  }
0x66: {  	_ =	swait.ge [sflag:s11], $0x50  }
0x67: {  	[sflag:s11] =	ssyncset.done $0x0  }
0x68: {  	[sflag:s11] =	ssyncadd.s32 $0xFFFFFFB0  }
0x69: {  	[tilespmem:s12], [sflag:$0x2] =	stream.indirect.gather [hbm4b:s1+s8], $0x80, s30, s8, $0xb8;
	[tilespmem:$0x1B380] =	vst v63  }
0x6a: {  	_ =	swait.ge [sflag:s13], $0x50  }
0x6b: {  	[sflag:s13] =	ssyncset.done $0x0  }
0x6c: {  	[sflag:s13] =	ssyncadd.s32 $0xFFFFFFB0  }
0x6d: {  	_ =	swait.ge [sflag:s13], $0x50  }
0x6e: {  	[sflag:s13] =	ssyncset.done $0x0  }
0x6f: {  	s9 =	simm.s32 $0x0;
	s26 =	rddreg [dreg:$0x12];
	[sflag:s13] =	ssyncadd.s32 $0xFFFFFFB0  }
0x70: {  	[tilespmem:s14], [sflag:$0x3] =	stream.indirect.gather [hbm4b:s1+s8], $0x80, s2, s8, $0xb8;
	[tilespmem:$0x1B380] =	vst v63  }
.LBB2_2:
0x71: {  	_ =	swait.ge [sflag:s15], $0x2800  }
0x72: {  	[sflag:s15] =	ssyncset.done $0x0  }
0x73: {  	[sflag:s15] =	ssyncadd.s32 $0xFFFFD800  }
0x74: {  	[spmem:s3] =	stream.indirect.scatter.add.f32 [tilespmem:s10], [sflag:$0x4], $0x80, s29, s8, $0xb8;
	[tilespmem:$0x1B380] =	vst v63  }
0x75: {  	_ =	swait.ge [sflag:s16], $0x2800  }
0x76: {  	[sflag:s16] =	ssyncset.done $0x0  }
0x77: {  	[sflag:s16] =	ssyncadd.s32 $0xFFFFD800  }
0x78: {  	[spmem:s3] =	stream.indirect.scatter.add.f32 [tilespmem:s12], [sflag:$0x5], $0x80, s31, s8, $0xb8;
	[tilespmem:$0x1B380] =	vst v63  }
0x79: {  	_ =	swait.ge [sflag:s17], $0x2800  }
0x7a: {  	[sflag:s17] =	ssyncset.done $0x0  }
0x7b: {  	s0 =	simm.s32 $0x13B00;
	[sflag:s17] =	ssyncadd.s32 $0xFFFFD800  }
0x7c: {  	[spmem:s3] =	stream.indirect.scatter.add.f32 [tilespmem:s14], [sflag:$0x6], $0x80, s0, s8, $0xb8;
	[tilespmem:$0x1B380] =	vst v63  }
0x7d: {  	_ =	swait.ge [sflag:s18], $0x2800  }
0x7e: {  	s25 =	sshrl.u32 s26, $0x3;
	[sflag:s18] =	ssyncset.done $0x0  }
0x7f: {  	s2 =	sadd.s32 s6, s25;
	[sflag:s18] =	ssyncadd.s32 $0xFFFFD800  }
0x80: {  	[tilespmem:s28], [sflag:$0x7] =	stream.linear.gather [hbm4b:s2+s4], $0x50, $0x38;
	[tilespmem:$0x1B380] =	vst v63  }
0x81: {  	s25 =	sadd.s32 s5, s25  }
0x82: {  	[tilespmem:s29], [sflag:$0x7] =	stream.linear.gather [hbm4b:s25+s4], $0x50, $0x38;
	[tilespmem:$0x1B380] =	vst v63  }
0x83: {  	_ =	swait.ge [sflag:s19], $0x2800  }
0x84: {  	[sflag:s19] =	ssyncset.done $0x0  }
0x85: {  	s2 =	sadd.s32 s9, s24;
	[sflag:s19] =	ssyncadd.s32 $0xFFFFD800  }
0x86: {  	[tilespmem:s30], [sflag:$0x8] =	stream.linear.gather [hbm4b:s2+s4], $0x50, $0x38;
	[tilespmem:$0x1B380] =	vst v63  }
0x87: {  	s25 =	sadd.s32 s9, s23  }
0x88: {  	[tilespmem:s31], [sflag:$0x8] =	stream.linear.gather [hbm4b:s25+s4], $0x50, $0x38;
	[tilespmem:$0x1B380] =	vst v63  }
0x89: {  	p1 =	seq.s32 s9, $0x4B0;
	_ =	swait.ge [sflag:s20], $0x2800  }
0x8a: {  	s0 =	sadd.s32 @!p1 s9, s22;
	[sflag:s20] =	ssyncset.done $0x0  }
0x8b: {  	s2 =	simm.s32 @!p1 $0x13980;
	s25 =	simm.s32 @!p1 $0x0;
	[sflag:s20] =	ssyncadd.s32 $0xFFFFD800  }
0x8c: {  	[tilespmem:s2], [sflag:$0x9] =	stream.linear.gather @!p1 [hbm4b:s0+s25], $0x50, $0x38;
	[tilespmem:$0x1B380] =	vst v63  }
0x8d: {  	s0 =	sadd.s32 @!p1 s9, s21;
	s2 =	simm.s32 @!p1 $0x13B00  }
0x8e: {  	[tilespmem:s2], [sflag:$0x9] =	stream.linear.gather @!p1 [hbm4b:s0+s25], $0x50, $0x38;
	[tilespmem:$0x1B380] =	vst v63  }
0x8f: {  	_ =	swait.ge [sflag:s7], $0x50  }
0x90: {  	[sflag:s7] =	ssyncset.done $0x0  }
0x91: {  	[sflag:s7] =	ssyncadd.s32 $0xFFFFFFB0  }
0x92: {  	_ =	swait.ge [sflag:s7], $0x50  }
0x93: {  	[sflag:s7] =	ssyncset.done $0x0  }
0x94: {  	[sflag:s7] =	ssyncadd.s32 $0xFFFFFFB0  }
0x95: {  	[tilespmem:s10], [sflag:$0x1] =	stream.indirect.gather [hbm4b:s1+s8], $0x80, s28, s8, $0xb8;
	[tilespmem:$0x1B380] =	vst v63  }
0x96: {  	_ =	swait.ge [sflag:s11], $0x50  }
0x97: {  	[sflag:s11] =	ssyncset.done $0x0  }
.Ltmp2:
0x98: {  	[sflag:s11] =	ssyncadd.s32 $0xFFFFFFB0;
	(pc) =	sbr.rel @p1 .LBB2_4-.Ltmp2, $4  }
0x99: {  	_ =	swait.ge [sflag:s11], $0x50  }
0x9a: {  	[sflag:s11] =	ssyncset.done $0x0  }
0x9b: {  	[sflag:s11] =	ssyncadd.s32 $0xFFFFFFB0  }
0x9c: {  	[tilespmem:s12], [sflag:$0x2] =	stream.indirect.gather [hbm4b:s1+s8], $0x80, s30, s8, $0xb8;
	[tilespmem:$0x1B380] =	vst v63  }
0x9d: {  	_ =	swait.ge [sflag:s13], $0x50  }
0x9e: {  	[sflag:s13] =	ssyncset.done $0x0  }
.Ltmp3:
0x9f: {  	[sflag:s13] =	ssyncadd.s32 $0xFFFFFFB0;
	(pc) =	sbr.rel .LBB2_2-.Ltmp3, $4  }
0xa0: {  	_ =	swait.ge [sflag:s13], $0x50  }
0xa1: {  	s0 =	simm.s32 $0x13980;
	[sflag:s13] =	ssyncset.done $0x0  }
0xa2: {  	s9 =	sadd.s32 $0x1E, s9;
	s26 =	sadd.s32 $0xF0, s26;
	[sflag:s13] =	ssyncadd.s32 $0xFFFFFFB0  }
0xa3: {  	[tilespmem:s14], [sflag:$0x3] =	stream.indirect.gather [hbm4b:s1+s8], $0x80, s0, s8, $0xb8;
	[tilespmem:$0x1B380] =	vst v63  }
.LBB2_5:
0xa4: {  	_ =	sfence.sel $0x180000  }
0xa5: {  	[bflag:$0x0] =	sbarrier.arrive $0xFFFF  }
0xa6: {  	_ =	strace $0x90000047  }
0xa7: {  	s0 =	stileid.u32;
	[bflag:$0x2] =	sbarrier.arrive $0xFFFF  }
0xa8: {  	p0 =	sne.s32 s0, $0x0;
	s0 =	rddreg [dreg:$0x3]  }
0xa9: {  	s0 =	sadd.s32 @!p0 $0x100000, s0  }
0xaa: {  	[sflag:s0] =	ssyncadd.tile.s32 @!p0 $0x1;
	_ =	shalt  }
.Lfunc_end2:
_tile_overlayer_lowered:
.L_overlay_start_2:
0xab: {  	(tag) =	ssettag $0x2  }
0xac: {  	s0 =	rddreg [dreg:$0x0];
	s2 =	stileid.u32  }
0xad: {  	s1 =	rddreg [dreg:$0x1];
	p0 =	sne.s32 s2, $0x0  }
0xae: {  	s3 =	rddreg [dreg:$0x2];
	[bflag:$0x3] =	sbarrier.arrive $0xFFFF;
	s2 =	simm.s32 @!p0 $0x1C0A  }
0xaf: {  	[timem:s3], [sflag:s2] =	dma.local @!p0 [hbm:s0], s1  }
0xb0: {  	s0 =	simm.s32 @!p0 $0xA  }
0xb1: {  	_ =	swait.ge @!p0 [sflag:s0], s1  }
0xb2: {  	s1 =	ssub.s32 @!p0 $0x0, s1;
	[sflag:s0] =	ssyncset.done @!p0 $0x0  }
0xb3: {  	[sflag:s0] =	ssyncadd.s32 @!p0 s1  }
0xb4: {  	[bflag:$0x3] =	sbarrier.arrive $0xFFFF  }
0xb5: {  	_ =	shalt  }

// kernel: kernel.15.cloned.1.call-start
scs
__scs_entry_jumppad:
0x0: {  	(pc) =	sbr.rel $0x88, $3  }
0x1: {  	(tag) =	ssettag $0x0;
	lr =	simm.s32 $0x1  }
0x2: {  	[smem:$0x3F88] =	sst lr;
	_ =	strace $0xD0000000  }
0x3: {  	_ = 	snop  }
0x4: {  	_ = 	snop  }
0x5: {  	_ = 	snop  }
0x6: {  	_ = 	snop  }
0x7: {  	_ = 	snop  }
__scs_overlays_trampoline_lowered:
0x8: {  	[smem:$0x3F97] =	sst s0  }
0x9: {  	[smem:$0x3F98] =	sst s1  }
0xa: {  	[smem:$0x3F99] =	sst s2  }
0xb: {  	[smem:$0x3F9A] =	sst s3  }
0xc: {  	[smem:$0x3F9B] =	sst s4  }
0xd: {  	[smem:$0x3F9C] =	sst s5  }
0xe: {  	[smem:$0x3F9D] =	sst s6  }
0xf: {  	[smem:$0x3F9E] =	sst s7  }
0x10: {  	[smem:$0x3F9F] =	sst s8  }
0x11: {  	[smem:$0x3FA0] =	sst s9;
	s0 =	simm.s32 @!p0 $0x0  }
0x12: {  	s1 =	sld [smem:$0x3F86];
	s0 =	simm.s32 @p0 $0x1  }
0x13: {  	[smem:$0x3FA1] =	sst s0;
	s0 =	simm.s32 @!p1 $0x0  }
0x14: {  	s2 =	sld [smem:$0x3F85];
	s0 =	simm.s32 @p1 $0x1  }
0x15: {  	[smem:$0x3FA2] =	sst s0;
	s0 =	simm.s32 @!p2 $0x0  }
0x16: {  	s3 =	sld [smem:$0x3FDB];
	s0 =	simm.s32 @p2 $0x1  }
0x17: {  	s4 =	simm.s32 $0x1BF5;
	[smem:$0x3FA4] =	sst s0  }
0x18: {  	s0 =	sld [smem:$0x3F87];
	_ =	swait.ge [sflag:s4], $0x0  }
0x19: {  	s7 =	sld [smem:$0x3F88]  }
0x1a: {  	s8 =	sadd.s32 $0xFFFFE003, lr  }
0x1b: {  	s9 =	sadd.s32 $0xFFFFFEF7, lr;
	s5 =	simm.s32 $0xFFFFFFFF;
	p2 =	slt.u32 s8, $0xFFFFF086  }
0x1c: {  	p1 =	slt.u32 s9, $0xF7A;
	s5 =	simm.s32 @!p2 $0x0  }
0x1d: {  	s5 =	simm.s32 @p1 $0x1;
	p0 =	seq.s32 s7, s2  }
0x1e: {  	s7 =	smul.u32 @!p0 $0xF7A, s2;
	p2 =	seq.s32 @!p0 s5, $0x0  }
0x1f: {  	s9 =	smul.u32 $0xF7A, s1;
	s8 =	simm.s32 @!p0 $0x1BF5;
	p2 =	por !p2, p0  }
0x20: {  	[sflag:s8] =	ssyncset.s32 @!p0 $0xFFFFF086;
	s6 =	sadd.s32 @!p0 s3, s7;
	s7 =	simm.s32 @!p0 $0x108  }
0x21: {  	s3 =	sadd.s32 s3, s9;
	s6 =	sadd.s32 @!p0 $0x88, s6;
	s7 =	simm.s32 @p2 $0x1082  }
0x22: {  	[simem:s7], [sflag:s8] =	dma.local @!p0 [hbm:s6], $0xF7A  }
0x23: {  	s9 =	sor.u32 $0xD0000000, s2;
	s6 =	simm.s32 $0x108;
	_ =	swait.ge @!p0 [sflag:s8], $0x0  }
0x24: {  	s3 =	sadd.s32 $0x88, s3;
	s6 =	simm.s32 @!p1 $0x1082;
	[sflag:s4] =	ssyncset.s32 $0xFFFFF086  }
0x25: {  	[simem:s6], [sflag:s4] =	dma.local [hbm:s3], $0xF7A  }
0x26: {  	[smem:$0x3F88] =	sst s1;
	(tag) =	ssettag s2;
	_ =	strace s9  }
0x27: {  	s1 =	sld [smem:$0x3F98]  }
0x28: {  	s2 =	sld [smem:$0x3F99]  }
0x29: {  	s4 =	sld [smem:$0x3F9B]  }
0x2a: {  	p0 =	seq.s32 s5, $0x0;
	s5 =	sld [smem:$0x3F9C]  }
0x2b: {  	s6 =	sld [smem:$0x3F9D]  }
0x2c: {  	s7 =	sld [smem:$0x3F9E]  }
0x2d: {  	s3 =	simm.s32 $0x108;
	s8 =	sld [smem:$0x3F9F]  }
0x2e: {  	s3 =	simm.s32 @!p0 $0x1082;
	s9 =	sld [smem:$0x3FA0]  }
0x2f: {  	lr =	sadd.s32 s0, s3;
	s0 =	sld [smem:$0x3F97]  }
0x30: {  	s3 =	sld [smem:$0x3F9A]  }
0x31: {  	[smem:$0x3FA3] =	sst s10  }
0x32: {  	s10 =	sld [smem:$0x3FA1];
	_ =	sdelay $0x3  }
0x33: {  	p0 =	seq.s32 s10, $0x1;
	s10 =	sld [smem:$0x3FA3];
	_ =	sdelay $0x3  }
0x34: {  	[smem:$0x3FA3] =	sst s10  }
0x35: {  	s10 =	sld [smem:$0x3FA2];
	_ =	sdelay $0x3  }
0x36: {  	p1 =	seq.s32 s10, $0x1;
	s10 =	sld [smem:$0x3FA3];
	_ =	sdelay $0x3  }
0x37: {  	[smem:$0x3FA3] =	sst s10  }
0x38: {  	s10 =	sld [smem:$0x3FA4]  }
0x39: {  	_ = 	snop;
	(pc) =	sbr.ind lr, $3  }
0x3a: {  	_ = 	snop  }
0x3b: {  	_ = 	snop  }
0x3c: {  	p2 =	seq.s32 s10, $0x1;
	s10 =	sld [smem:$0x3FA3]  }
0x3d: {  	_ =	shalt  }
0x3e: {  	_ =	shalt  }
0x3f: {  	_ =	shalt  }
0x40: {  	_ =	shalt  }
0x41: {  	_ =	shalt  }
0x42: {  	_ =	shalt  }
0x43: {  	_ =	shalt  }
0x44: {  	_ =	shalt  }
0x45: {  	_ =	shalt  }
0x46: {  	_ =	shalt  }
0x47: {  	_ =	shalt  }
0x48: {  	_ =	shalt  }
0x49: {  	_ =	shalt  }
0x4a: {  	_ =	shalt  }
0x4b: {  	_ =	shalt  }
0x4c: {  	_ =	shalt  }
0x4d: {  	_ =	shalt  }
0x4e: {  	_ =	shalt  }
0x4f: {  	_ =	shalt  }
0x50: {  	_ =	shalt  }
0x51: {  	_ =	shalt  }
0x52: {  	_ =	shalt  }
0x53: {  	_ =	shalt  }
0x54: {  	_ =	shalt  }
0x55: {  	_ =	shalt  }
0x56: {  	_ =	shalt  }
0x57: {  	_ =	shalt  }
0x58: {  	_ =	shalt  }
0x59: {  	_ =	shalt  }
0x5a: {  	_ =	shalt  }
0x5b: {  	_ =	shalt  }
0x5c: {  	_ =	shalt  }
0x5d: {  	_ =	shalt  }
0x5e: {  	_ =	shalt  }
0x5f: {  	_ =	shalt  }
0x60: {  	_ =	shalt  }
0x61: {  	_ =	shalt  }
0x62: {  	_ =	shalt  }
0x63: {  	_ =	shalt  }
0x64: {  	_ =	shalt  }
0x65: {  	_ =	shalt  }
0x66: {  	_ =	shalt  }
0x67: {  	_ =	shalt  }
0x68: {  	_ =	shalt  }
0x69: {  	_ =	shalt  }
0x6a: {  	_ =	shalt  }
0x6b: {  	_ =	shalt  }
0x6c: {  	_ =	shalt  }
0x6d: {  	_ =	shalt  }
0x6e: {  	_ =	shalt  }
0x6f: {  	_ =	shalt  }
0x70: {  	_ =	shalt  }
0x71: {  	_ =	shalt  }
0x72: {  	_ =	shalt  }
0x73: {  	_ =	shalt  }
0x74: {  	_ =	shalt  }
0x75: {  	_ =	shalt  }
0x76: {  	_ =	shalt  }
0x77: {  	_ =	shalt  }
0x78: {  	_ =	shalt  }
0x79: {  	_ =	shalt  }
0x7a: {  	_ =	shalt  }
0x7b: {  	_ =	shalt  }
0x7c: {  	_ =	shalt  }
0x7d: {  	_ =	shalt  }
0x7e: {  	_ =	shalt  }
0x7f: {  	_ =	shalt  }
0x80: {  	_ =	shalt  }
0x81: {  	_ =	shalt  }
0x82: {  	_ =	shalt  }
0x83: {  	_ =	shalt  }
0x84: {  	_ =	shalt  }
0x85: {  	_ =	shalt  }
0x86: {  	_ =	shalt  }
0x87: {  	_ =	shalt  }
.Lfunc_end0:
.L_simem_size_0:
called_computation.1_lowered:
.L_overlay_start_0:
0x88: {  	s2 =	sld [smem:$0x3FD9]  }
0x89: {  	s3 =	sld [smem:$0x3FFE];
	_ =	sdelay $0x1  }
0x8a: {  	s1 =	srdreg.scid  }
0x8b: {  	s0 =	sand.u32 $0x1, s1  }
0x8c: {  	s16 =	sshll.u32 s0, $0xA;
	s2 =	sadd.s32 s3, s2  }
0x8d: {  	s2 =	sadd.s32 s2, s16  }
0x8e: {  	[smem:$0x3FAF] =	sst s2  }
0x8f: {  	_ = 	snop  }
0x90: {  	(tm) =	ssettm $0x1  }
0x91: {  	s17 =	sld [smem:$0x3FFB];
	_ =	sdelay $0x3  }
0x92: {  	_ =	strace s17  }
0x93: {  	s2 =	sld [smem:$0x3FFC];
	_ =	sdelay $0x3  }
0x94: {  	_ =	strace s2  }
0x95: {  	s2 =	sld [smem:$0x3FFD];
	_ =	sdelay $0x3  }
0x96: {  	_ =	strace s2  }
0x97: {  	_ =	strace $0x8FFFFFFF  }
0x98: {  	s18 =	sld [smem:$0x3FDB];
	_ =	sdelay $0x1  }
0x99: {  	s19 =	simm.s32 $_scs_section_size  }
0x9a: {  	s4 =	simm.s32 $_size__tile_overlayer_lowered;
	s5 =	simm.s32 $_tile_overlayer_lowered  }
0x9b: {  	s22 =	simm.s32 $0x1BFF;
	s21 =	sshll.u32 s5, $0x1;
	s2 =	sadd.s32 s19, s18  }
0x9c: {  	s6 =	simm.s32 $0x0;
	s20 =	sshll.u32 s4, $0x1;
	s4 =	sadd.s32 s21, s2  }
0x9d: {  	[timem:s6], [sflag:s22] =	dma.local [hbm:s4], s20  }
0x9e: {  	_ =	swait.ge [sflag:s22], s20  }
0x9f: {  	s3 =	ssub.s32 $0x0, s20;
	[sflag:s22] =	ssyncset.done $0x0  }
0xa0: {  	[sflag:s22] =	ssyncadd.s32 s3;
	_ =	sdelay $0x1  }
0xa1: {  	s23 =	simm.s32 $0x1B8B  }
0xa2: {  	_ =	swait.ge [sflag:s23], $0x1  }
0xa3: {  	[sflag:s23] =	ssyncset.done $0x0  }
0xa4: {  	s25 =	simm.s32 $0x1B8E;
	s24 =	sld [smem:$0x3FFE];
	[sflag:s23] =	ssyncadd.s32 $0xFFFFFFFF  }
0xa5: {  	s26 =	simm.s32 $execute0_lowered;
	[smem:$0x3FD2] =	sst s25  }
0xa6: {  	s4 =	sshll.u32 s26, $0x1;
	_ =	strace $0x80000049;
	[dreg:$0x1] =	wrdreg $0xFFFFFFFF  }
0xa7: {  	s28 =	simm.s32 $_size_execute0_lowered;
	s2 =	sadd.s32 s2, s4;
	[dreg:$0x0] =	wrdreg $0x0  }
0xa8: {  	s4 =	sshll.u32 s28, $0x1;
	[dreg:$0x2] =	wrdreg s2  }
0xa9: {  	[dreg:$0x3] =	wrdreg s4  }
0xaa: {  	[dreg:$0x4] =	wrdreg $0xC0  }
0xab: {  	_ =	task [dreg:s6], $0x5FFFF  }
0xac: {  	[dreg:$0x1] =	wrdreg $0xFFFFFFFF  }
0xad: {  	[dreg:$0x0] =	wrdreg $0x60  }
0xae: {  	[dreg:$0x2] =	wrdreg s24  }
0xaf: {  	[dreg:$0x3] =	wrdreg $0x0  }
0xb0: {  	[dreg:$0x4] =	wrdreg $0x9  }
0xb1: {  	_ =	task.clear_ibuf [dreg:s6], $0x5FFFF;
	_ =	strace $0x90000049  }
0xb2: {  	s29 =	simm.s32 $0x9;
	_ =	strace $0x8000004B  }
0xb3: {  	_ =	swait.ge [sflag:s29], $0x1  }
0xb4: {  	[sflag:s29] =	ssyncadd.s32 $0xFFFFFFFF  }
0xb5: {  	_ =	strace $0x9000004B  }
0xb6: {  	_ =	sfence  }
0xb7: {  	s30 =	sld [smem:$0x0];
	_ =	sdelay $0x2  }
0xb8: {  	s31 =	sshll.u32 s1, $0xD;
	s1 =	sshrl.u32 s1, $0x2  }
0xb9: {  	s3 =	sand.u32 $0x4000, s31;
	s1 =	sadd.s32 s1, s30  }
0xba: {  	s0 =	sor.u32 s3, s0;
	s1 =	sshll.u32 s1, $0x11  }
0xbb: {  	s0 =	sor.u32 s1, s0  }
0xbc: {  	s0 =	sadd.s32 $0x8F2B, s0  }
0xbd: {  	[sflag:s0] =	ssyncadd.remote.s32 $0x1  }
0xbe: {  	_ =	sfence.sel $0xFFFF  }
0xbf: {  	[dreg:$0x0] =	wrdreg $0xFFFFFFFF;
	(pc) =	sbr.abs _section_cstart, $3  }
0xc0: {  	[dreg:$0x1] =	wrdreg $0xFFFFFFFF  }
0xc1: {  	_ =	task.clear_ibuf [dreg:s6], $0x2FFFF;
	_ =	strace $0x9FFFFFFF  }
0xc2: {  	(tm) =	ssettm $0x7FFFFFFF  }
0xc3: {  	_ =	shalt  }
tec
execute0_lowered:
.L_overlay_start_1:
0x0: {  	(tag) =	ssettag $0x1  }
0x1: {  	s0 =	rddreg [dreg:$0x0]  }
0x2: {  	s2 =	rddreg [dreg:$0x1]  }
0x3: {  	s3 =	simm.s32 $0x0;
	s14 =	stileid.u32;
	s7 =	srdreg.scid  }
0x4: {  	s28 =	simm.s32 $0x13880;
	s29 =	simm.s32 $0x13A00;
	s30 =	simm.s32 $0x13900  }
0x5: {  	s31 =	simm.s32 $0x13A80;
	[smem:$0x7FF] =	sst s3;
	s1 =	smul.u32 $0x2700, s14  }
0x6: {  	s4 =	sadd.s32 $0x40800, s0;
	s15 =	sadd.s32 $0xF800, s0;
	s6 =	sadd.s32 $0x5A00, s0  }
0x7: {  	s7 =	sand.u32 $0x1, s7;
	s10 =	sshll.u32 s14, $0x1;
	s11 =	smul.u32 $0x4E000, s14  }
0x8: {  	s12 =	sadd.s32 $0x67A00, s0;
	s19 =	sshll.u32 s14, $0x6;
	s20 =	sadd.s32 $0x138000, s2  }
0x9: {  	s16 =	smul.u32 $0x4E20, s14;
	p0 =	sne.s32 s14, $0xF;
	s14 =	simm.s32 $0x18B80  }
0xa: {  	_ =	strace $0x8000004A;
	s9 =	ssub.s32 $0x2, s7;
	s23 =	smul.u32 $0x27100, s7  }
0xb: {  	s10 =	sor.u32 s7, s10;
	s25 =	sor.u32 $0x1C0A, s19;
	s26 =	smul.u32 $0x138800, s7  }
0xc: {  	[dreg:$0x6] =	wrdreg s20;
	s7 =	smul.u32 $0x2710, s7;
	s8 =	sadd.s32 s1, s0  }
0xd: {  	s13 =	sshrl.u32 s9, $0x1;
	s10 =	smul.u32 $0x2710, s10;
	s11 =	sshrl.u32 s11, $0x2  }
0xe: {  	s0 =	sadd.s32 $0x40600, s0;
	[dreg:$0x5] =	wrdreg s25;
	s9 =	ssub.s32 s9, s13  }
0xf: {  	s11 =	sadd.s32 s11, s2;
	s8 =	sadd.s32 $0x19600, s8;
	[dreg:$0x7] =	wrdreg s0  }
0x10: {  	s0 =	sadd.s32 s1, s23;
	s18 =	sshrl.u32 s26, $0x3;
	s20 =	sadd.s32 s7, s16  }
0x11: {  	s13 =	simm.s32 $0x9;
	s16 =	simm.s32 $0x2;
	[dreg:$0x3] =	wrdreg s11  }
0x12: {  	[dreg:$0x4] =	wrdreg s8;
	s21 =	sshrl.u32 s10, $0x3;
	s0 =	sadd.s32 s12, s0  }
0x13: {  	s19 =	sadd.s32 s12, s18;
	s23 =	sadd.s32 $0x190, s20;
	s7 =	sadd.s32 $0x140, s20  }
0x14: {  	s26 =	sadd.s32 $0xF0, s20;
	s11 =	simm.s32 $0x8;
	s12 =	simm.s32 $0x16380  }
0x15: {  	s18 =	simm.s32 $0x4;
	s20 =	simm.s32 $0x6;
	[dreg:$0xe] =	wrdreg s0  }
0x16: {  	s22 =	sadd.s32 s15, s21;
	s10 =	sadd.s32 s6, s21;
	[dreg:$0x11] =	wrdreg s26  }
0x17: {  	s24 =	sadd.s32 $0xA, s21;
	s8 =	sadd.s32 $0x14, s21;
	[dreg:$0x8] =	wrdreg s22  }
0x18: {  	s0 =	sadd.s32 $0x27000, s19;
	s7 =	sshrl.u32 s7, $0x3;
	[dreg:$0x9] =	wrdreg s10  }
0x19: {  	s19 =	simm.s32 $0x5;
	s5 =	sadd.s32 s15, s24;
	[dreg:$0xf] =	wrdreg s0  }
0x1a: {  	s26 =	simm.s32 $0x0;
	s10 =	sadd.s32 s6, s24;
	[dreg:$0xa] =	wrdreg s5  }
0x1b: {  	s17 =	sadd.s32 s15, s8;
	s8 =	sadd.s32 s6, s8;
	[dreg:$0xb] =	wrdreg s10  }
0x1c: {  	s24 =	smax.u32 s9, $0x1;
	s0 =	sshrl.u32 s23, $0x3;
	[dreg:$0xc] =	wrdreg s17  }
.Ltmp0:
0x1d: {  	s23 =	sadd.s32 s7, s6;
	[dreg:$0xd] =	wrdreg s8;
	(pc) =	sbr.rel .LBB2_1-.Ltmp0, $4  }
0x1e: {  	s9 =	simm.s32 $0xA;
	[dreg:$0x10] =	wrdreg s24;
	s21 =	sadd.s32 s0, s6  }
0x1f: {  	s22 =	sadd.s32 s0, s15;
	s5 =	smov.u32 s6;
	s6 =	smov.u32 s15  }
0x20: {  	s24 =	sadd.s32 s7, s15;
	s7 =	simm.s32 $0x7;
	s8 =	simm.s32 $0x50  }
0x21: {  	s10 =	simm.s32 $0x13B80;
	s15 =	simm.s32 $0x1;
	s17 =	simm.s32 $0x3  }
.LBB2_4:
0x22: {  	_ =	swait.ge [sflag:s15], $0x2800  }
0x23: {  	[sflag:s15] =	ssyncset.done $0x0  }
0x24: {  	[sflag:s15] =	ssyncadd.s32 $0xFFFFD800  }
0x25: {  	[spmem:s2] =	stream.indirect.scatter.add.f32 [tilespmem:s10], [sflag:$0x4], $0x80, s29, s8, $0xb8;
	[tilespmem:$0x1B380] =	vst v63  }
0x26: {  	_ =	swait.ge [sflag:s18], $0x2800  }
0x27: {  	[sflag:s18] =	ssyncset.done $0x0  }
0x28: {  	[sflag:s18] =	ssyncadd.s32 $0xFFFFD800  }
0x29: {  	_ =	swait.ge [sflag:s16], $0x2800  }
0x2a: {  	[sflag:s16] =	ssyncset.done $0x0  }
0x2b: {  	[sflag:s16] =	ssyncadd.s32 $0xFFFFD800  }
0x2c: {  	[spmem:s2] =	stream.indirect.scatter.add.f32 [tilespmem:s12], [sflag:$0x5], $0x80, s31, s8, $0xb8;
	[tilespmem:$0x1B380] =	vst v63  }
0x2d: {  	_ =	swait.ge [sflag:s19], $0x2800  }
0x2e: {  	[sflag:s19] =	ssyncset.done $0x0  }
0x2f: {  	[sflag:s19] =	ssyncadd.s32 $0xFFFFD800  }
0x30: {  	[bflag:$0x0] =	sbarrier.arrive $0xFFFF  }
0x31: {  	s25 =	rddreg [dreg:$0x5]  }
0x32: {  	s0 =	rddreg [dreg:$0xe]  }
0x33: {  	s9 =	simm.s32 $0xA;
	s1 =	rddreg [dreg:$0x13]  }
0x34: {  	[hbm:s0], [sflag:s25] =	dma.local [spmem:s1], $0x2700  }
0x35: {  	_ =	swait.ge [sflag:s9], $0x2700  }
0x36: {  	[sflag:s9] =	ssyncset.done $0x0;
	s0 =	rddreg [dreg:$0xf]  }
0x37: {  	s1 =	rddreg [dreg:$0x14];
	[sflag:s9] =	ssyncadd.s32 $0xFFFFD900  }
0x38: {  	[hbm:s0], [sflag:s25] =	dma.local @!p0 [spmem:s1], $0x100  }
0x39: {  	s0 =	simm.s32 @!p0 $0xA  }
0x3a: {  	_ =	swait.ge @!p0 [sflag:s0], $0x100  }
0x3b: {  	s26 =	rddreg [dreg:$0x12]  }
0x3c: {  	s1 =	rddreg [dreg:$0x10];
	s26 =	sadd.s32 $0x1, s26  }
0x3d: {  	p1 =	sne.s32 s26, s1  }
.Ltmp1:
0x3e: {  	_ = 	snop;
	(pc) =	sbr.rel @!p1 .LBB2_5-.Ltmp1, $3  }
0x3f: {  	_ =	sdelay $0x1  }
0x40: {  	[sflag:s0] =	ssyncset.done @!p0 $0x0  }
0x41: {  	[sflag:s0] =	ssyncadd.s32 @!p0 $0xFFFFFF00  }
.LBB2_1:
0x42: {  	[dreg:$0x12] =	wrdreg s26  }
0x43: {  	s0 =	rddreg [dreg:$0x3]  }
0x44: {  	s26 =	rddreg [dreg:$0x4];
	s1 =	sshrl.u32 s0, $0x3  }
0x45: {  	[dreg:$0x13] =	wrdreg s1  }
0x46: {  	[spmem:s1], [sflag:s25] =	dma.local [hbm:s26], $0x2700  }
0x47: {  	_ =	swait.ge [sflag:s9], $0x2700  }
0x48: {  	s0 =	rddreg [dreg:$0x6]  }
0x49: {  	[sflag:s9] =	ssyncset.done $0x0;
	s1 =	sshrl.u32 @!p0 s0, $0x3;
	s0 =	rddreg [dreg:$0x7]  }
0x4a: {  	[sflag:s9] =	ssyncadd.s32 $0xFFFFD900;
	s9 =	simm.s32 @!p0 $0xA;
	[dreg:$0x14] =	wrdreg s1  }
0x4b: {  	[spmem:s1], [sflag:s25] =	dma.local @!p0 [hbm:s0], $0x100  }
0x4c: {  	_ =	swait.ge @!p0 [sflag:s9], $0x100  }
0x4d: {  	[sflag:s9] =	ssyncset.done @!p0 $0x0  }
0x4e: {  	[sflag:s9] =	ssyncadd.s32 @!p0 $0xFFFFFF00  }
0x4f: {  	[bflag:$0x0] =	sbarrier.arrive $0xFFFF  }
0x50: {  	s9 =	rddreg [dreg:$0x8]  }
0x51: {  	[tilespmem:s28], [sflag:$0x7] =	stream.linear.gather [hbm4b:s9+s3], $0x50, $0x38;
	[tilespmem:$0x1B380] =	vst v63  }
0x52: {  	s25 =	rddreg [dreg:$0x9]  }
0x53: {  	[tilespmem:s29], [sflag:$0x7] =	stream.linear.gather [hbm4b:s25+s3], $0x50, $0x38;
	[tilespmem:$0x1B380] =	vst v63  }
0x54: {  	s26 =	rddreg [dreg:$0xa]  }
0x55: {  	[tilespmem:s30], [sflag:$0x8] =	stream.linear.gather [hbm4b:s26+s3], $0x50, $0x38;
	[tilespmem:$0x1B380] =	vst v63  }
0x56: {  	s1 =	rddreg [dreg:$0xb]  }
0x57: {  	[tilespmem:s31], [sflag:$0x8] =	stream.linear.gather [hbm4b:s1+s3], $0x50, $0x38;
	[tilespmem:$0x1B380] =	vst v63  }
0x58: {  	s9 =	rddreg [dreg:$0xc];
	s1 =	simm.s32 $0x13980  }
0x59: {  	[tilespmem:s1], [sflag:$0x9] =	stream.linear.gather [hbm4b:s9+s3], $0x50, $0x38;
	[tilespmem:$0x1B380] =	vst v63  }
0x5a: {  	s25 =	rddreg [dreg:$0xd];
	s26 =	simm.s32 $0x13B00  }
0x5b: {  	[tilespmem:s26], [sflag:$0x9] =	stream.linear.gather [hbm4b:s25+s3], $0x50, $0x38;
	[tilespmem:$0x1B380] =	vst v63  }
0x5c: {  	_ =	swait.ge [sflag:s7], $0x50  }
0x5d: {  	[sflag:s7] =	ssyncset.done $0x0  }
0x5e: {  	[sflag:s7] =	ssyncadd.s32 $0xFFFFFFB0  }
0x5f: {  	_ =	swait.ge [sflag:s7], $0x50  }
0x60: {  	[sflag:s7] =	ssyncset.done $0x0  }
0x61: {  	[sflag:s7] =	ssyncadd.s32 $0xFFFFFFB0  }
0x62: {  	[tilespmem:s10], [sflag:$0x1] =	stream.indirect.gather [hbm4b:s4+s8], $0x80, s28, s8, $0xb8;
	[tilespmem:$0x1B380] =	vst v63  }
0x63: {  	_ =	swait.ge [sflag:s11], $0x50  }
0x64: {  	[sflag:s11] =	ssyncset.done $0x0  }
0x65: {  	[sflag:s11] =	ssyncadd.s32 $0xFFFFFFB0  }
0x66: {  	_ =	swait.ge [sflag:s11], $0x50  }
0x67: {  	[sflag:s11] =	ssyncset.done $0x0  }
0x68: {  	[sflag:s11] =	ssyncadd.s32 $0xFFFFFFB0  }
0x69: {  	[tilespmem:s12], [sflag:$0x2] =	stream.indirect.gather [hbm4b:s4+s8], $0x80, s30, s8, $0xb8;
	[tilespmem:$0x1B380] =	vst v63  }
0x6a: {  	_ =	swait.ge [sflag:s13], $0x50  }
0x6b: {  	[sflag:s13] =	ssyncset.done $0x0  }
0x6c: {  	[sflag:s13] =	ssyncadd.s32 $0xFFFFFFB0  }
0x6d: {  	_ =	swait.ge [sflag:s13], $0x50  }
0x6e: {  	[sflag:s13] =	ssyncset.done $0x0  }
0x6f: {  	s9 =	simm.s32 $0x0;
	s26 =	rddreg [dreg:$0x11];
	[sflag:s13] =	ssyncadd.s32 $0xFFFFFFB0  }
0x70: {  	[tilespmem:s14], [sflag:$0x3] =	stream.indirect.gather [hbm4b:s4+s8], $0x80, s1, s8, $0xb8;
	[tilespmem:$0x1B380] =	vst v63  }
.LBB2_2:
0x71: {  	_ =	swait.ge [sflag:s15], $0x2800  }
0x72: {  	[sflag:s15] =	ssyncset.done $0x0  }
0x73: {  	[sflag:s15] =	ssyncadd.s32 $0xFFFFD800  }
0x74: {  	[spmem:s2] =	stream.indirect.scatter.add.f32 [tilespmem:s10], [sflag:$0x4], $0x80, s29, s8, $0xb8;
	[tilespmem:$0x1B380] =	vst v63  }
0x75: {  	_ =	swait.ge [sflag:s16], $0x2800  }
0x76: {  	[sflag:s16] =	ssyncset.done $0x0  }
0x77: {  	[sflag:s16] =	ssyncadd.s32 $0xFFFFD800  }
0x78: {  	[spmem:s2] =	stream.indirect.scatter.add.f32 [tilespmem:s12], [sflag:$0x5], $0x80, s31, s8, $0xb8;
	[tilespmem:$0x1B380] =	vst v63  }
0x79: {  	_ =	swait.ge [sflag:s17], $0x2800  }
0x7a: {  	[sflag:s17] =	ssyncset.done $0x0  }
0x7b: {  	s0 =	simm.s32 $0x13B00;
	[sflag:s17] =	ssyncadd.s32 $0xFFFFD800  }
0x7c: {  	[spmem:s2] =	stream.indirect.scatter.add.f32 [tilespmem:s14], [sflag:$0x6], $0x80, s0, s8, $0xb8;
	[tilespmem:$0x1B380] =	vst v63  }
0x7d: {  	_ =	swait.ge [sflag:s18], $0x2800  }
0x7e: {  	s25 =	sshrl.u32 s26, $0x3;
	[sflag:s18] =	ssyncset.done $0x0  }
0x7f: {  	s1 =	sadd.s32 s6, s25;
	[sflag:s18] =	ssyncadd.s32 $0xFFFFD800  }
0x80: {  	[tilespmem:s28], [sflag:$0x7] =	stream.linear.gather [hbm4b:s1+s3], $0x50, $0x38;
	[tilespmem:$0x1B380] =	vst v63  }
0x81: {  	s25 =	sadd.s32 s5, s25  }
0x82: {  	[tilespmem:s29], [sflag:$0x7] =	stream.linear.gather [hbm4b:s25+s3], $0x50, $0x38;
	[tilespmem:$0x1B380] =	vst v63  }
0x83: {  	_ =	swait.ge [sflag:s19], $0x2800  }
0x84: {  	[sflag:s19] =	ssyncset.done $0x0  }
0x85: {  	s1 =	sadd.s32 s9, s24;
	[sflag:s19] =	ssyncadd.s32 $0xFFFFD800  }
0x86: {  	[tilespmem:s30], [sflag:$0x8] =	stream.linear.gather [hbm4b:s1+s3], $0x50, $0x38;
	[tilespmem:$0x1B380] =	vst v63  }
0x87: {  	s25 =	sadd.s32 s9, s23  }
0x88: {  	[tilespmem:s31], [sflag:$0x8] =	stream.linear.gather [hbm4b:s25+s3], $0x50, $0x38;
	[tilespmem:$0x1B380] =	vst v63  }
0x89: {  	p1 =	seq.s32 s9, $0x4B0;
	_ =	swait.ge [sflag:s20], $0x2800  }
0x8a: {  	s0 =	sadd.s32 @!p1 s9, s22;
	[sflag:s20] =	ssyncset.done $0x0  }
0x8b: {  	s1 =	simm.s32 @!p1 $0x13980;
	s25 =	simm.s32 @!p1 $0x0;
	[sflag:s20] =	ssyncadd.s32 $0xFFFFD800  }
0x8c: {  	[tilespmem:s1], [sflag:$0x9] =	stream.linear.gather @!p1 [hbm4b:s0+s25], $0x50, $0x38;
	[tilespmem:$0x1B380] =	vst v63  }
0x8d: {  	s0 =	sadd.s32 @!p1 s9, s21;
	s1 =	simm.s32 @!p1 $0x13B00  }
0x8e: {  	[tilespmem:s1], [sflag:$0x9] =	stream.linear.gather @!p1 [hbm4b:s0+s25], $0x50, $0x38;
	[tilespmem:$0x1B380] =	vst v63  }
0x8f: {  	_ =	swait.ge [sflag:s7], $0x50  }
0x90: {  	[sflag:s7] =	ssyncset.done $0x0  }
0x91: {  	[sflag:s7] =	ssyncadd.s32 $0xFFFFFFB0  }
0x92: {  	_ =	swait.ge [sflag:s7], $0x50  }
0x93: {  	[sflag:s7] =	ssyncset.done $0x0  }
0x94: {  	[sflag:s7] =	ssyncadd.s32 $0xFFFFFFB0  }
0x95: {  	[tilespmem:s10], [sflag:$0x1] =	stream.indirect.gather [hbm4b:s4+s8], $0x80, s28, s8, $0xb8;
	[tilespmem:$0x1B380] =	vst v63  }
0x96: {  	_ =	swait.ge [sflag:s11], $0x50  }
0x97: {  	[sflag:s11] =	ssyncset.done $0x0  }
.Ltmp2:
0x98: {  	[sflag:s11] =	ssyncadd.s32 $0xFFFFFFB0;
	(pc) =	sbr.rel @p1 .LBB2_4-.Ltmp2, $4  }
0x99: {  	_ =	swait.ge [sflag:s11], $0x50  }
0x9a: {  	[sflag:s11] =	ssyncset.done $0x0  }
0x9b: {  	[sflag:s11] =	ssyncadd.s32 $0xFFFFFFB0  }
0x9c: {  	[tilespmem:s12], [sflag:$0x2] =	stream.indirect.gather [hbm4b:s4+s8], $0x80, s30, s8, $0xb8;
	[tilespmem:$0x1B380] =	vst v63  }
0x9d: {  	_ =	swait.ge [sflag:s13], $0x50  }
0x9e: {  	[sflag:s13] =	ssyncset.done $0x0  }
.Ltmp3:
0x9f: {  	[sflag:s13] =	ssyncadd.s32 $0xFFFFFFB0;
	(pc) =	sbr.rel .LBB2_2-.Ltmp3, $4  }
0xa0: {  	_ =	swait.ge [sflag:s13], $0x50  }
0xa1: {  	s0 =	simm.s32 $0x13980;
	[sflag:s13] =	ssyncset.done $0x0  }
0xa2: {  	s9 =	sadd.s32 $0x1E, s9;
	s26 =	sadd.s32 $0xF0, s26;
	[sflag:s13] =	ssyncadd.s32 $0xFFFFFFB0  }
0xa3: {  	[tilespmem:s14], [sflag:$0x3] =	stream.indirect.gather [hbm4b:s4+s8], $0x80, s0, s8, $0xb8;
	[tilespmem:$0x1B380] =	vst v63  }
.LBB2_5:
0xa4: {  	_ =	sfence.sel $0x180000  }
0xa5: {  	[bflag:$0x0] =	sbarrier.arrive $0xFFFF  }
0xa6: {  	_ =	strace $0x9000004A  }
0xa7: {  	s0 =	stileid.u32;
	[bflag:$0x2] =	sbarrier.arrive $0xFFFF  }
0xa8: {  	p0 =	sne.s32 s0, $0x0;
	s0 =	rddreg [dreg:$0x2]  }
0xa9: {  	s0 =	sadd.s32 @!p0 $0x100000, s0  }
0xaa: {  	[sflag:s0] =	ssyncadd.tile.s32 @!p0 $0x1;
	_ =	shalt  }
.Lfunc_end2:
_tile_overlayer_lowered:
.L_overlay_start_2:
0xab: {  	(tag) =	ssettag $0x2  }
0xac: {  	s0 =	rddreg [dreg:$0x0];
	s2 =	stileid.u32  }
0xad: {  	s1 =	rddreg [dreg:$0x1];
	p0 =	sne.s32 s2, $0x0  }
0xae: {  	s3 =	rddreg [dreg:$0x2];
	[bflag:$0x3] =	sbarrier.arrive $0xFFFF;
	s2 =	simm.s32 @!p0 $0x1C0A  }
0xaf: {  	[timem:s3], [sflag:s2] =	dma.local @!p0 [hbm:s0], s1  }
0xb0: {  	s0 =	simm.s32 @!p0 $0xA  }
0xb1: {  	_ =	swait.ge @!p0 [sflag:s0], s1  }
0xb2: {  	s1 =	ssub.s32 @!p0 $0x0, s1;
	[sflag:s0] =	ssyncset.done @!p0 $0x0  }
0xb3: {  	[sflag:s0] =	ssyncadd.s32 @!p0 s1  }
0xb4: {  	[bflag:$0x3] =	sbarrier.arrive $0xFFFF  }
0xb5: {  	_ =	shalt  }

// kernel: kernel.18.cloned.1.call-start
scs
__scs_entry_jumppad:
0x0: {  	(pc) =	sbr.rel $0x88, $3  }
0x1: {  	(tag) =	ssettag $0x0;
	lr =	simm.s32 $0x1  }
0x2: {  	[smem:$0x3F88] =	sst lr;
	_ =	strace $0xD0000000  }
0x3: {  	_ = 	snop  }
0x4: {  	_ = 	snop  }
0x5: {  	_ = 	snop  }
0x6: {  	_ = 	snop  }
0x7: {  	_ = 	snop  }
__scs_overlays_trampoline_lowered:
0x8: {  	[smem:$0x3F97] =	sst s0  }
0x9: {  	[smem:$0x3F98] =	sst s1  }
0xa: {  	[smem:$0x3F99] =	sst s2  }
0xb: {  	[smem:$0x3F9A] =	sst s3  }
0xc: {  	[smem:$0x3F9B] =	sst s4  }
0xd: {  	[smem:$0x3F9C] =	sst s5  }
0xe: {  	[smem:$0x3F9D] =	sst s6  }
0xf: {  	[smem:$0x3F9E] =	sst s7  }
0x10: {  	[smem:$0x3F9F] =	sst s8  }
0x11: {  	[smem:$0x3FA0] =	sst s9;
	s0 =	simm.s32 @!p0 $0x0  }
0x12: {  	s1 =	sld [smem:$0x3F86];
	s0 =	simm.s32 @p0 $0x1  }
0x13: {  	[smem:$0x3FA1] =	sst s0;
	s0 =	simm.s32 @!p1 $0x0  }
0x14: {  	s2 =	sld [smem:$0x3F85];
	s0 =	simm.s32 @p1 $0x1  }
0x15: {  	[smem:$0x3FA2] =	sst s0;
	s0 =	simm.s32 @!p2 $0x0  }
0x16: {  	s3 =	sld [smem:$0x3FDB];
	s0 =	simm.s32 @p2 $0x1  }
0x17: {  	s4 =	simm.s32 $0x1BF5;
	[smem:$0x3FA4] =	sst s0  }
0x18: {  	s0 =	sld [smem:$0x3F87];
	_ =	swait.ge [sflag:s4], $0x0  }
0x19: {  	s7 =	sld [smem:$0x3F88]  }
0x1a: {  	s8 =	sadd.s32 $0xFFFFE003, lr  }
0x1b: {  	s9 =	sadd.s32 $0xFFFFFEF7, lr;
	s5 =	simm.s32 $0xFFFFFFFF;
	p2 =	slt.u32 s8, $0xFFFFF086  }
0x1c: {  	p1 =	slt.u32 s9, $0xF7A;
	s5 =	simm.s32 @!p2 $0x0  }
0x1d: {  	s5 =	simm.s32 @p1 $0x1;
	p0 =	seq.s32 s7, s2  }
0x1e: {  	s7 =	smul.u32 @!p0 $0xF7A, s2;
	p2 =	seq.s32 @!p0 s5, $0x0  }
0x1f: {  	s9 =	smul.u32 $0xF7A, s1;
	s8 =	simm.s32 @!p0 $0x1BF5;
	p2 =	por !p2, p0  }
0x20: {  	[sflag:s8] =	ssyncset.s32 @!p0 $0xFFFFF086;
	s6 =	sadd.s32 @!p0 s3, s7;
	s7 =	simm.s32 @!p0 $0x108  }
0x21: {  	s3 =	sadd.s32 s3, s9;
	s6 =	sadd.s32 @!p0 $0x88, s6;
	s7 =	simm.s32 @p2 $0x1082  }
0x22: {  	[simem:s7], [sflag:s8] =	dma.local @!p0 [hbm:s6], $0xF7A  }
0x23: {  	s9 =	sor.u32 $0xD0000000, s2;
	s6 =	simm.s32 $0x108;
	_ =	swait.ge @!p0 [sflag:s8], $0x0  }
0x24: {  	s3 =	sadd.s32 $0x88, s3;
	s6 =	simm.s32 @!p1 $0x1082;
	[sflag:s4] =	ssyncset.s32 $0xFFFFF086  }
0x25: {  	[simem:s6], [sflag:s4] =	dma.local [hbm:s3], $0xF7A  }
0x26: {  	[smem:$0x3F88] =	sst s1;
	(tag) =	ssettag s2;
	_ =	strace s9  }
0x27: {  	s1 =	sld [smem:$0x3F98]  }
0x28: {  	s2 =	sld [smem:$0x3F99]  }
0x29: {  	s4 =	sld [smem:$0x3F9B]  }
0x2a: {  	p0 =	seq.s32 s5, $0x0;
	s5 =	sld [smem:$0x3F9C]  }
0x2b: {  	s6 =	sld [smem:$0x3F9D]  }
0x2c: {  	s7 =	sld [smem:$0x3F9E]  }
0x2d: {  	s3 =	simm.s32 $0x108;
	s8 =	sld [smem:$0x3F9F]  }
0x2e: {  	s3 =	simm.s32 @!p0 $0x1082;
	s9 =	sld [smem:$0x3FA0]  }
0x2f: {  	lr =	sadd.s32 s0, s3;
	s0 =	sld [smem:$0x3F97]  }
0x30: {  	s3 =	sld [smem:$0x3F9A]  }
0x31: {  	[smem:$0x3FA3] =	sst s10  }
0x32: {  	s10 =	sld [smem:$0x3FA1];
	_ =	sdelay $0x3  }
0x33: {  	p0 =	seq.s32 s10, $0x1;
	s10 =	sld [smem:$0x3FA3];
	_ =	sdelay $0x3  }
0x34: {  	[smem:$0x3FA3] =	sst s10  }
0x35: {  	s10 =	sld [smem:$0x3FA2];
	_ =	sdelay $0x3  }
0x36: {  	p1 =	seq.s32 s10, $0x1;
	s10 =	sld [smem:$0x3FA3];
	_ =	sdelay $0x3  }
0x37: {  	[smem:$0x3FA3] =	sst s10  }
0x38: {  	s10 =	sld [smem:$0x3FA4]  }
0x39: {  	_ = 	snop;
	(pc) =	sbr.ind lr, $3  }
0x3a: {  	_ = 	snop  }
0x3b: {  	_ = 	snop  }
0x3c: {  	p2 =	seq.s32 s10, $0x1;
	s10 =	sld [smem:$0x3FA3]  }
0x3d: {  	_ =	shalt  }
0x3e: {  	_ =	shalt  }
0x3f: {  	_ =	shalt  }
0x40: {  	_ =	shalt  }
0x41: {  	_ =	shalt  }
0x42: {  	_ =	shalt  }
0x43: {  	_ =	shalt  }
0x44: {  	_ =	shalt  }
0x45: {  	_ =	shalt  }
0x46: {  	_ =	shalt  }
0x47: {  	_ =	shalt  }
0x48: {  	_ =	shalt  }
0x49: {  	_ =	shalt  }
0x4a: {  	_ =	shalt  }
0x4b: {  	_ =	shalt  }
0x4c: {  	_ =	shalt  }
0x4d: {  	_ =	shalt  }
0x4e: {  	_ =	shalt  }
0x4f: {  	_ =	shalt  }
0x50: {  	_ =	shalt  }
0x51: {  	_ =	shalt  }
0x52: {  	_ =	shalt  }
0x53: {  	_ =	shalt  }
0x54: {  	_ =	shalt  }
0x55: {  	_ =	shalt  }
0x56: {  	_ =	shalt  }
0x57: {  	_ =	shalt  }
0x58: {  	_ =	shalt  }
0x59: {  	_ =	shalt  }
0x5a: {  	_ =	shalt  }
0x5b: {  	_ =	shalt  }
0x5c: {  	_ =	shalt  }
0x5d: {  	_ =	shalt  }
0x5e: {  	_ =	shalt  }
0x5f: {  	_ =	shalt  }
0x60: {  	_ =	shalt  }
0x61: {  	_ =	shalt  }
0x62: {  	_ =	shalt  }
0x63: {  	_ =	shalt  }
0x64: {  	_ =	shalt  }
0x65: {  	_ =	shalt  }
0x66: {  	_ =	shalt  }
0x67: {  	_ =	shalt  }
0x68: {  	_ =	shalt  }
0x69: {  	_ =	shalt  }
0x6a: {  	_ =	shalt  }
0x6b: {  	_ =	shalt  }
0x6c: {  	_ =	shalt  }
0x6d: {  	_ =	shalt  }
0x6e: {  	_ =	shalt  }
0x6f: {  	_ =	shalt  }
0x70: {  	_ =	shalt  }
0x71: {  	_ =	shalt  }
0x72: {  	_ =	shalt  }
0x73: {  	_ =	shalt  }
0x74: {  	_ =	shalt  }
0x75: {  	_ =	shalt  }
0x76: {  	_ =	shalt  }
0x77: {  	_ =	shalt  }
0x78: {  	_ =	shalt  }
0x79: {  	_ =	shalt  }
0x7a: {  	_ =	shalt  }
0x7b: {  	_ =	shalt  }
0x7c: {  	_ =	shalt  }
0x7d: {  	_ =	shalt  }
0x7e: {  	_ =	shalt  }
0x7f: {  	_ =	shalt  }
0x80: {  	_ =	shalt  }
0x81: {  	_ =	shalt  }
0x82: {  	_ =	shalt  }
0x83: {  	_ =	shalt  }
0x84: {  	_ =	shalt  }
0x85: {  	_ =	shalt  }
0x86: {  	_ =	shalt  }
0x87: {  	_ =	shalt  }
.Lfunc_end0:
.L_simem_size_0:
called_computation.2_lowered:
.L_overlay_start_0:
0x88: {  	s2 =	sld [smem:$0x3FD9]  }
0x89: {  	s3 =	sld [smem:$0x3FFE];
	_ =	sdelay $0x1  }
0x8a: {  	s1 =	srdreg.scid  }
0x8b: {  	s0 =	sand.u32 $0x1, s1  }
0x8c: {  	s16 =	sshll.u32 s0, $0xA;
	s2 =	sadd.s32 s3, s2  }
0x8d: {  	s2 =	sadd.s32 s2, s16  }
0x8e: {  	[smem:$0x3FAF] =	sst s2  }
0x8f: {  	_ = 	snop  }
0x90: {  	(tm) =	ssettm $0x1  }
0x91: {  	s17 =	sld [smem:$0x3FFB];
	_ =	sdelay $0x3  }
0x92: {  	_ =	strace s17  }
0x93: {  	s2 =	sld [smem:$0x3FFC];
	_ =	sdelay $0x3  }
0x94: {  	_ =	strace s2  }
0x95: {  	s2 =	sld [smem:$0x3FFD];
	_ =	sdelay $0x3  }
0x96: {  	_ =	strace s2  }
0x97: {  	_ =	strace $0x8FFFFFFF  }
0x98: {  	s18 =	sld [smem:$0x3FDB];
	_ =	sdelay $0x1  }
0x99: {  	s19 =	simm.s32 $_scs_section_size  }
0x9a: {  	s4 =	simm.s32 $_size__tile_overlayer_lowered;
	s5 =	simm.s32 $_tile_overlayer_lowered  }
0x9b: {  	s22 =	simm.s32 $0x1BFF;
	s21 =	sshll.u32 s5, $0x1;
	s2 =	sadd.s32 s19, s18  }
0x9c: {  	s6 =	simm.s32 $0x0;
	s20 =	sshll.u32 s4, $0x1;
	s4 =	sadd.s32 s21, s2  }
0x9d: {  	[timem:s6], [sflag:s22] =	dma.local [hbm:s4], s20  }
0x9e: {  	_ =	swait.ge [sflag:s22], s20  }
0x9f: {  	s3 =	ssub.s32 $0x0, s20;
	[sflag:s22] =	ssyncset.done $0x0  }
0xa0: {  	[sflag:s22] =	ssyncadd.s32 s3;
	_ =	sdelay $0x1  }
0xa1: {  	s23 =	simm.s32 $0x1B8B  }
0xa2: {  	_ =	swait.ge [sflag:s23], $0x1  }
0xa3: {  	[sflag:s23] =	ssyncset.done $0x0  }
0xa4: {  	s25 =	simm.s32 $0x1B8E;
	s24 =	sld [smem:$0x3FFE];
	[sflag:s23] =	ssyncadd.s32 $0xFFFFFFFF  }
0xa5: {  	s26 =	simm.s32 $execute0_lowered;
	[smem:$0x3FD2] =	sst s25  }
0xa6: {  	s4 =	sshll.u32 s26, $0x1;
	_ =	strace $0x8000004C;
	[dreg:$0x1] =	wrdreg $0xFFFFFFFF  }
0xa7: {  	s28 =	simm.s32 $_size_execute0_lowered;
	s2 =	sadd.s32 s2, s4;
	[dreg:$0x0] =	wrdreg $0x0  }
0xa8: {  	s4 =	sshll.u32 s28, $0x1;
	[dreg:$0x2] =	wrdreg s2  }
0xa9: {  	[dreg:$0x3] =	wrdreg s4  }
0xaa: {  	[dreg:$0x4] =	wrdreg $0xC0  }
0xab: {  	_ =	task [dreg:s6], $0x5FFFF  }
0xac: {  	[dreg:$0x1] =	wrdreg $0xFFFFFFFF  }
0xad: {  	[dreg:$0x0] =	wrdreg $0x60  }
0xae: {  	[dreg:$0x2] =	wrdreg s24  }
0xaf: {  	[dreg:$0x3] =	wrdreg $0x0  }
0xb0: {  	[dreg:$0x4] =	wrdreg $0x9  }
0xb1: {  	_ =	task.clear_ibuf [dreg:s6], $0x5FFFF;
	_ =	strace $0x9000004C  }
0xb2: {  	s29 =	simm.s32 $0x9;
	_ =	strace $0x8000004E  }
0xb3: {  	_ =	swait.ge [sflag:s29], $0x1  }
0xb4: {  	[sflag:s29] =	ssyncadd.s32 $0xFFFFFFFF  }
0xb5: {  	_ =	strace $0x9000004E  }
0xb6: {  	_ =	sfence  }
0xb7: {  	s30 =	sld [smem:$0x0];
	_ =	sdelay $0x2  }
0xb8: {  	s31 =	sshll.u32 s1, $0xD;
	s1 =	sshrl.u32 s1, $0x2  }
0xb9: {  	s3 =	sand.u32 $0x4000, s31;
	s1 =	sadd.s32 s1, s30  }
0xba: {  	s0 =	sor.u32 s3, s0;
	s1 =	sshll.u32 s1, $0x11  }
0xbb: {  	s0 =	sor.u32 s1, s0  }
0xbc: {  	s0 =	sadd.s32 $0x8F2B, s0  }
0xbd: {  	[sflag:s0] =	ssyncadd.remote.s32 $0x1  }
0xbe: {  	_ =	sfence.sel $0xFFFF  }
0xbf: {  	[dreg:$0x0] =	wrdreg $0xFFFFFFFF;
	(pc) =	sbr.abs _section_cstart, $3  }
0xc0: {  	[dreg:$0x1] =	wrdreg $0xFFFFFFFF  }
0xc1: {  	_ =	task.clear_ibuf [dreg:s6], $0x2FFFF;
	_ =	strace $0x9FFFFFFF  }
0xc2: {  	(tm) =	ssettm $0x7FFFFFFF  }
0xc3: {  	_ =	shalt  }
tec
execute0_lowered:
.L_overlay_start_1:
0x0: {  	(tag) =	ssettag $0x1  }
0x1: {  	s0 =	rddreg [dreg:$0x0]  }
0x2: {  	s2 =	rddreg [dreg:$0x1]  }
0x3: {  	s3 =	simm.s32 $0x0;
	s14 =	stileid.u32;
	s7 =	srdreg.scid  }
0x4: {  	s28 =	simm.s32 $0x13880;
	s29 =	simm.s32 $0x13A00;
	s30 =	simm.s32 $0x13900  }
0x5: {  	s31 =	simm.s32 $0x13A80;
	[smem:$0x7FF] =	sst s3;
	s1 =	smul.u32 $0x2700, s14  }
0x6: {  	s4 =	sadd.s32 $0x40800, s0;
	s15 =	sadd.s32 $0xF800, s0;
	s6 =	sadd.s32 $0x5A00, s0  }
0x7: {  	s7 =	sand.u32 $0x1, s7;
	s10 =	sshll.u32 s14, $0x1;
	s11 =	smul.u32 $0x4E000, s14  }
0x8: {  	s12 =	sadd.s32 $0x67A00, s0;
	s19 =	sshll.u32 s14, $0x6;
	s20 =	sadd.s32 $0x138000, s2  }
0x9: {  	s16 =	smul.u32 $0x4E20, s14;
	p0 =	sne.s32 s14, $0xF;
	s14 =	simm.s32 $0x18B80  }
0xa: {  	_ =	strace $0x8000004D;
	s9 =	ssub.s32 $0x2, s7;
	s23 =	smul.u32 $0x27100, s7  }
0xb: {  	s10 =	sor.u32 s7, s10;
	s25 =	sor.u32 $0x1C0A, s19;
	s26 =	smul.u32 $0x138800, s7  }
0xc: {  	[dreg:$0x6] =	wrdreg s20;
	s7 =	smul.u32 $0x2710, s7;
	s8 =	sadd.s32 s1, s0  }
0xd: {  	s13 =	sshrl.u32 s9, $0x1;
	s10 =	smul.u32 $0x2710, s10;
	s11 =	sshrl.u32 s11, $0x2  }
0xe: {  	s0 =	sadd.s32 $0x40600, s0;
	[dreg:$0x5] =	wrdreg s25;
	s9 =	ssub.s32 s9, s13  }
0xf: {  	s11 =	sadd.s32 s11, s2;
	s8 =	sadd.s32 $0x19600, s8;
	[dreg:$0x7] =	wrdreg s0  }
0x10: {  	s0 =	sadd.s32 s1, s23;
	s18 =	sshrl.u32 s26, $0x3;
	s20 =	sadd.s32 s7, s16  }
0x11: {  	s13 =	simm.s32 $0x9;
	s16 =	simm.s32 $0x2;
	[dreg:$0x3] =	wrdreg s11  }
0x12: {  	[dreg:$0x4] =	wrdreg s8;
	s21 =	sshrl.u32 s10, $0x3;
	s0 =	sadd.s32 s12, s0  }
0x13: {  	s19 =	sadd.s32 s12, s18;
	s23 =	sadd.s32 $0x190, s20;
	s7 =	sadd.s32 $0x140, s20  }
0x14: {  	s26 =	sadd.s32 $0xF0, s20;
	s11 =	simm.s32 $0x8;
	s12 =	simm.s32 $0x16380  }
0x15: {  	s18 =	simm.s32 $0x4;
	s20 =	simm.s32 $0x6;
	[dreg:$0xe] =	wrdreg s0  }
0x16: {  	s22 =	sadd.s32 s15, s21;
	s10 =	sadd.s32 s6, s21;
	[dreg:$0x11] =	wrdreg s26  }
0x17: {  	s24 =	sadd.s32 $0xA, s21;
	s8 =	sadd.s32 $0x14, s21;
	[dreg:$0x8] =	wrdreg s22  }
0x18: {  	s0 =	sadd.s32 $0x27000, s19;
	s7 =	sshrl.u32 s7, $0x3;
	[dreg:$0x9] =	wrdreg s10  }
0x19: {  	s19 =	simm.s32 $0x5;
	s5 =	sadd.s32 s15, s24;
	[dreg:$0xf] =	wrdreg s0  }
0x1a: {  	s26 =	simm.s32 $0x0;
	s10 =	sadd.s32 s6, s24;
	[dreg:$0xa] =	wrdreg s5  }
0x1b: {  	s17 =	sadd.s32 s15, s8;
	s8 =	sadd.s32 s6, s8;
	[dreg:$0xb] =	wrdreg s10  }
0x1c: {  	s24 =	smax.u32 s9, $0x1;
	s0 =	sshrl.u32 s23, $0x3;
	[dreg:$0xc] =	wrdreg s17  }
.Ltmp0:
0x1d: {  	s23 =	sadd.s32 s7, s6;
	[dreg:$0xd] =	wrdreg s8;
	(pc) =	sbr.rel .LBB2_1-.Ltmp0, $4  }
0x1e: {  	s9 =	simm.s32 $0xA;
	[dreg:$0x10] =	wrdreg s24;
	s21 =	sadd.s32 s0, s6  }
0x1f: {  	s22 =	sadd.s32 s0, s15;
	s5 =	smov.u32 s6;
	s6 =	smov.u32 s15  }
0x20: {  	s24 =	sadd.s32 s7, s15;
	s7 =	simm.s32 $0x7;
	s8 =	simm.s32 $0x50  }
0x21: {  	s10 =	simm.s32 $0x13B80;
	s15 =	simm.s32 $0x1;
	s17 =	simm.s32 $0x3  }
.LBB2_4:
0x22: {  	_ =	swait.ge [sflag:s15], $0x2800  }
0x23: {  	[sflag:s15] =	ssyncset.done $0x0  }
0x24: {  	[sflag:s15] =	ssyncadd.s32 $0xFFFFD800  }
0x25: {  	[spmem:s2] =	stream.indirect.scatter.add.f32 [tilespmem:s10], [sflag:$0x4], $0x80, s29, s8, $0xb8;
	[tilespmem:$0x1B380] =	vst v63  }
0x26: {  	_ =	swait.ge [sflag:s18], $0x2800  }
0x27: {  	[sflag:s18] =	ssyncset.done $0x0  }
0x28: {  	[sflag:s18] =	ssyncadd.s32 $0xFFFFD800  }
0x29: {  	_ =	swait.ge [sflag:s16], $0x2800  }
0x2a: {  	[sflag:s16] =	ssyncset.done $0x0  }
0x2b: {  	[sflag:s16] =	ssyncadd.s32 $0xFFFFD800  }
0x2c: {  	[spmem:s2] =	stream.indirect.scatter.add.f32 [tilespmem:s12], [sflag:$0x5], $0x80, s31, s8, $0xb8;
	[tilespmem:$0x1B380] =	vst v63  }
0x2d: {  	_ =	swait.ge [sflag:s19], $0x2800  }
0x2e: {  	[sflag:s19] =	ssyncset.done $0x0  }
0x2f: {  	[sflag:s19] =	ssyncadd.s32 $0xFFFFD800  }
0x30: {  	[bflag:$0x0] =	sbarrier.arrive $0xFFFF  }
0x31: {  	s25 =	rddreg [dreg:$0x5]  }
0x32: {  	s0 =	rddreg [dreg:$0xe]  }
0x33: {  	s9 =	simm.s32 $0xA;
	s1 =	rddreg [dreg:$0x13]  }
0x34: {  	[hbm:s0], [sflag:s25] =	dma.local [spmem:s1], $0x2700  }
0x35: {  	_ =	swait.ge [sflag:s9], $0x2700  }
0x36: {  	[sflag:s9] =	ssyncset.done $0x0;
	s0 =	rddreg [dreg:$0xf]  }
0x37: {  	s1 =	rddreg [dreg:$0x14];
	[sflag:s9] =	ssyncadd.s32 $0xFFFFD900  }
0x38: {  	[hbm:s0], [sflag:s25] =	dma.local @!p0 [spmem:s1], $0x100  }
0x39: {  	s0 =	simm.s32 @!p0 $0xA  }
0x3a: {  	_ =	swait.ge @!p0 [sflag:s0], $0x100  }
0x3b: {  	s26 =	rddreg [dreg:$0x12]  }
0x3c: {  	s1 =	rddreg [dreg:$0x10];
	s26 =	sadd.s32 $0x1, s26  }
0x3d: {  	p1 =	sne.s32 s26, s1  }
.Ltmp1:
0x3e: {  	_ = 	snop;
	(pc) =	sbr.rel @!p1 .LBB2_5-.Ltmp1, $3  }
0x3f: {  	_ =	sdelay $0x1  }
0x40: {  	[sflag:s0] =	ssyncset.done @!p0 $0x0  }
0x41: {  	[sflag:s0] =	ssyncadd.s32 @!p0 $0xFFFFFF00  }
.LBB2_1:
0x42: {  	[dreg:$0x12] =	wrdreg s26  }
0x43: {  	s0 =	rddreg [dreg:$0x3]  }
0x44: {  	s26 =	rddreg [dreg:$0x4];
	s1 =	sshrl.u32 s0, $0x3  }
0x45: {  	[dreg:$0x13] =	wrdreg s1  }
0x46: {  	[spmem:s1], [sflag:s25] =	dma.local [hbm:s26], $0x2700  }
0x47: {  	_ =	swait.ge [sflag:s9], $0x2700  }
0x48: {  	s0 =	rddreg [dreg:$0x6]  }
0x49: {  	[sflag:s9] =	ssyncset.done $0x0;
	s1 =	sshrl.u32 @!p0 s0, $0x3;
	s0 =	rddreg [dreg:$0x7]  }
0x4a: {  	[sflag:s9] =	ssyncadd.s32 $0xFFFFD900;
	s9 =	simm.s32 @!p0 $0xA;
	[dreg:$0x14] =	wrdreg s1  }
0x4b: {  	[spmem:s1], [sflag:s25] =	dma.local @!p0 [hbm:s0], $0x100  }
0x4c: {  	_ =	swait.ge @!p0 [sflag:s9], $0x100  }
0x4d: {  	[sflag:s9] =	ssyncset.done @!p0 $0x0  }
0x4e: {  	[sflag:s9] =	ssyncadd.s32 @!p0 $0xFFFFFF00  }
0x4f: {  	[bflag:$0x0] =	sbarrier.arrive $0xFFFF  }
0x50: {  	s9 =	rddreg [dreg:$0x8]  }
0x51: {  	[tilespmem:s28], [sflag:$0x7] =	stream.linear.gather [hbm4b:s9+s3], $0x50, $0x38;
	[tilespmem:$0x1B380] =	vst v63  }
0x52: {  	s25 =	rddreg [dreg:$0x9]  }
0x53: {  	[tilespmem:s29], [sflag:$0x7] =	stream.linear.gather [hbm4b:s25+s3], $0x50, $0x38;
	[tilespmem:$0x1B380] =	vst v63  }
0x54: {  	s26 =	rddreg [dreg:$0xa]  }
0x55: {  	[tilespmem:s30], [sflag:$0x8] =	stream.linear.gather [hbm4b:s26+s3], $0x50, $0x38;
	[tilespmem:$0x1B380] =	vst v63  }
0x56: {  	s1 =	rddreg [dreg:$0xb]  }
0x57: {  	[tilespmem:s31], [sflag:$0x8] =	stream.linear.gather [hbm4b:s1+s3], $0x50, $0x38;
	[tilespmem:$0x1B380] =	vst v63  }
0x58: {  	s9 =	rddreg [dreg:$0xc];
	s1 =	simm.s32 $0x13980  }
0x59: {  	[tilespmem:s1], [sflag:$0x9] =	stream.linear.gather [hbm4b:s9+s3], $0x50, $0x38;
	[tilespmem:$0x1B380] =	vst v63  }
0x5a: {  	s25 =	rddreg [dreg:$0xd];
	s26 =	simm.s32 $0x13B00  }
0x5b: {  	[tilespmem:s26], [sflag:$0x9] =	stream.linear.gather [hbm4b:s25+s3], $0x50, $0x38;
	[tilespmem:$0x1B380] =	vst v63  }
0x5c: {  	_ =	swait.ge [sflag:s7], $0x50  }
0x5d: {  	[sflag:s7] =	ssyncset.done $0x0  }
0x5e: {  	[sflag:s7] =	ssyncadd.s32 $0xFFFFFFB0  }
0x5f: {  	_ =	swait.ge [sflag:s7], $0x50  }
0x60: {  	[sflag:s7] =	ssyncset.done $0x0  }
0x61: {  	[sflag:s7] =	ssyncadd.s32 $0xFFFFFFB0  }
0x62: {  	[tilespmem:s10], [sflag:$0x1] =	stream.indirect.gather [hbm4b:s4+s8], $0x80, s28, s8, $0xb8;
	[tilespmem:$0x1B380] =	vst v63  }
0x63: {  	_ =	swait.ge [sflag:s11], $0x50  }
0x64: {  	[sflag:s11] =	ssyncset.done $0x0  }
0x65: {  	[sflag:s11] =	ssyncadd.s32 $0xFFFFFFB0  }
0x66: {  	_ =	swait.ge [sflag:s11], $0x50  }
0x67: {  	[sflag:s11] =	ssyncset.done $0x0  }
0x68: {  	[sflag:s11] =	ssyncadd.s32 $0xFFFFFFB0  }
0x69: {  	[tilespmem:s12], [sflag:$0x2] =	stream.indirect.gather [hbm4b:s4+s8], $0x80, s30, s8, $0xb8;
	[tilespmem:$0x1B380] =	vst v63  }
0x6a: {  	_ =	swait.ge [sflag:s13], $0x50  }
0x6b: {  	[sflag:s13] =	ssyncset.done $0x0  }
0x6c: {  	[sflag:s13] =	ssyncadd.s32 $0xFFFFFFB0  }
0x6d: {  	_ =	swait.ge [sflag:s13], $0x50  }
0x6e: {  	[sflag:s13] =	ssyncset.done $0x0  }
0x6f: {  	s9 =	simm.s32 $0x0;
	s26 =	rddreg [dreg:$0x11];
	[sflag:s13] =	ssyncadd.s32 $0xFFFFFFB0  }
0x70: {  	[tilespmem:s14], [sflag:$0x3] =	stream.indirect.gather [hbm4b:s4+s8], $0x80, s1, s8, $0xb8;
	[tilespmem:$0x1B380] =	vst v63  }
.LBB2_2:
0x71: {  	_ =	swait.ge [sflag:s15], $0x2800  }
0x72: {  	[sflag:s15] =	ssyncset.done $0x0  }
0x73: {  	[sflag:s15] =	ssyncadd.s32 $0xFFFFD800  }
0x74: {  	[spmem:s2] =	stream.indirect.scatter.add.f32 [tilespmem:s10], [sflag:$0x4], $0x80, s29, s8, $0xb8;
	[tilespmem:$0x1B380] =	vst v63  }
0x75: {  	_ =	swait.ge [sflag:s16], $0x2800  }
0x76: {  	[sflag:s16] =	ssyncset.done $0x0  }
0x77: {  	[sflag:s16] =	ssyncadd.s32 $0xFFFFD800  }
0x78: {  	[spmem:s2] =	stream.indirect.scatter.add.f32 [tilespmem:s12], [sflag:$0x5], $0x80, s31, s8, $0xb8;
	[tilespmem:$0x1B380] =	vst v63  }
0x79: {  	_ =	swait.ge [sflag:s17], $0x2800  }
0x7a: {  	[sflag:s17] =	ssyncset.done $0x0  }
0x7b: {  	s0 =	simm.s32 $0x13B00;
	[sflag:s17] =	ssyncadd.s32 $0xFFFFD800  }
0x7c: {  	[spmem:s2] =	stream.indirect.scatter.add.f32 [tilespmem:s14], [sflag:$0x6], $0x80, s0, s8, $0xb8;
	[tilespmem:$0x1B380] =	vst v63  }
0x7d: {  	_ =	swait.ge [sflag:s18], $0x2800  }
0x7e: {  	s25 =	sshrl.u32 s26, $0x3;
	[sflag:s18] =	ssyncset.done $0x0  }
0x7f: {  	s1 =	sadd.s32 s6, s25;
	[sflag:s18] =	ssyncadd.s32 $0xFFFFD800  }
0x80: {  	[tilespmem:s28], [sflag:$0x7] =	stream.linear.gather [hbm4b:s1+s3], $0x50, $0x38;
	[tilespmem:$0x1B380] =	vst v63  }
0x81: {  	s25 =	sadd.s32 s5, s25  }
0x82: {  	[tilespmem:s29], [sflag:$0x7] =	stream.linear.gather [hbm4b:s25+s3], $0x50, $0x38;
	[tilespmem:$0x1B380] =	vst v63  }
0x83: {  	_ =	swait.ge [sflag:s19], $0x2800  }
0x84: {  	[sflag:s19] =	ssyncset.done $0x0  }
0x85: {  	s1 =	sadd.s32 s9, s24;
	[sflag:s19] =	ssyncadd.s32 $0xFFFFD800  }
0x86: {  	[tilespmem:s30], [sflag:$0x8] =	stream.linear.gather [hbm4b:s1+s3], $0x50, $0x38;
	[tilespmem:$0x1B380] =	vst v63  }
0x87: {  	s25 =	sadd.s32 s9, s23  }
0x88: {  	[tilespmem:s31], [sflag:$0x8] =	stream.linear.gather [hbm4b:s25+s3], $0x50, $0x38;
	[tilespmem:$0x1B380] =	vst v63  }
0x89: {  	p1 =	seq.s32 s9, $0x4B0;
	_ =	swait.ge [sflag:s20], $0x2800  }
0x8a: {  	s0 =	sadd.s32 @!p1 s9, s22;
	[sflag:s20] =	ssyncset.done $0x0  }
0x8b: {  	s1 =	simm.s32 @!p1 $0x13980;
	s25 =	simm.s32 @!p1 $0x0;
	[sflag:s20] =	ssyncadd.s32 $0xFFFFD800  }
0x8c: {  	[tilespmem:s1], [sflag:$0x9] =	stream.linear.gather @!p1 [hbm4b:s0+s25], $0x50, $0x38;
	[tilespmem:$0x1B380] =	vst v63  }
0x8d: {  	s0 =	sadd.s32 @!p1 s9, s21;
	s1 =	simm.s32 @!p1 $0x13B00  }
0x8e: {  	[tilespmem:s1], [sflag:$0x9] =	stream.linear.gather @!p1 [hbm4b:s0+s25], $0x50, $0x38;
	[tilespmem:$0x1B380] =	vst v63  }
0x8f: {  	_ =	swait.ge [sflag:s7], $0x50  }
0x90: {  	[sflag:s7] =	ssyncset.done $0x0  }
0x91: {  	[sflag:s7] =	ssyncadd.s32 $0xFFFFFFB0  }
0x92: {  	_ =	swait.ge [sflag:s7], $0x50  }
0x93: {  	[sflag:s7] =	ssyncset.done $0x0  }
0x94: {  	[sflag:s7] =	ssyncadd.s32 $0xFFFFFFB0  }
0x95: {  	[tilespmem:s10], [sflag:$0x1] =	stream.indirect.gather [hbm4b:s4+s8], $0x80, s28, s8, $0xb8;
	[tilespmem:$0x1B380] =	vst v63  }
0x96: {  	_ =	swait.ge [sflag:s11], $0x50  }
0x97: {  	[sflag:s11] =	ssyncset.done $0x0  }
.Ltmp2:
0x98: {  	[sflag:s11] =	ssyncadd.s32 $0xFFFFFFB0;
	(pc) =	sbr.rel @p1 .LBB2_4-.Ltmp2, $4  }
0x99: {  	_ =	swait.ge [sflag:s11], $0x50  }
0x9a: {  	[sflag:s11] =	ssyncset.done $0x0  }
0x9b: {  	[sflag:s11] =	ssyncadd.s32 $0xFFFFFFB0  }
0x9c: {  	[tilespmem:s12], [sflag:$0x2] =	stream.indirect.gather [hbm4b:s4+s8], $0x80, s30, s8, $0xb8;
	[tilespmem:$0x1B380] =	vst v63  }
0x9d: {  	_ =	swait.ge [sflag:s13], $0x50  }
0x9e: {  	[sflag:s13] =	ssyncset.done $0x0  }
.Ltmp3:
0x9f: {  	[sflag:s13] =	ssyncadd.s32 $0xFFFFFFB0;
	(pc) =	sbr.rel .LBB2_2-.Ltmp3, $4  }
0xa0: {  	_ =	swait.ge [sflag:s13], $0x50  }
0xa1: {  	s0 =	simm.s32 $0x13980;
	[sflag:s13] =	ssyncset.done $0x0  }
0xa2: {  	s9 =	sadd.s32 $0x1E, s9;
	s26 =	sadd.s32 $0xF0, s26;
	[sflag:s13] =	ssyncadd.s32 $0xFFFFFFB0  }
0xa3: {  	[tilespmem:s14], [sflag:$0x3] =	stream.indirect.gather [hbm4b:s4+s8], $0x80, s0, s8, $0xb8;
	[tilespmem:$0x1B380] =	vst v63  }
.LBB2_5:
0xa4: {  	_ =	sfence.sel $0x180000  }
0xa5: {  	[bflag:$0x0] =	sbarrier.arrive $0xFFFF  }
0xa6: {  	_ =	strace $0x9000004D  }
0xa7: {  	s0 =	stileid.u32;
	[bflag:$0x2] =	sbarrier.arrive $0xFFFF  }
0xa8: {  	p0 =	sne.s32 s0, $0x0;
	s0 =	rddreg [dreg:$0x2]  }
0xa9: {  	s0 =	sadd.s32 @!p0 $0x100000, s0  }
0xaa: {  	[sflag:s0] =	ssyncadd.tile.s32 @!p0 $0x1;
	_ =	shalt  }
.Lfunc_end2:
_tile_overlayer_lowered:
.L_overlay_start_2:
0xab: {  	(tag) =	ssettag $0x2  }
0xac: {  	s0 =	rddreg [dreg:$0x0];
	s2 =	stileid.u32  }
0xad: {  	s1 =	rddreg [dreg:$0x1];
	p0 =	sne.s32 s2, $0x0  }
0xae: {  	s3 =	rddreg [dreg:$0x2];
	[bflag:$0x3] =	sbarrier.arrive $0xFFFF;
	s2 =	simm.s32 @!p0 $0x1C0A  }
0xaf: {  	[timem:s3], [sflag:s2] =	dma.local @!p0 [hbm:s0], s1  }
0xb0: {  	s0 =	simm.s32 @!p0 $0xA  }
0xb1: {  	_ =	swait.ge @!p0 [sflag:s0], s1  }
0xb2: {  	s1 =	ssub.s32 @!p0 $0x0, s1;
	[sflag:s0] =	ssyncset.done @!p0 $0x0  }
0xb3: {  	[sflag:s0] =	ssyncadd.s32 @!p0 s1  }
0xb4: {  	[bflag:$0x3] =	sbarrier.arrive $0xFFFF  }
0xb5: {  	_ =	shalt  }

</sc_bundles>
